<compile_context>
chip_gen: v7x
topology: tpu7x:2x2x1
jax: 0.10.2.dev20260603
libtpu: 0.0.44.dev20260713+nightly
codegen_flags: <defaults>
</compile_context>

<pallas_src>
import functools

import jax
import jax.numpy as jnp
from jax import lax
from jax.experimental import pallas as pl
from jax.experimental.pallas import tpu as pltpu
from jax.experimental.pallas import tpu_sc as plsc

H = 64
W = 64
L = H * W
CIN = 64
QCH = 16
TOPK5 = 5
LB_B = 512
GW = 640
MARG = 128
NEG = -3.0e38
OFFS = [(di, dj) for di in (-1, 0, 1) for dj in (-1, 0, 1)]


def _wflat(w):
    o, i = w.shape[0], w.shape[1]
    return w.transpose(2, 3, 1, 0).reshape(9 * i, o)


def _unfold_from_cat(cat, base, lb, yy, xx, c):
    cols = []
    for di, dj in OFFS:
        start = lb + 64 * di + dj
        sh = cat[start:start + lb, :]
        valid = ((yy + di) >= 0) & ((yy + di) < H) & \
                ((xx + dj) >= 0) & ((xx + dj) < W)
        cols.append(jnp.where(valid, sh, 0.0))
    return jnp.concatenate(cols, axis=1)


def _unfold_full(v, c, yy, xx):
    z = jnp.zeros((128, c), jnp.float32)
    cat = jnp.concatenate([z, v, z], axis=0)
    cols = []
    for di, dj in OFFS:
        start = 128 + 64 * di + dj
        sh = cat[start:start + L, :]
        valid = ((yy + di) >= 0) & ((yy + di) < H) & \
                ((xx + dj) >= 0) & ((xx + dj) < W)
        cols.append(jnp.where(valid, sh, 0.0))
    return jnp.concatenate(cols, axis=1)


def _stage_a_body(x_ref, wall_ref, ball_ref, w2_ref, b2_ref,
                  feat_ref, qn_ref, kn_ref, xu_ref):
    x2 = x_ref[...]
    yy = lax.broadcasted_iota(jnp.int32, (L, 1), 0) // W
    xx = lax.broadcasted_iota(jnp.int32, (L, 1), 0) % W
    xu = _unfold_full(x2, CIN, yy, xx)
    xu_ref[...] = jnp.concatenate(
        [xu, jnp.zeros((L, GW - 9 * CIN), jnp.float32)], axis=1)
    hqk = jnp.dot(xu, wall_ref[...],
                  preferred_element_type=jnp.float32) + ball_ref[...]
    h1 = jnp.maximum(hqk[:, :CIN], 0.0)
    q = hqk[:, CIN:CIN + QCH]
    k = hqk[:, CIN + QCH:CIN + 2 * QCH]
    h1u = _unfold_full(h1, CIN, yy, xx)
    f = jnp.dot(h1u, w2_ref[...], preferred_element_type=jnp.float32)
    feat_ref[...] = jnp.maximum(f + b2_ref[...], 0.0)
    qu = _unfold_full(q, QCH, yy, xx)
    qn_ref[...] = qu * lax.rsqrt(
        jnp.maximum(jnp.sum(qu * qu, axis=1, keepdims=True), 1e-24))
    ku = _unfold_full(k, QCH, yy, xx)
    kn_ref[...] = ku * lax.rsqrt(
        jnp.maximum(jnp.sum(ku * ku, axis=1, keepdims=True), 1e-24))


def _stage_b_body(qn_ref, kn_ref, vals_ref, idxs_ref):
    r = lax.dot_general(qn_ref[...], kn_ref[...], (((1,), (1,)), ((), ())),
                        preferred_element_type=jnp.float32)
    iota = lax.broadcasted_iota(jnp.int32, (LB_B, L), 1)
    vs, ids = [], []
    for _ in range(TOPK5):
        m = jnp.max(r, axis=1, keepdims=True)
        idx = jnp.min(jnp.where(r == m, iota, L), axis=1, keepdims=True)
        vs.append(m)
        ids.append(idx)
        r = jnp.where(iota == idx, NEG, r)
    vals_ref[...] = jnp.concatenate(
        vs + [jnp.zeros((LB_B, 3), jnp.float32)], axis=1)
    idxs_ref[...] = jnp.concatenate(
        ids + [jnp.zeros((LB_B, 3), jnp.int32)], axis=1)


def _stage_d_body(g_ref, vals_ref, x_ref, feat_ref, out_ref):
    t = pl.program_id(0)
    yy = lax.broadcasted_iota(jnp.int32, (L, 1), 0) // W
    xx = lax.broadcasted_iota(jnp.int32, (L, 1), 0) % W
    lane = lax.broadcasted_iota(jnp.int32, (L, 8), 1)
    s = jnp.sum(jnp.where(lane == t + 1, vals_ref[...], 0.0),
                axis=1, keepdims=True)
    contrib = jnp.zeros((L, CIN), jnp.float32)
    for di, dj in OFFS:
        kap = (di + 1) * 3 + (dj + 1)
        start = MARG - 64 * di - dj
        sh = g_ref[0, start:start + L, kap * CIN:(kap + 1) * CIN]
        valid = ((yy - di) >= 0) & ((yy - di) < H) & \
                ((xx - dj) >= 0) & ((xx - dj) < W)
        contrib = contrib + jnp.where(valid, sh, 0.0)
    acc = s * contrib * (1.0 / 36.0)

    @pl.when(t == 0)
    def _():
        out_ref[...] = x_ref[...] + feat_ref[...] + acc

    @pl.when(t > 0)
    def _():
        out_ref[...] = out_ref[...] + acc


def _gather_rows(table, idx_flat):
    info = plsc.get_sparse_core_info()
    nw = info.num_cores * info.num_subcores
    n = idx_flat.shape[0]
    d = table.shape[1]
    per_w = n // nw
    ch = 128
    mesh = plsc.VectorSubcoreMesh(core_axis_name="c", subcore_axis_name="s")

    @functools.partial(
        pl.kernel, mesh=mesh,
        out_type=jax.ShapeDtypeStruct((4, L + 2 * MARG, d), jnp.float32),
        scratch_types=[
            pltpu.VMEM((ch,), jnp.int32),
            pltpu.VMEM((ch, d), jnp.float32),
            pltpu.SemaphoreType.DMA,
        ],
    )
    def k(table_hbm, idx_hbm, out_hbm, idx_v, rows_v, sem):
        wid = lax.axis_index("s") * info.num_cores + lax.axis_index("c")
        base = wid * per_w
        t = base // L
        lbase = base % L
        for c in range(per_w // ch):
            pltpu.sync_copy(idx_hbm.at[pl.ds(base + c * ch, ch)], idx_v)
            pltpu.async_copy(table_hbm.at[idx_v], rows_v, sem).wait()
            pltpu.sync_copy(
                rows_v, out_hbm.at[t, pl.ds(MARG + lbase + c * ch, ch)])

    return k(table, idx_flat)


def kernel(x, Wf1, bf1, Wf2, bf2, Wq, bq, Wk, bk):
    x2d = x.reshape(CIN, L).T
    wall = jnp.concatenate([_wflat(Wf1), _wflat(Wq), _wflat(Wk)], axis=1)
    ball = jnp.concatenate([bf1, bq, bk]).reshape(1, CIN + 2 * QCH)
    w2 = _wflat(Wf2)
    b2 = bf2.reshape(1, CIN)

    feat, qn, kn, xu_p = pl.pallas_call(
        _stage_a_body,
        out_shape=[
            jax.ShapeDtypeStruct((L, CIN), jnp.float32),
            jax.ShapeDtypeStruct((L, 9 * QCH), jnp.float32),
            jax.ShapeDtypeStruct((L, 9 * QCH), jnp.float32),
            jax.ShapeDtypeStruct((L, GW), jnp.float32),
        ],
    )(x2d, wall, ball, w2, b2)

    nb = L // LB_B
    cur = lambda i: (i, 0)
    vals, idxs = pl.pallas_call(
        _stage_b_body,
        grid=(nb,),
        in_specs=[
            pl.BlockSpec((LB_B, 9 * QCH), cur),
            pl.BlockSpec((L, 9 * QCH), lambda i: (0, 0)),
        ],
        out_specs=[
            pl.BlockSpec((LB_B, 8), cur),
            pl.BlockSpec((LB_B, 8), cur),
        ],
        out_shape=[
            jax.ShapeDtypeStruct((L, 8), jnp.float32),
            jax.ShapeDtypeStruct((L, 8), jnp.int32),
        ],
    )(qn, kn)

    idx_flat = idxs[:, 1:TOPK5].T.reshape(4 * L)
    g = _gather_rows(xu_p, idx_flat)

    yt = pl.pallas_call(
        _stage_d_body,
        grid=(4,),
        in_specs=[
            pl.BlockSpec((1, L + 2 * MARG, GW), lambda t: (t, 0, 0)),
            pl.BlockSpec((L, 8), lambda t: (0, 0)),
            pl.BlockSpec((L, CIN), lambda t: (0, 0)),
            pl.BlockSpec((L, CIN), lambda t: (0, 0)),
        ],
        out_specs=pl.BlockSpec((L, CIN), lambda t: (0, 0)),
        out_shape=jax.ShapeDtypeStruct((L, CIN), jnp.float32),
    )(g, vals, x2d, feat)

    return yt.T.reshape(1, CIN, H, W)

# --- scband reference (transcript-rebuilt; emitter-appended) ---
"""Pipeline reference for scband-transformer-v2-53060025975283 (READ-ONLY COPY).

The authoritative reference and input builder live on the scoring server;
editing this copy changes nothing except your own understanding.
"""

import jax, jax.numpy as jnp
import numpy as np

IN_C = 64
QC = 16
TOPK = 5
B, H, W = 1, 64, 64


def conv2d(x, w, b):
    out = jax.lax.conv_general_dilated(x, w, (1, 1), 'SAME', dimension_numbers=('NCHW', 'OIHW', 'NCHW'))
    return out + b[None, :, None, None]


def unfold3(x):
    b, c, h, w = x.shape
    xp = jnp.pad(x, ((0, 0), (0, 0), (1, 1), (1, 1)))
    patches = jnp.stack([xp[:, :, i:i + h, j:j + w] for i in range(3) for j in range(3)], axis=2)
    return patches.reshape(b, c * 9, h * w)


def fold3(u, h, w):
    b, c9, l = u.shape
    c = c9 // 9
    p = u.reshape(b, c, 3, 3, h, w)
    out = jnp.zeros((b, c, h + 2, w + 2), u.dtype)
    for i in range(3):
        for j in range(3):
            out = out.at[:, :, i:i + h, j:j + w].add(p[:, :, i, j])
    return out[:, :, 1:h + 1, 1:w + 1]


def setup_inputs(seed: int = 0):
    key = jax.random.key(seed)
    ks = jax.random.split(key, 9)
    x = jax.random.normal(ks[0], (B, IN_C, H, W), jnp.float32)
    Wf1 = jax.random.normal(ks[1], (IN_C, IN_C, 3, 3), jnp.float32) * 0.04
    bf1 = jnp.zeros((IN_C,), jnp.float32)
    Wf2 = jax.random.normal(ks[2], (IN_C, IN_C, 3, 3), jnp.float32) * 0.04
    bf2 = jnp.zeros((IN_C,), jnp.float32)
    Wq = jax.random.normal(ks[3], (QC, IN_C, 3, 3), jnp.float32) * 0.04
    bq = jnp.zeros((QC,), jnp.float32)
    Wk = jax.random.normal(ks[4], (QC, IN_C, 3, 3), jnp.float32) * 0.04
    bk = jnp.zeros((QC,), jnp.float32)
    return {"x": x, "Wf1": Wf1, "bf1": bf1, "Wf2": Wf2, "bf2": bf2, "Wq": Wq, "bq": bq, "Wk": Wk, "bk": bk}


def reference(x, Wf1, bf1, Wf2, bf2, Wq, bq, Wk, bk):
    feature = jax.nn.relu(conv2d(jax.nn.relu(conv2d(x, Wf1, bf1)), Wf2, bf2))
    q = conv2d(x, Wq, bq)
    k = conv2d(x, Wk, bk)
    q_u = unfold3(q)
    k_u = jnp.swapaxes(unfold3(k), 1, 2)
    q_u = q_u / jnp.maximum(jnp.linalg.norm(q_u, axis=1, keepdims=True), 1e-12)
    k_u = k_u / jnp.maximum(jnp.linalg.norm(k_u, axis=2, keepdims=True), 1e-12)
    R = jnp.matmul(k_u, q_u)
    vals, idxs = jax.lax.top_k(jnp.swapaxes(R, 1, 2), TOPK)
    R_maxs = jnp.swapaxes(vals, 1, 2)
    R_indexs = jnp.swapaxes(idxs, 1, 2)
    x_u = unfold3(x)
    Ts = []
    for i in range(1, TOPK):
        R_max = R_maxs[:, i, :]
        R_index = R_indexs[:, i, :]
        idx = jnp.broadcast_to(R_index[:, None, :], x_u.shape)
        T_u = jnp.take_along_axis(x_u, idx, axis=2)
        T = fold3(T_u, H, W) / 9.0
        S = R_max.reshape(R_max.shape[0], 1, H, W)
        Ts.append(T * S)
    y = feature + x + sum(Ts) / len(Ts)
    return y

if __name__ == "__main__":
    import jax
    _d = setup_inputs()
    print(jax.jit(kernel)(*tuple(_d.values())))

</pallas_src>

<mosaic_0001>
#map = affine_map<(d0, d1) -> (0, 0)>
#map1 = affine_map<(d0, d1) -> (0)>
#map2 = affine_map<(d0, d1) -> (0, 0, 0)>
module attributes {stable_mosaic.version = 14 : i64} {
  func.func @k(%arg0: i32, %arg1: i32, %arg2: memref<4096x640xf32, #tpu.memory_space<hbm>>, %arg3: memref<16384xi32, #tpu.memory_space<hbm>>, %arg4: memref<4x4352x640xf32, #tpu.memory_space<hbm>>, %arg5: memref<128xi32, #tpu.memory_space<vmem>>, %arg6: memref<128x640xf32, #tpu.memory_space<vmem>>, %arg7: memref<!tpu.dma_semaphore, #tpu.memory_space<semaphore_mem>>) attributes {dimension_semantics = [#tpu.dimension_semantics<core_parallel>, #tpu.dimension_semantics<subcore_parallel>], iteration_bounds = array<i64: 2, 16>, scalar_prefetch = 0 : i64, scratch_operands = 3 : i64, tpu.core_type = #tpu.core_type<sc_vector_subcore>, window_params = [{transform_indices = #map}, {transform_indices = #map1}, {transform_indices = #map2}]} {
    %mul3A = arith.constant 2 : i32
    %mul3A_0 = arith.muli %arg1, %mul3A : i32
    %add3A = arith.addi %mul3A_0, %arg0 : i32
    %mul3A_1 = arith.constant 512 : i32
    %mul3A_2 = arith.muli %add3A, %mul3A_1 : i32
    %jit3A = arith.constant 4096 : i32
    %div3A = arith.divsi %mul3A_2, %jit3A : i32
    %sign3A = arith.constant 0 : i32
    %sign3A_3 = arith.cmpi sgt, %mul3A_2, %sign3A : i32
    %sign3A_4 = arith.extui %sign3A_3 : i1 to i32
    %sign3A_5 = arith.constant 0 : i32
    %sign3A_6 = arith.cmpi slt, %mul3A_2, %sign3A_5 : i32
    %sign3A_7 = arith.extui %sign3A_6 : i1 to i32
    %sign3A_8 = arith.subi %sign3A_4, %sign3A_7 : i32
    %sign3A_9 = arith.constant 0 : i32
    %sign3A_10 = arith.cmpi sgt, %jit3A, %sign3A_9 : i32
    %sign3A_11 = arith.extui %sign3A_10 : i1 to i32
    %sign3A_12 = arith.constant 0 : i32
    %sign3A_13 = arith.cmpi slt, %jit3A, %sign3A_12 : i32
    %sign3A_14 = arith.extui %sign3A_13 : i1 to i32
    %sign3A_15 = arith.subi %sign3A_11, %sign3A_14 : i32
    %ne3A = arith.cmpi ne, %sign3A_8, %sign3A_15 : i32
    %rem3A = arith.remsi %mul3A_2, %jit3A : i32
    %ne3A_16 = arith.constant 0 : i32
    %ne3A_17 = arith.cmpi ne, %rem3A, %ne3A_16 : i32
    %and3A = arith.andi %ne3A, %ne3A_17 : i1
    %sub3A = arith.constant 1 : i32
    %sub3A_18 = arith.subi %div3A, %sub3A : i32
    %select_n3A = arith.select %and3A, %sub3A_18, %div3A : i32
    %jit3A_19 = arith.constant 4096 : i32
    %eq3A = arith.constant 0 : i32
    %eq3A_20 = arith.cmpi eq, %jit3A_19, %eq3A : i32
    %jit3A_21 = arith.constant 1 : i32
    %select_n3A_22 = arith.select %eq3A_20, %jit3A_21, %jit3A_19 : i32
    %rem3A_23 = arith.remsi %mul3A_2, %select_n3A_22 : i32
    %ne3A_24 = arith.constant 0 : i32
    %ne3A_25 = arith.cmpi ne, %rem3A_23, %ne3A_24 : i32
    %lt3A = arith.constant 0 : i32
    %lt3A_26 = arith.cmpi slt, %rem3A_23, %lt3A : i32
    %lt3A_27 = arith.constant 0 : i32
    %lt3A_28 = arith.cmpi slt, %select_n3A_22, %lt3A_27 : i32
    %ne3A_29 = arith.xori %lt3A_26, %lt3A_28 : i1
    %and3A_30 = arith.andi %ne3A_29, %ne3A_25 : i1
    %add3A_31 = arith.addi %rem3A_23, %select_n3A_22 : i32
    %select_n3A_32 = arith.select %and3A_30, %add3A_31, %rem3A_23 : i32
    %add3A_33 = arith.constant 0 : i32
    %add3A_34 = arith.addi %mul3A_2, %add3A_33 : i32
    "tpu.region"() ({
      %run_scoped3A = tpu.sem_alloc : memref<!tpu.dma_semaphore, #tpu.memory_space<semaphore_mem>>
      %dma_start3A_79 = tpu.memref_slice %arg3[%add3A_34] : memref<16384xi32, #tpu.memory_space<hbm>> -> memref<128xi32, #tpu.memory_space<hbm>>
      %dma_start3A_80 = tpu.memref_slice %arg3[%add3A_34] : memref<16384xi32, #tpu.memory_space<hbm>> -> memref<128xi32, #tpu.memory_space<hbm>>
      tpu.enqueue_dma source(%dma_start3A_80 : memref<128xi32, #tpu.memory_space<hbm>>) target(%arg5 : memref<128xi32, #tpu.memory_space<vmem>>) target_semaphore(%run_scoped3A : memref<!tpu.dma_semaphore, #tpu.memory_space<semaphore_mem>>)
      %dma_wait3A_81 = tpu.memref_slice %arg3[%add3A_34] : memref<16384xi32, #tpu.memory_space<hbm>> -> memref<128xi32, #tpu.memory_space<hbm>>
      %dma_wait3A_82 = tpu.memref_slice %arg3[%add3A_34] : memref<16384xi32, #tpu.memory_space<hbm>> -> memref<128xi32, #tpu.memory_space<hbm>>
      tpu.wait_dma2 semaphore(%run_scoped3A : memref<!tpu.dma_semaphore, #tpu.memory_space<semaphore_mem>>) src(%dma_wait3A_82 : memref<128xi32, #tpu.memory_space<hbm>>) dst(%arg5 : memref<128xi32, #tpu.memory_space<vmem>>)
      tpu.yield
    }) : () -> ()
    %dma_start3A = arith.constant 0 : i32
    %dma_start3A_35 = arith.constant 0 : i32
    %dma_start3A_36 = tpu.memref_slice %arg2[%dma_start3A, %dma_start3A_35] : memref<4096x640xf32, #tpu.memory_space<hbm>> -> memref<4096x640xf32, #tpu.memory_space<hbm>>
    tpu.enqueue_indirect_dma source(%dma_start3A_36 : memref<4096x640xf32, #tpu.memory_space<hbm>>) target(%arg6 : memref<128x640xf32, #tpu.memory_space<vmem>>) offsets(%arg5 : memref<128xi32, #tpu.memory_space<vmem>>) semaphore(%arg7 : memref<!tpu.dma_semaphore, #tpu.memory_space<semaphore_mem>>)
    %dma_wait3A = arith.constant 0 : i32
    %dma_wait3A_37 = arith.constant 0 : i32
    %dma_wait3A_38 = tpu.memref_slice %arg2[%dma_wait3A, %dma_wait3A_37] : memref<4096x640xf32, #tpu.memory_space<hbm>> -> memref<4096x640xf32, #tpu.memory_space<hbm>>
    tpu.wait_indirect_dma semaphore(%arg7 : memref<!tpu.dma_semaphore, #tpu.memory_space<semaphore_mem>>) src(%dma_wait3A_38 : memref<4096x640xf32, #tpu.memory_space<hbm>>) dst(%arg6 : memref<128x640xf32, #tpu.memory_space<vmem>>)
    %add3A_39 = arith.constant 128 : i32
    %add3A_40 = arith.addi %add3A_39, %select_n3A_32 : i32
    %add3A_41 = arith.constant 0 : i32
    %add3A_42 = arith.addi %add3A_40, %add3A_41 : i32
    "tpu.region"() ({
      %run_scoped3A = tpu.sem_alloc : memref<!tpu.dma_semaphore, #tpu.memory_space<semaphore_mem>>
      %dma_start3A_79 = arith.constant 0 : i32
      %dma_start3A_80 = tpu.memref_slice %arg4[%select_n3A, %add3A_42, %dma_start3A_79] : memref<4x4352x640xf32, #tpu.memory_space<hbm>> -> memref<1x128x640xf32, #tpu.memory_space<hbm>>
      %dma_start3A_81 = tpu.memref_squeeze %dma_start3A_80 : memref<1x128x640xf32, #tpu.memory_space<hbm>> -> memref<128x640xf32, #tpu.memory_space<hbm>>
      %dma_start3A_82 = arith.constant 0 : i32
      %dma_start3A_83 = tpu.memref_slice %arg4[%select_n3A, %add3A_42, %dma_start3A_82] : memref<4x4352x640xf32, #tpu.memory_space<hbm>> -> memref<1x128x640xf32, #tpu.memory_space<hbm>>
      %dma_start3A_84 = tpu.memref_squeeze %dma_start3A_83 : memref<1x128x640xf32, #tpu.memory_space<hbm>> -> memref<128x640xf32, #tpu.memory_space<hbm>>
      tpu.enqueue_dma source(%arg6 : memref<128x640xf32, #tpu.memory_space<vmem>>) target(%dma_start3A_84 : memref<128x640xf32, #tpu.memory_space<hbm>>) target_semaphore(%run_scoped3A : memref<!tpu.dma_semaphore, #tpu.memory_space<semaphore_mem>>)
      %dma_wait3A_85 = arith.constant 0 : i32
      %dma_wait3A_86 = tpu.memref_slice %arg4[%select_n3A, %add3A_42, %dma_wait3A_85] : memref<4x4352x640xf32, #tpu.memory_space<hbm>> -> memref<1x128x640xf32, #tpu.memory_space<hbm>>
      %dma_wait3A_87 = tpu.memref_squeeze %dma_wait3A_86 : memref<1x128x640xf32, #tpu.memory_space<hbm>> -> memref<128x640xf32, #tpu.memory_space<hbm>>
      %dma_wait3A_88 = arith.constant 0 : i32
      %dma_wait3A_89 = tpu.memref_slice %arg4[%select_n3A, %add3A_42, %dma_wait3A_88] : memref<4x4352x640xf32, #tpu.memory_space<hbm>> -> memref<1x128x640xf32, #tpu.memory_space<hbm>>
      %dma_wait3A_90 = tpu.memref_squeeze %dma_wait3A_89 : memref<1x128x640xf32, #tpu.memory_space<hbm>> -> memref<128x640xf32, #tpu.memory_space<hbm>>
      tpu.wait_dma2 semaphore(%run_scoped3A : memref<!tpu.dma_semaphore, #tpu.memory_space<semaphore_mem>>) src(%arg6 : memref<128x640xf32, #tpu.memory_space<vmem>>) dst(%dma_wait3A_90 : memref<128x640xf32, #tpu.memory_space<hbm>>)
      tpu.yield
    }) : () -> ()
    %add3A_43 = arith.constant 128 : i32
    %add3A_44 = arith.addi %mul3A_2, %add3A_43 : i32
    "tpu.region"() ({
      %run_scoped3A = tpu.sem_alloc : memref<!tpu.dma_semaphore, #tpu.memory_space<semaphore_mem>>
      %dma_start3A_79 = tpu.memref_slice %arg3[%add3A_44] : memref<16384xi32, #tpu.memory_space<hbm>> -> memref<128xi32, #tpu.memory_space<hbm>>
      %dma_start3A_80 = tpu.memref_slice %arg3[%add3A_44] : memref<16384xi32, #tpu.memory_space<hbm>> -> memref<128xi32, #tpu.memory_space<hbm>>
      tpu.enqueue_dma source(%dma_start3A_80 : memref<128xi32, #tpu.memory_space<hbm>>) target(%arg5 : memref<128xi32, #tpu.memory_space<vmem>>) target_semaphore(%run_scoped3A : memref<!tpu.dma_semaphore, #tpu.memory_space<semaphore_mem>>)
      %dma_wait3A_81 = tpu.memref_slice %arg3[%add3A_44] : memref<16384xi32, #tpu.memory_space<hbm>> -> memref<128xi32, #tpu.memory_space<hbm>>
      %dma_wait3A_82 = tpu.memref_slice %arg3[%add3A_44] : memref<16384xi32, #tpu.memory_space<hbm>> -> memref<128xi32, #tpu.memory_space<hbm>>
      tpu.wait_dma2 semaphore(%run_scoped3A : memref<!tpu.dma_semaphore, #tpu.memory_space<semaphore_mem>>) src(%dma_wait3A_82 : memref<128xi32, #tpu.memory_space<hbm>>) dst(%arg5 : memref<128xi32, #tpu.memory_space<vmem>>)
      tpu.yield
    }) : () -> ()
    %dma_start3A_45 = arith.constant 0 : i32
    %dma_start3A_46 = arith.constant 0 : i32
    %dma_start3A_47 = tpu.memref_slice %arg2[%dma_start3A_45, %dma_start3A_46] : memref<4096x640xf32, #tpu.memory_space<hbm>> -> memref<4096x640xf32, #tpu.memory_space<hbm>>
    tpu.enqueue_indirect_dma source(%dma_start3A_47 : memref<4096x640xf32, #tpu.memory_space<hbm>>) target(%arg6 : memref<128x640xf32, #tpu.memory_space<vmem>>) offsets(%arg5 : memref<128xi32, #tpu.memory_space<vmem>>) semaphore(%arg7 : memref<!tpu.dma_semaphore, #tpu.memory_space<semaphore_mem>>)
    %dma_wait3A_48 = arith.constant 0 : i32
    %dma_wait3A_49 = arith.constant 0 : i32
    %dma_wait3A_50 = tpu.memref_slice %arg2[%dma_wait3A_48, %dma_wait3A_49] : memref<4096x640xf32, #tpu.memory_space<hbm>> -> memref<4096x640xf32, #tpu.memory_space<hbm>>
    tpu.wait_indirect_dma semaphore(%arg7 : memref<!tpu.dma_semaphore, #tpu.memory_space<semaphore_mem>>) src(%dma_wait3A_50 : memref<4096x640xf32, #tpu.memory_space<hbm>>) dst(%arg6 : memref<128x640xf32, #tpu.memory_space<vmem>>)
    %add3A_51 = arith.constant 128 : i32
    %add3A_52 = arith.addi %add3A_51, %select_n3A_32 : i32
    %add3A_53 = arith.constant 128 : i32
    %add3A_54 = arith.addi %add3A_52, %add3A_53 : i32
    "tpu.region"() ({
      %run_scoped3A = tpu.sem_alloc : memref<!tpu.dma_semaphore, #tpu.memory_space<semaphore_mem>>
      %dma_start3A_79 = arith.constant 0 : i32
      %dma_start3A_80 = tpu.memref_slice %arg4[%select_n3A, %add3A_54, %dma_start3A_79] : memref<4x4352x640xf32, #tpu.memory_space<hbm>> -> memref<1x128x640xf32, #tpu.memory_space<hbm>>
      %dma_start3A_81 = tpu.memref_squeeze %dma_start3A_80 : memref<1x128x640xf32, #tpu.memory_space<hbm>> -> memref<128x640xf32, #tpu.memory_space<hbm>>
      %dma_start3A_82 = arith.constant 0 : i32
      %dma_start3A_83 = tpu.memref_slice %arg4[%select_n3A, %add3A_54, %dma_start3A_82] : memref<4x4352x640xf32, #tpu.memory_space<hbm>> -> memref<1x128x640xf32, #tpu.memory_space<hbm>>
      %dma_start3A_84 = tpu.memref_squeeze %dma_start3A_83 : memref<1x128x640xf32, #tpu.memory_space<hbm>> -> memref<128x640xf32, #tpu.memory_space<hbm>>
      tpu.enqueue_dma source(%arg6 : memref<128x640xf32, #tpu.memory_space<vmem>>) target(%dma_start3A_84 : memref<128x640xf32, #tpu.memory_space<hbm>>) target_semaphore(%run_scoped3A : memref<!tpu.dma_semaphore, #tpu.memory_space<semaphore_mem>>)
      %dma_wait3A_85 = arith.constant 0 : i32
      %dma_wait3A_86 = tpu.memref_slice %arg4[%select_n3A, %add3A_54, %dma_wait3A_85] : memref<4x4352x640xf32, #tpu.memory_space<hbm>> -> memref<1x128x640xf32, #tpu.memory_space<hbm>>
      %dma_wait3A_87 = tpu.memref_squeeze %dma_wait3A_86 : memref<1x128x640xf32, #tpu.memory_space<hbm>> -> memref<128x640xf32, #tpu.memory_space<hbm>>
      %dma_wait3A_88 = arith.constant 0 : i32
      %dma_wait3A_89 = tpu.memref_slice %arg4[%select_n3A, %add3A_54, %dma_wait3A_88] : memref<4x4352x640xf32, #tpu.memory_space<hbm>> -> memref<1x128x640xf32, #tpu.memory_space<hbm>>
      %dma_wait3A_90 = tpu.memref_squeeze %dma_wait3A_89 : memref<1x128x640xf32, #tpu.memory_space<hbm>> -> memref<128x640xf32, #tpu.memory_space<hbm>>
      tpu.wait_dma2 semaphore(%run_scoped3A : memref<!tpu.dma_semaphore, #tpu.memory_space<semaphore_mem>>) src(%arg6 : memref<128x640xf32, #tpu.memory_space<vmem>>) dst(%dma_wait3A_90 : memref<128x640xf32, #tpu.memory_space<hbm>>)
      tpu.yield
    }) : () -> ()
    %add3A_55 = arith.constant 256 : i32
    %add3A_56 = arith.addi %mul3A_2, %add3A_55 : i32
    "tpu.region"() ({
      %run_scoped3A = tpu.sem_alloc : memref<!tpu.dma_semaphore, #tpu.memory_space<semaphore_mem>>
      %dma_start3A_79 = tpu.memref_slice %arg3[%add3A_56] : memref<16384xi32, #tpu.memory_space<hbm>> -> memref<128xi32, #tpu.memory_space<hbm>>
      %dma_start3A_80 = tpu.memref_slice %arg3[%add3A_56] : memref<16384xi32, #tpu.memory_space<hbm>> -> memref<128xi32, #tpu.memory_space<hbm>>
      tpu.enqueue_dma source(%dma_start3A_80 : memref<128xi32, #tpu.memory_space<hbm>>) target(%arg5 : memref<128xi32, #tpu.memory_space<vmem>>) target_semaphore(%run_scoped3A : memref<!tpu.dma_semaphore, #tpu.memory_space<semaphore_mem>>)
      %dma_wait3A_81 = tpu.memref_slice %arg3[%add3A_56] : memref<16384xi32, #tpu.memory_space<hbm>> -> memref<128xi32, #tpu.memory_space<hbm>>
      %dma_wait3A_82 = tpu.memref_slice %arg3[%add3A_56] : memref<16384xi32, #tpu.memory_space<hbm>> -> memref<128xi32, #tpu.memory_space<hbm>>
      tpu.wait_dma2 semaphore(%run_scoped3A : memref<!tpu.dma_semaphore, #tpu.memory_space<semaphore_mem>>) src(%dma_wait3A_82 : memref<128xi32, #tpu.memory_space<hbm>>) dst(%arg5 : memref<128xi32, #tpu.memory_space<vmem>>)
      tpu.yield
    }) : () -> ()
    %dma_start3A_57 = arith.constant 0 : i32
    %dma_start3A_58 = arith.constant 0 : i32
    %dma_start3A_59 = tpu.memref_slice %arg2[%dma_start3A_57, %dma_start3A_58] : memref<4096x640xf32, #tpu.memory_space<hbm>> -> memref<4096x640xf32, #tpu.memory_space<hbm>>
    tpu.enqueue_indirect_dma source(%dma_start3A_59 : memref<4096x640xf32, #tpu.memory_space<hbm>>) target(%arg6 : memref<128x640xf32, #tpu.memory_space<vmem>>) offsets(%arg5 : memref<128xi32, #tpu.memory_space<vmem>>) semaphore(%arg7 : memref<!tpu.dma_semaphore, #tpu.memory_space<semaphore_mem>>)
    %dma_wait3A_60 = arith.constant 0 : i32
    %dma_wait3A_61 = arith.constant 0 : i32
    %dma_wait3A_62 = tpu.memref_slice %arg2[%dma_wait3A_60, %dma_wait3A_61] : memref<4096x640xf32, #tpu.memory_space<hbm>> -> memref<4096x640xf32, #tpu.memory_space<hbm>>
    tpu.wait_indirect_dma semaphore(%arg7 : memref<!tpu.dma_semaphore, #tpu.memory_space<semaphore_mem>>) src(%dma_wait3A_62 : memref<4096x640xf32, #tpu.memory_space<hbm>>) dst(%arg6 : memref<128x640xf32, #tpu.memory_space<vmem>>)
    %add3A_63 = arith.constant 128 : i32
    %add3A_64 = arith.addi %add3A_63, %select_n3A_32 : i32
    %add3A_65 = arith.constant 256 : i32
    %add3A_66 = arith.addi %add3A_64, %add3A_65 : i32
    "tpu.region"() ({
      %run_scoped3A = tpu.sem_alloc : memref<!tpu.dma_semaphore, #tpu.memory_space<semaphore_mem>>
      %dma_start3A_79 = arith.constant 0 : i32
      %dma_start3A_80 = tpu.memref_slice %arg4[%select_n3A, %add3A_66, %dma_start3A_79] : memref<4x4352x640xf32, #tpu.memory_space<hbm>> -> memref<1x128x640xf32, #tpu.memory_space<hbm>>
      %dma_start3A_81 = tpu.memref_squeeze %dma_start3A_80 : memref<1x128x640xf32, #tpu.memory_space<hbm>> -> memref<128x640xf32, #tpu.memory_space<hbm>>
      %dma_start3A_82 = arith.constant 0 : i32
      %dma_start3A_83 = tpu.memref_slice %arg4[%select_n3A, %add3A_66, %dma_start3A_82] : memref<4x4352x640xf32, #tpu.memory_space<hbm>> -> memref<1x128x640xf32, #tpu.memory_space<hbm>>
      %dma_start3A_84 = tpu.memref_squeeze %dma_start3A_83 : memref<1x128x640xf32, #tpu.memory_space<hbm>> -> memref<128x640xf32, #tpu.memory_space<hbm>>
      tpu.enqueue_dma source(%arg6 : memref<128x640xf32, #tpu.memory_space<vmem>>) target(%dma_start3A_84 : memref<128x640xf32, #tpu.memory_space<hbm>>) target_semaphore(%run_scoped3A : memref<!tpu.dma_semaphore, #tpu.memory_space<semaphore_mem>>)
      %dma_wait3A_85 = arith.constant 0 : i32
      %dma_wait3A_86 = tpu.memref_slice %arg4[%select_n3A, %add3A_66, %dma_wait3A_85] : memref<4x4352x640xf32, #tpu.memory_space<hbm>> -> memref<1x128x640xf32, #tpu.memory_space<hbm>>
      %dma_wait3A_87 = tpu.memref_squeeze %dma_wait3A_86 : memref<1x128x640xf32, #tpu.memory_space<hbm>> -> memref<128x640xf32, #tpu.memory_space<hbm>>
      %dma_wait3A_88 = arith.constant 0 : i32
      %dma_wait3A_89 = tpu.memref_slice %arg4[%select_n3A, %add3A_66, %dma_wait3A_88] : memref<4x4352x640xf32, #tpu.memory_space<hbm>> -> memref<1x128x640xf32, #tpu.memory_space<hbm>>
      %dma_wait3A_90 = tpu.memref_squeeze %dma_wait3A_89 : memref<1x128x640xf32, #tpu.memory_space<hbm>> -> memref<128x640xf32, #tpu.memory_space<hbm>>
      tpu.wait_dma2 semaphore(%run_scoped3A : memref<!tpu.dma_semaphore, #tpu.memory_space<semaphore_mem>>) src(%arg6 : memref<128x640xf32, #tpu.memory_space<vmem>>) dst(%dma_wait3A_90 : memref<128x640xf32, #tpu.memory_space<hbm>>)
      tpu.yield
    }) : () -> ()
    %add3A_67 = arith.constant 384 : i32
    %add3A_68 = arith.addi %mul3A_2, %add3A_67 : i32
    "tpu.region"() ({
      %run_scoped3A = tpu.sem_alloc : memref<!tpu.dma_semaphore, #tpu.memory_space<semaphore_mem>>
      %dma_start3A_79 = tpu.memref_slice %arg3[%add3A_68] : memref<16384xi32, #tpu.memory_space<hbm>> -> memref<128xi32, #tpu.memory_space<hbm>>
      %dma_start3A_80 = tpu.memref_slice %arg3[%add3A_68] : memref<16384xi32, #tpu.memory_space<hbm>> -> memref<128xi32, #tpu.memory_space<hbm>>
      tpu.enqueue_dma source(%dma_start3A_80 : memref<128xi32, #tpu.memory_space<hbm>>) target(%arg5 : memref<128xi32, #tpu.memory_space<vmem>>) target_semaphore(%run_scoped3A : memref<!tpu.dma_semaphore, #tpu.memory_space<semaphore_mem>>)
      %dma_wait3A_81 = tpu.memref_slice %arg3[%add3A_68] : memref<16384xi32, #tpu.memory_space<hbm>> -> memref<128xi32, #tpu.memory_space<hbm>>
      %dma_wait3A_82 = tpu.memref_slice %arg3[%add3A_68] : memref<16384xi32, #tpu.memory_space<hbm>> -> memref<128xi32, #tpu.memory_space<hbm>>
      tpu.wait_dma2 semaphore(%run_scoped3A : memref<!tpu.dma_semaphore, #tpu.memory_space<semaphore_mem>>) src(%dma_wait3A_82 : memref<128xi32, #tpu.memory_space<hbm>>) dst(%arg5 : memref<128xi32, #tpu.memory_space<vmem>>)
      tpu.yield
    }) : () -> ()
    %dma_start3A_69 = arith.constant 0 : i32
    %dma_start3A_70 = arith.constant 0 : i32
    %dma_start3A_71 = tpu.memref_slice %arg2[%dma_start3A_69, %dma_start3A_70] : memref<4096x640xf32, #tpu.memory_space<hbm>> -> memref<4096x640xf32, #tpu.memory_space<hbm>>
    tpu.enqueue_indirect_dma source(%dma_start3A_71 : memref<4096x640xf32, #tpu.memory_space<hbm>>) target(%arg6 : memref<128x640xf32, #tpu.memory_space<vmem>>) offsets(%arg5 : memref<128xi32, #tpu.memory_space<vmem>>) semaphore(%arg7 : memref<!tpu.dma_semaphore, #tpu.memory_space<semaphore_mem>>)
    %dma_wait3A_72 = arith.constant 0 : i32
    %dma_wait3A_73 = arith.constant 0 : i32
    %dma_wait3A_74 = tpu.memref_slice %arg2[%dma_wait3A_72, %dma_wait3A_73] : memref<4096x640xf32, #tpu.memory_space<hbm>> -> memref<4096x640xf32, #tpu.memory_space<hbm>>
    tpu.wait_indirect_dma semaphore(%arg7 : memref<!tpu.dma_semaphore, #tpu.memory_space<semaphore_mem>>) src(%dma_wait3A_74 : memref<4096x640xf32, #tpu.memory_space<hbm>>) dst(%arg6 : memref<128x640xf32, #tpu.memory_space<vmem>>)
    %add3A_75 = arith.constant 128 : i32
    %add3A_76 = arith.addi %add3A_75, %select_n3A_32 : i32
    %add3A_77 = arith.constant 384 : i32
    %add3A_78 = arith.addi %add3A_76, %add3A_77 : i32
    "tpu.region"() ({
      %run_scoped3A = tpu.sem_alloc : memref<!tpu.dma_semaphore, #tpu.memory_space<semaphore_mem>>
      %dma_start3A_79 = arith.constant 0 : i32
      %dma_start3A_80 = tpu.memref_slice %arg4[%select_n3A, %add3A_78, %dma_start3A_79] : memref<4x4352x640xf32, #tpu.memory_space<hbm>> -> memref<1x128x640xf32, #tpu.memory_space<hbm>>
      %dma_start3A_81 = tpu.memref_squeeze %dma_start3A_80 : memref<1x128x640xf32, #tpu.memory_space<hbm>> -> memref<128x640xf32, #tpu.memory_space<hbm>>
      %dma_start3A_82 = arith.constant 0 : i32
      %dma_start3A_83 = tpu.memref_slice %arg4[%select_n3A, %add3A_78, %dma_start3A_82] : memref<4x4352x640xf32, #tpu.memory_space<hbm>> -> memref<1x128x640xf32, #tpu.memory_space<hbm>>
      %dma_start3A_84 = tpu.memref_squeeze %dma_start3A_83 : memref<1x128x640xf32, #tpu.memory_space<hbm>> -> memref<128x640xf32, #tpu.memory_space<hbm>>
      tpu.enqueue_dma source(%arg6 : memref<128x640xf32, #tpu.memory_space<vmem>>) target(%dma_start3A_84 : memref<128x640xf32, #tpu.memory_space<hbm>>) target_semaphore(%run_scoped3A : memref<!tpu.dma_semaphore, #tpu.memory_space<semaphore_mem>>)
      %dma_wait3A_85 = arith.constant 0 : i32
      %dma_wait3A_86 = tpu.memref_slice %arg4[%select_n3A, %add3A_78, %dma_wait3A_85] : memref<4x4352x640xf32, #tpu.memory_space<hbm>> -> memref<1x128x640xf32, #tpu.memory_space<hbm>>
      %dma_wait3A_87 = tpu.memref_squeeze %dma_wait3A_86 : memref<1x128x640xf32, #tpu.memory_space<hbm>> -> memref<128x640xf32, #tpu.memory_space<hbm>>
      %dma_wait3A_88 = arith.constant 0 : i32
      %dma_wait3A_89 = tpu.memref_slice %arg4[%select_n3A, %add3A_78, %dma_wait3A_88] : memref<4x4352x640xf32, #tpu.memory_space<hbm>> -> memref<1x128x640xf32, #tpu.memory_space<hbm>>
      %dma_wait3A_90 = tpu.memref_squeeze %dma_wait3A_89 : memref<1x128x640xf32, #tpu.memory_space<hbm>> -> memref<128x640xf32, #tpu.memory_space<hbm>>
      tpu.wait_dma2 semaphore(%run_scoped3A : memref<!tpu.dma_semaphore, #tpu.memory_space<semaphore_mem>>) src(%arg6 : memref<128x640xf32, #tpu.memory_space<vmem>>) dst(%dma_wait3A_90 : memref<128x640xf32, #tpu.memory_space<hbm>>)
      tpu.yield
    }) : () -> ()
    return
  }
}

module attributes {stable_mosaic.version = 14 : i64} {
  func.func @_stage_b_body(%arg0: i32, %arg1: memref<512x144xf32, #tpu.memory_space<vmem>>, %arg2: memref<4096x144xf32, #tpu.memory_space<vmem>>, %arg3: memref<512x8xf32, #tpu.memory_space<vmem>>, %arg4: memref<512x8xi32, #tpu.memory_space<vmem>>) attributes {dimension_semantics = [#tpu.dimension_semantics<arbitrary>], iteration_bounds = array<i64: 8>, scalar_prefetch = 0 : i64, scratch_operands = 0 : i64, tpu.core_type = #tpu.core_type<tc>, window_params = [{transform_indices = @transform_0, window_bounds = array<i64: 512, 144>}, {pipeline_mode = #tpu.pipeline_mode<synchronous>, transform_indices = @transform_1, window_bounds = array<i64: 4096, 144>}, {transform_indices = @transform_2, window_bounds = array<i64: 512, 8>}, {transform_indices = @transform_3, window_bounds = array<i64: 512, 8>}]} {
    %get3A = arith.constant 0 : index
    %get3A_0 = arith.constant 0 : index
    %get3A_1 = vector.load %arg1[%get3A, %get3A_0] : memref<512x144xf32, #tpu.memory_space<vmem>>, vector<512x144xf32>
    %get3A_2 = arith.constant 0 : index
    %get3A_3 = arith.constant 0 : index
    %get3A_4 = vector.load %arg2[%get3A_2, %get3A_3] : memref<4096x144xf32, #tpu.memory_space<vmem>>, vector<4096x144xf32>
    %dot_general3A = arith.constant dense<0.000000e+00> : vector<512x4096xf32>
    %dot_general3A_5 = tpu.matmul %get3A_1, %get3A_4, %dot_general3A {dimension_numbers = #tpu.dot_dimension_numbers<[1], [1], [0], [0], [0, 0, 1, 0], [], []>, transpose_lhs_hint = false} : vector<512x144xf32>, vector<4096x144xf32>, vector<512x4096xf32> -> vector<512x4096xf32>
    %iota3A = tpu.iota {dimensions = array<i32: 1>} : vector<512x4096xi32>
    %reduce_max3A = arith.constant dense<0xFF800000> : vector<512xf32>
    %reduce_max3A_6 = vector.multi_reduction <maximumf>, %dot_general3A_5, %reduce_max3A [1] : vector<512x4096xf32> to vector<512xf32>
    %broadcast_in_dim3A = vector.shape_cast %reduce_max3A_6 : vector<512xf32> to vector<512x1xf32>
    %eq3A = vector.broadcast %broadcast_in_dim3A : vector<512x1xf32> to vector<512x4096xf32>
    %eq3A_7 = arith.cmpf oeq, %dot_general3A_5, %eq3A : vector<512x4096xf32>
    %jit3A = arith.constant 4096 : i32
    %broadcast_in_dim3A_8 = vector.broadcast %jit3A : i32 to vector<512x4096xi32>
    %select_n3A = arith.select %eq3A_7, %iota3A, %broadcast_in_dim3A_8 : vector<512x4096xi1>, vector<512x4096xi32>
    %reduce_min3A = arith.constant dense<2147483647> : vector<512xi32>
    %reduce_min3A_9 = vector.multi_reduction <minsi>, %select_n3A, %reduce_min3A [1] : vector<512x4096xi32> to vector<512xi32>
    %broadcast_in_dim3A_10 = vector.shape_cast %reduce_min3A_9 : vector<512xi32> to vector<512x1xi32>
    %eq3A_11 = vector.broadcast %broadcast_in_dim3A_10 : vector<512x1xi32> to vector<512x4096xi32>
    %eq3A_12 = arith.cmpi eq, %iota3A, %eq3A_11 : vector<512x4096xi32>
    %jit3A_13 = arith.constant -3.000000e+38 : f32
    %broadcast_in_dim3A_14 = vector.broadcast %jit3A_13 : f32 to vector<512x4096xf32>
    %select_n3A_15 = arith.select %eq3A_12, %broadcast_in_dim3A_14, %dot_general3A_5 : vector<512x4096xi1>, vector<512x4096xf32>
    %reduce_max3A_16 = arith.constant dense<0xFF800000> : vector<512xf32>
    %reduce_max3A_17 = vector.multi_reduction <maximumf>, %select_n3A_15, %reduce_max3A_16 [1] : vector<512x4096xf32> to vector<512xf32>
    %broadcast_in_dim3A_18 = vector.shape_cast %reduce_max3A_17 : vector<512xf32> to vector<512x1xf32>
    %eq3A_19 = vector.broadcast %broadcast_in_dim3A_18 : vector<512x1xf32> to vector<512x4096xf32>
    %eq3A_20 = arith.cmpf oeq, %select_n3A_15, %eq3A_19 : vector<512x4096xf32>
    %jit3A_21 = arith.constant 4096 : i32
    %broadcast_in_dim3A_22 = vector.broadcast %jit3A_21 : i32 to vector<512x4096xi32>
    %select_n3A_23 = arith.select %eq3A_20, %iota3A, %broadcast_in_dim3A_22 : vector<512x4096xi1>, vector<512x4096xi32>
    %reduce_min3A_24 = arith.constant dense<2147483647> : vector<512xi32>
    %reduce_min3A_25 = vector.multi_reduction <minsi>, %select_n3A_23, %reduce_min3A_24 [1] : vector<512x4096xi32> to vector<512xi32>
    %broadcast_in_dim3A_26 = vector.shape_cast %reduce_min3A_25 : vector<512xi32> to vector<512x1xi32>
    %eq3A_27 = vector.broadcast %broadcast_in_dim3A_26 : vector<512x1xi32> to vector<512x4096xi32>
    %eq3A_28 = arith.cmpi eq, %iota3A, %eq3A_27 : vector<512x4096xi32>
    %jit3A_29 = arith.constant -3.000000e+38 : f32
    %broadcast_in_dim3A_30 = vector.broadcast %jit3A_29 : f32 to vector<512x4096xf32>
    %select_n3A_31 = arith.select %eq3A_28, %broadcast_in_dim3A_30, %select_n3A_15 : vector<512x4096xi1>, vector<512x4096xf32>
    %reduce_max3A_32 = arith.constant dense<0xFF800000> : vector<512xf32>
    %reduce_max3A_33 = vector.multi_reduction <maximumf>, %select_n3A_31, %reduce_max3A_32 [1] : vector<512x4096xf32> to vector<512xf32>
    %broadcast_in_dim3A_34 = vector.shape_cast %reduce_max3A_33 : vector<512xf32> to vector<512x1xf32>
    %eq3A_35 = vector.broadcast %broadcast_in_dim3A_34 : vector<512x1xf32> to vector<512x4096xf32>
    %eq3A_36 = arith.cmpf oeq, %select_n3A_31, %eq3A_35 : vector<512x4096xf32>
    %jit3A_37 = arith.constant 4096 : i32
    %broadcast_in_dim3A_38 = vector.broadcast %jit3A_37 : i32 to vector<512x4096xi32>
    %select_n3A_39 = arith.select %eq3A_36, %iota3A, %broadcast_in_dim3A_38 : vector<512x4096xi1>, vector<512x4096xi32>
    %reduce_min3A_40 = arith.constant dense<2147483647> : vector<512xi32>
    %reduce_min3A_41 = vector.multi_reduction <minsi>, %select_n3A_39, %reduce_min3A_40 [1] : vector<512x4096xi32> to vector<512xi32>
    %broadcast_in_dim3A_42 = vector.shape_cast %reduce_min3A_41 : vector<512xi32> to vector<512x1xi32>
    %eq3A_43 = vector.broadcast %broadcast_in_dim3A_42 : vector<512x1xi32> to vector<512x4096xi32>
    %eq3A_44 = arith.cmpi eq, %iota3A, %eq3A_43 : vector<512x4096xi32>
    %jit3A_45 = arith.constant -3.000000e+38 : f32
    %broadcast_in_dim3A_46 = vector.broadcast %jit3A_45 : f32 to vector<512x4096xf32>
    %select_n3A_47 = arith.select %eq3A_44, %broadcast_in_dim3A_46, %select_n3A_31 : vector<512x4096xi1>, vector<512x4096xf32>
    %reduce_max3A_48 = arith.constant dense<0xFF800000> : vector<512xf32>
    %reduce_max3A_49 = vector.multi_reduction <maximumf>, %select_n3A_47, %reduce_max3A_48 [1] : vector<512x4096xf32> to vector<512xf32>
    %broadcast_in_dim3A_50 = vector.shape_cast %reduce_max3A_49 : vector<512xf32> to vector<512x1xf32>
    %eq3A_51 = vector.broadcast %broadcast_in_dim3A_50 : vector<512x1xf32> to vector<512x4096xf32>
    %eq3A_52 = arith.cmpf oeq, %select_n3A_47, %eq3A_51 : vector<512x4096xf32>
    %jit3A_53 = arith.constant 4096 : i32
    %broadcast_in_dim3A_54 = vector.broadcast %jit3A_53 : i32 to vector<512x4096xi32>
    %select_n3A_55 = arith.select %eq3A_52, %iota3A, %broadcast_in_dim3A_54 : vector<512x4096xi1>, vector<512x4096xi32>
    %reduce_min3A_56 = arith.constant dense<2147483647> : vector<512xi32>
    %reduce_min3A_57 = vector.multi_reduction <minsi>, %select_n3A_55, %reduce_min3A_56 [1] : vector<512x4096xi32> to vector<512xi32>
    %broadcast_in_dim3A_58 = vector.shape_cast %reduce_min3A_57 : vector<512xi32> to vector<512x1xi32>
    %eq3A_59 = vector.broadcast %broadcast_in_dim3A_58 : vector<512x1xi32> to vector<512x4096xi32>
    %eq3A_60 = arith.cmpi eq, %iota3A, %eq3A_59 : vector<512x4096xi32>
    %jit3A_61 = arith.constant -3.000000e+38 : f32
    %broadcast_in_dim3A_62 = vector.broadcast %jit3A_61 : f32 to vector<512x4096xf32>
    %select_n3A_63 = arith.select %eq3A_60, %broadcast_in_dim3A_62, %select_n3A_47 : vector<512x4096xi1>, vector<512x4096xf32>
    %reduce_max3A_64 = arith.constant dense<0xFF800000> : vector<512xf32>
    %reduce_max3A_65 = vector.multi_reduction <maximumf>, %select_n3A_63, %reduce_max3A_64 [1] : vector<512x4096xf32> to vector<512xf32>
    %broadcast_in_dim3A_66 = vector.shape_cast %reduce_max3A_65 : vector<512xf32> to vector<512x1xf32>
    %eq3A_67 = vector.broadcast %broadcast_in_dim3A_66 : vector<512x1xf32> to vector<512x4096xf32>
    %eq3A_68 = arith.cmpf oeq, %select_n3A_63, %eq3A_67 : vector<512x4096xf32>
    %jit3A_69 = arith.constant 4096 : i32
    %broadcast_in_dim3A_70 = vector.broadcast %jit3A_69 : i32 to vector<512x4096xi32>
    %select_n3A_71 = arith.select %eq3A_68, %iota3A, %broadcast_in_dim3A_70 : vector<512x4096xi1>, vector<512x4096xi32>
    %reduce_min3A_72 = arith.constant dense<2147483647> : vector<512xi32>
    %reduce_min3A_73 = vector.multi_reduction <minsi>, %select_n3A_71, %reduce_min3A_72 [1] : vector<512x4096xi32> to vector<512xi32>
    %broadcast_in_dim3A_74 = vector.shape_cast %reduce_min3A_73 : vector<512xi32> to vector<512x1xi32>
    %broadcast_in_dim3A_75 = arith.constant 0.000000e+00 : f32
    %broadcast_in_dim3A_76 = vector.broadcast %broadcast_in_dim3A_75 : f32 to vector<512x3xf32>
    %concatenate3A = tpu.concatenate %broadcast_in_dim3A, %broadcast_in_dim3A_18, %broadcast_in_dim3A_34, %broadcast_in_dim3A_50, %broadcast_in_dim3A_66, %broadcast_in_dim3A_76 in 1 : vector<512x1xf32>, vector<512x1xf32>, vector<512x1xf32>, vector<512x1xf32>, vector<512x1xf32>, vector<512x3xf32> -> vector<512x8xf32>
    %swap3A = arith.constant 0 : index
    %swap3A_77 = arith.constant 0 : index
    %swap3A_78 = vector.load %arg3[%swap3A, %swap3A_77] : memref<512x8xf32, #tpu.memory_space<vmem>>, vector<512x8xf32>
    tpu.vector_store %arg3[%swap3A, %swap3A_77], %concatenate3A {strides = array<i32>} : memref<512x8xf32, #tpu.memory_space<vmem>>, vector<512x8xf32>,
    %broadcast_in_dim3A_79 = arith.constant 0 : i32
    %broadcast_in_dim3A_80 = vector.broadcast %broadcast_in_dim3A_79 : i32 to vector<512x3xi32>
    %concatenate3A_81 = tpu.concatenate %broadcast_in_dim3A_10, %broadcast_in_dim3A_26, %broadcast_in_dim3A_42, %broadcast_in_dim3A_58, %broadcast_in_dim3A_74, %broadcast_in_dim3A_80 in 1 : vector<512x1xi32>, vector<512x1xi32>, vector<512x1xi32>, vector<512x1xi32>, vector<512x1xi32>, vector<512x3xi32> -> vector<512x8xi32>
    %swap3A_82 = arith.constant 0 : index
    %swap3A_83 = arith.constant 0 : index
    %swap3A_84 = vector.load %arg4[%swap3A_82, %swap3A_83] : memref<512x8xi32, #tpu.memory_space<vmem>>, vector<512x8xi32>
    tpu.vector_store %arg4[%swap3A_82, %swap3A_83], %concatenate3A_81 {strides = array<i32>} : memref<512x8xi32, #tpu.memory_space<vmem>>, vector<512x8xi32>,
    return
  }
  func.func @transform_0(%arg0: i32) -> (i32, i32) {
    %c0_i32 = arith.constant 0 : i32
    %c0_i32_0 = arith.constant 0 : i32
    return %arg0, %c0_i32 : i32, i32
  }
  func.func @transform_1(%arg0: i32) -> (i32, i32) {
    %c0_i32 = arith.constant 0 : i32
    %c0_i32_0 = arith.constant 0 : i32
    %c0_i32_1 = arith.constant 0 : i32
    return %c0_i32, %c0_i32_0 : i32, i32
  }
  func.func @transform_2(%arg0: i32) -> (i32, i32) {
    %c0_i32 = arith.constant 0 : i32
    %c0_i32_0 = arith.constant 0 : i32
    return %arg0, %c0_i32 : i32, i32
  }
  func.func @transform_3(%arg0: i32) -> (i32, i32) {
    %c0_i32 = arith.constant 0 : i32
    %c0_i32_0 = arith.constant 0 : i32
    return %arg0, %c0_i32 : i32, i32
  }
}

module attributes {stable_mosaic.version = 14 : i64} {
  func.func @_stage_a_body(%arg0: memref<4096x64xf32, #tpu.memory_space<vmem>>, %arg1: memref<576x96xf32, #tpu.memory_space<vmem>>, %arg2: memref<1x96xf32, #tpu.memory_space<vmem>>, %arg3: memref<576x64xf32, #tpu.memory_space<vmem>>, %arg4: memref<1x64xf32, #tpu.memory_space<vmem>>, %arg5: memref<4096x64xf32, #tpu.memory_space<vmem>>, %arg6: memref<4096x144xf32, #tpu.memory_space<vmem>>, %arg7: memref<4096x144xf32, #tpu.memory_space<vmem>>, %arg8: memref<4096x640xf32, #tpu.memory_space<vmem>>) attributes {dimension_semantics = [], scalar_prefetch = 0 : i64, scratch_operands = 0 : i64, tpu.core_type = #tpu.core_type<tc>} {
    %get3A = arith.constant 0 : index
    %get3A_0 = arith.constant 0 : index
    %get3A_1 = vector.load %arg0[%get3A, %get3A_0] : memref<4096x64xf32, #tpu.memory_space<vmem>>, vector<4096x64xf32>
    %iota3A = tpu.iota {dimensions = array<i32: 0>} : vector<4096x1xi32>
    %jit3A = arith.constant 64 : i32
    %div3A = vector.broadcast %jit3A : i32 to vector<4096x1xi32>
    %div3A_2 = arith.divsi %iota3A, %div3A : vector<4096x1xi32>
    %sign3A = arith.constant 0 : i32
    %sign3A_3 = vector.broadcast %sign3A : i32 to vector<4096x1xi32>
    %sign3A_4 = arith.cmpi sgt, %iota3A, %sign3A_3 : vector<4096x1xi32>
    %sign3A_5 = arith.extui %sign3A_4 : vector<4096x1xi1> to vector<4096x1xi32>
    %sign3A_6 = arith.constant 0 : i32
    %sign3A_7 = vector.broadcast %sign3A_6 : i32 to vector<4096x1xi32>
    %sign3A_8 = arith.cmpi slt, %iota3A, %sign3A_7 : vector<4096x1xi32>
    %sign3A_9 = arith.extui %sign3A_8 : vector<4096x1xi1> to vector<4096x1xi32>
    %sign3A_10 = arith.subi %sign3A_5, %sign3A_9 : vector<4096x1xi32>
    %sign3A_11 = arith.constant 0 : i32
    %sign3A_12 = arith.cmpi sgt, %jit3A, %sign3A_11 : i32
    %sign3A_13 = arith.extui %sign3A_12 : i1 to i32
    %sign3A_14 = arith.constant 0 : i32
    %sign3A_15 = arith.cmpi slt, %jit3A, %sign3A_14 : i32
    %sign3A_16 = arith.extui %sign3A_15 : i1 to i32
    %sign3A_17 = arith.subi %sign3A_13, %sign3A_16 : i32
    %ne3A = vector.broadcast %sign3A_17 : i32 to vector<4096x1xi32>
    %ne3A_18 = arith.cmpi ne, %sign3A_10, %ne3A : vector<4096x1xi32>
    %rem3A = vector.broadcast %jit3A : i32 to vector<4096x1xi32>
    %rem3A_19 = arith.remsi %iota3A, %rem3A : vector<4096x1xi32>
    %ne3A_20 = arith.constant 0 : i32
    %ne3A_21 = vector.broadcast %ne3A_20 : i32 to vector<4096x1xi32>
    %ne3A_22 = arith.cmpi ne, %rem3A_19, %ne3A_21 : vector<4096x1xi32>
    %and3A = arith.andi %ne3A_18, %ne3A_22 : vector<4096x1xi1>
    %sub3A = arith.constant 1 : i32
    %sub3A_23 = vector.broadcast %sub3A : i32 to vector<4096x1xi32>
    %sub3A_24 = arith.subi %div3A_2, %sub3A_23 : vector<4096x1xi32>
    %select_n3A = arith.select %and3A, %sub3A_24, %div3A_2 : vector<4096x1xi1>, vector<4096x1xi32>
    %iota3A_25 = tpu.iota {dimensions = array<i32: 0>} : vector<4096x1xi32>
    %jit3A_26 = arith.constant 64 : i32
    %eq3A = arith.constant 0 : i32
    %eq3A_27 = arith.cmpi eq, %jit3A_26, %eq3A : i32
    %jit3A_28 = arith.constant 1 : i32
    %select_n3A_29 = arith.select %eq3A_27, %jit3A_28, %jit3A_26 : i32
    %rem3A_30 = vector.broadcast %select_n3A_29 : i32 to vector<4096x1xi32>
    %rem3A_31 = arith.remsi %iota3A_25, %rem3A_30 : vector<4096x1xi32>
    %ne3A_32 = arith.constant 0 : i32
    %ne3A_33 = vector.broadcast %ne3A_32 : i32 to vector<4096x1xi32>
    %ne3A_34 = arith.cmpi ne, %rem3A_31, %ne3A_33 : vector<4096x1xi32>
    %lt3A = arith.constant 0 : i32
    %lt3A_35 = vector.broadcast %lt3A : i32 to vector<4096x1xi32>
    %lt3A_36 = arith.cmpi slt, %rem3A_31, %lt3A_35 : vector<4096x1xi32>
    %lt3A_37 = arith.constant 0 : i32
    %lt3A_38 = arith.cmpi slt, %select_n3A_29, %lt3A_37 : i32
    %ne3A_39 = vector.broadcast %lt3A_38 : i1 to vector<4096x1xi1>
    %ne3A_40 = vector.broadcast %ne3A_39 : vector<4096x1xi1> to vector<4096x1xi1>
    %ne3A_41 = arith.xori %lt3A_36, %ne3A_40 : vector<4096x1xi1>
    %and3A_42 = arith.andi %ne3A_41, %ne3A_34 : vector<4096x1xi1>
    %add3A = vector.broadcast %select_n3A_29 : i32 to vector<4096x1xi32>
    %add3A_43 = arith.addi %rem3A_31, %add3A : vector<4096x1xi32>
    %select_n3A_44 = arith.select %and3A_42, %add3A_43, %rem3A_31 : vector<4096x1xi1>, vector<4096x1xi32>
    %broadcast_in_dim3A = arith.constant 0.000000e+00 : f32
    %broadcast_in_dim3A_45 = vector.broadcast %broadcast_in_dim3A : f32 to vector<128x64xf32>
    %concatenate3A = tpu.concatenate %broadcast_in_dim3A_45, %get3A_1, %broadcast_in_dim3A_45 in 0 : vector<128x64xf32>, vector<4096x64xf32>, vector<128x64xf32> -> vector<4352x64xf32>
    %slice3A = vector.extract_strided_slice %concatenate3A {offsets = [63, 0], sizes = [4096, 64], strides = [1, 1]} : vector<4352x64xf32> to vector<4096x64xf32>
    %add3A_46 = arith.constant -1 : i32
    %add3A_47 = vector.broadcast %add3A_46 : i32 to vector<4096x1xi32>
    %add3A_48 = arith.addi %select_n3A, %add3A_47 : vector<4096x1xi32>
    %ge3A = arith.constant 0 : i32
    %ge3A_49 = vector.broadcast %ge3A : i32 to vector<4096x1xi32>
    %ge3A_50 = arith.cmpi sge, %add3A_48, %ge3A_49 : vector<4096x1xi32>
    %add3A_51 = arith.constant -1 : i32
    %add3A_52 = vector.broadcast %add3A_51 : i32 to vector<4096x1xi32>
    %add3A_53 = arith.addi %select_n3A, %add3A_52 : vector<4096x1xi32>
    %lt3A_54 = arith.constant 64 : i32
    %lt3A_55 = vector.broadcast %lt3A_54 : i32 to vector<4096x1xi32>
    %lt3A_56 = arith.cmpi slt, %add3A_53, %lt3A_55 : vector<4096x1xi32>
    %and3A_57 = arith.andi %ge3A_50, %lt3A_56 : vector<4096x1xi1>
    %add3A_58 = arith.constant -1 : i32
    %add3A_59 = vector.broadcast %add3A_58 : i32 to vector<4096x1xi32>
    %add3A_60 = arith.addi %select_n3A_44, %add3A_59 : vector<4096x1xi32>
    %ge3A_61 = arith.constant 0 : i32
    %ge3A_62 = vector.broadcast %ge3A_61 : i32 to vector<4096x1xi32>
    %ge3A_63 = arith.cmpi sge, %add3A_60, %ge3A_62 : vector<4096x1xi32>
    %and3A_64 = arith.andi %and3A_57, %ge3A_63 : vector<4096x1xi1>
    %add3A_65 = arith.constant -1 : i32
    %add3A_66 = vector.broadcast %add3A_65 : i32 to vector<4096x1xi32>
    %add3A_67 = arith.addi %select_n3A_44, %add3A_66 : vector<4096x1xi32>
    %lt3A_68 = arith.constant 64 : i32
    %lt3A_69 = vector.broadcast %lt3A_68 : i32 to vector<4096x1xi32>
    %lt3A_70 = arith.cmpi slt, %add3A_67, %lt3A_69 : vector<4096x1xi32>
    %and3A_71 = arith.andi %and3A_64, %lt3A_70 : vector<4096x1xi1>
    %jit3A_72 = arith.constant 0.000000e+00 : f32
    %broadcast_in_dim3A_73 = vector.shape_cast %and3A_71 : vector<4096x1xi1> to vector<4096x1xi1>
    %broadcast_in_dim3A_74 = vector.broadcast %broadcast_in_dim3A_73 : vector<4096x1xi1> to vector<4096x64xi1>
    %broadcast_in_dim3A_75 = vector.broadcast %jit3A_72 : f32 to vector<4096x64xf32>
    %select_n3A_76 = arith.select %broadcast_in_dim3A_74, %slice3A, %broadcast_in_dim3A_75 : vector<4096x64xi1>, vector<4096x64xf32>
    %slice3A_77 = vector.extract_strided_slice %concatenate3A {offsets = [64, 0], sizes = [4096, 64], strides = [1, 1]} : vector<4352x64xf32> to vector<4096x64xf32>
    %add3A_78 = arith.constant -1 : i32
    %add3A_79 = vector.broadcast %add3A_78 : i32 to vector<4096x1xi32>
    %add3A_80 = arith.addi %select_n3A, %add3A_79 : vector<4096x1xi32>
    %ge3A_81 = arith.constant 0 : i32
    %ge3A_82 = vector.broadcast %ge3A_81 : i32 to vector<4096x1xi32>
    %ge3A_83 = arith.cmpi sge, %add3A_80, %ge3A_82 : vector<4096x1xi32>
    %add3A_84 = arith.constant -1 : i32
    %add3A_85 = vector.broadcast %add3A_84 : i32 to vector<4096x1xi32>
    %add3A_86 = arith.addi %select_n3A, %add3A_85 : vector<4096x1xi32>
    %lt3A_87 = arith.constant 64 : i32
    %lt3A_88 = vector.broadcast %lt3A_87 : i32 to vector<4096x1xi32>
    %lt3A_89 = arith.cmpi slt, %add3A_86, %lt3A_88 : vector<4096x1xi32>
    %and3A_90 = arith.andi %ge3A_83, %lt3A_89 : vector<4096x1xi1>
    %add3A_91 = arith.constant 0 : i32
    %add3A_92 = vector.broadcast %add3A_91 : i32 to vector<4096x1xi32>
    %add3A_93 = arith.addi %select_n3A_44, %add3A_92 : vector<4096x1xi32>
    %ge3A_94 = arith.constant 0 : i32
    %ge3A_95 = vector.broadcast %ge3A_94 : i32 to vector<4096x1xi32>
    %ge3A_96 = arith.cmpi sge, %add3A_93, %ge3A_95 : vector<4096x1xi32>
    %and3A_97 = arith.andi %and3A_90, %ge3A_96 : vector<4096x1xi1>
    %add3A_98 = arith.constant 0 : i32
    %add3A_99 = vector.broadcast %add3A_98 : i32 to vector<4096x1xi32>
    %add3A_100 = arith.addi %select_n3A_44, %add3A_99 : vector<4096x1xi32>
    %lt3A_101 = arith.constant 64 : i32
    %lt3A_102 = vector.broadcast %lt3A_101 : i32 to vector<4096x1xi32>
    %lt3A_103 = arith.cmpi slt, %add3A_100, %lt3A_102 : vector<4096x1xi32>
    %and3A_104 = arith.andi %and3A_97, %lt3A_103 : vector<4096x1xi1>
    %jit3A_105 = arith.constant 0.000000e+00 : f32
    %broadcast_in_dim3A_106 = vector.shape_cast %and3A_104 : vector<4096x1xi1> to vector<4096x1xi1>
    %broadcast_in_dim3A_107 = vector.broadcast %broadcast_in_dim3A_106 : vector<4096x1xi1> to vector<4096x64xi1>
    %broadcast_in_dim3A_108 = vector.broadcast %jit3A_105 : f32 to vector<4096x64xf32>
    %select_n3A_109 = arith.select %broadcast_in_dim3A_107, %slice3A_77, %broadcast_in_dim3A_108 : vector<4096x64xi1>, vector<4096x64xf32>
    %slice3A_110 = vector.extract_strided_slice %concatenate3A {offsets = [65, 0], sizes = [4096, 64], strides = [1, 1]} : vector<4352x64xf32> to vector<4096x64xf32>
    %add3A_111 = arith.constant -1 : i32
    %add3A_112 = vector.broadcast %add3A_111 : i32 to vector<4096x1xi32>
    %add3A_113 = arith.addi %select_n3A, %add3A_112 : vector<4096x1xi32>
    %ge3A_114 = arith.constant 0 : i32
    %ge3A_115 = vector.broadcast %ge3A_114 : i32 to vector<4096x1xi32>
    %ge3A_116 = arith.cmpi sge, %add3A_113, %ge3A_115 : vector<4096x1xi32>
    %add3A_117 = arith.constant -1 : i32
    %add3A_118 = vector.broadcast %add3A_117 : i32 to vector<4096x1xi32>
    %add3A_119 = arith.addi %select_n3A, %add3A_118 : vector<4096x1xi32>
    %lt3A_120 = arith.constant 64 : i32
    %lt3A_121 = vector.broadcast %lt3A_120 : i32 to vector<4096x1xi32>
    %lt3A_122 = arith.cmpi slt, %add3A_119, %lt3A_121 : vector<4096x1xi32>
    %and3A_123 = arith.andi %ge3A_116, %lt3A_122 : vector<4096x1xi1>
    %add3A_124 = arith.constant 1 : i32
    %add3A_125 = vector.broadcast %add3A_124 : i32 to vector<4096x1xi32>
    %add3A_126 = arith.addi %select_n3A_44, %add3A_125 : vector<4096x1xi32>
    %ge3A_127 = arith.constant 0 : i32
    %ge3A_128 = vector.broadcast %ge3A_127 : i32 to vector<4096x1xi32>
    %ge3A_129 = arith.cmpi sge, %add3A_126, %ge3A_128 : vector<4096x1xi32>
    %and3A_130 = arith.andi %and3A_123, %ge3A_129 : vector<4096x1xi1>
    %add3A_131 = arith.constant 1 : i32
    %add3A_132 = vector.broadcast %add3A_131 : i32 to vector<4096x1xi32>
    %add3A_133 = arith.addi %select_n3A_44, %add3A_132 : vector<4096x1xi32>
    %lt3A_134 = arith.constant 64 : i32
    %lt3A_135 = vector.broadcast %lt3A_134 : i32 to vector<4096x1xi32>
    %lt3A_136 = arith.cmpi slt, %add3A_133, %lt3A_135 : vector<4096x1xi32>
    %and3A_137 = arith.andi %and3A_130, %lt3A_136 : vector<4096x1xi1>
    %jit3A_138 = arith.constant 0.000000e+00 : f32
    %broadcast_in_dim3A_139 = vector.shape_cast %and3A_137 : vector<4096x1xi1> to vector<4096x1xi1>
    %broadcast_in_dim3A_140 = vector.broadcast %broadcast_in_dim3A_139 : vector<4096x1xi1> to vector<4096x64xi1>
    %broadcast_in_dim3A_141 = vector.broadcast %jit3A_138 : f32 to vector<4096x64xf32>
    %select_n3A_142 = arith.select %broadcast_in_dim3A_140, %slice3A_110, %broadcast_in_dim3A_141 : vector<4096x64xi1>, vector<4096x64xf32>
    %slice3A_143 = vector.extract_strided_slice %concatenate3A {offsets = [127, 0], sizes = [4096, 64], strides = [1, 1]} : vector<4352x64xf32> to vector<4096x64xf32>
    %add3A_144 = arith.constant 0 : i32
    %add3A_145 = vector.broadcast %add3A_144 : i32 to vector<4096x1xi32>
    %add3A_146 = arith.addi %select_n3A, %add3A_145 : vector<4096x1xi32>
    %ge3A_147 = arith.constant 0 : i32
    %ge3A_148 = vector.broadcast %ge3A_147 : i32 to vector<4096x1xi32>
    %ge3A_149 = arith.cmpi sge, %add3A_146, %ge3A_148 : vector<4096x1xi32>
    %add3A_150 = arith.constant 0 : i32
    %add3A_151 = vector.broadcast %add3A_150 : i32 to vector<4096x1xi32>
    %add3A_152 = arith.addi %select_n3A, %add3A_151 : vector<4096x1xi32>
    %lt3A_153 = arith.constant 64 : i32
    %lt3A_154 = vector.broadcast %lt3A_153 : i32 to vector<4096x1xi32>
    %lt3A_155 = arith.cmpi slt, %add3A_152, %lt3A_154 : vector<4096x1xi32>
    %and3A_156 = arith.andi %ge3A_149, %lt3A_155 : vector<4096x1xi1>
    %add3A_157 = arith.constant -1 : i32
    %add3A_158 = vector.broadcast %add3A_157 : i32 to vector<4096x1xi32>
    %add3A_159 = arith.addi %select_n3A_44, %add3A_158 : vector<4096x1xi32>
    %ge3A_160 = arith.constant 0 : i32
    %ge3A_161 = vector.broadcast %ge3A_160 : i32 to vector<4096x1xi32>
    %ge3A_162 = arith.cmpi sge, %add3A_159, %ge3A_161 : vector<4096x1xi32>
    %and3A_163 = arith.andi %and3A_156, %ge3A_162 : vector<4096x1xi1>
    %add3A_164 = arith.constant -1 : i32
    %add3A_165 = vector.broadcast %add3A_164 : i32 to vector<4096x1xi32>
    %add3A_166 = arith.addi %select_n3A_44, %add3A_165 : vector<4096x1xi32>
    %lt3A_167 = arith.constant 64 : i32
    %lt3A_168 = vector.broadcast %lt3A_167 : i32 to vector<4096x1xi32>
    %lt3A_169 = arith.cmpi slt, %add3A_166, %lt3A_168 : vector<4096x1xi32>
    %and3A_170 = arith.andi %and3A_163, %lt3A_169 : vector<4096x1xi1>
    %jit3A_171 = arith.constant 0.000000e+00 : f32
    %broadcast_in_dim3A_172 = vector.shape_cast %and3A_170 : vector<4096x1xi1> to vector<4096x1xi1>
    %broadcast_in_dim3A_173 = vector.broadcast %broadcast_in_dim3A_172 : vector<4096x1xi1> to vector<4096x64xi1>
    %broadcast_in_dim3A_174 = vector.broadcast %jit3A_171 : f32 to vector<4096x64xf32>
    %select_n3A_175 = arith.select %broadcast_in_dim3A_173, %slice3A_143, %broadcast_in_dim3A_174 : vector<4096x64xi1>, vector<4096x64xf32>
    %slice3A_176 = vector.extract_strided_slice %concatenate3A {offsets = [128, 0], sizes = [4096, 64], strides = [1, 1]} : vector<4352x64xf32> to vector<4096x64xf32>
    %add3A_177 = arith.constant 0 : i32
    %add3A_178 = vector.broadcast %add3A_177 : i32 to vector<4096x1xi32>
    %add3A_179 = arith.addi %select_n3A, %add3A_178 : vector<4096x1xi32>
    %ge3A_180 = arith.constant 0 : i32
    %ge3A_181 = vector.broadcast %ge3A_180 : i32 to vector<4096x1xi32>
    %ge3A_182 = arith.cmpi sge, %add3A_179, %ge3A_181 : vector<4096x1xi32>
    %add3A_183 = arith.constant 0 : i32
    %add3A_184 = vector.broadcast %add3A_183 : i32 to vector<4096x1xi32>
    %add3A_185 = arith.addi %select_n3A, %add3A_184 : vector<4096x1xi32>
    %lt3A_186 = arith.constant 64 : i32
    %lt3A_187 = vector.broadcast %lt3A_186 : i32 to vector<4096x1xi32>
    %lt3A_188 = arith.cmpi slt, %add3A_185, %lt3A_187 : vector<4096x1xi32>
    %and3A_189 = arith.andi %ge3A_182, %lt3A_188 : vector<4096x1xi1>
    %add3A_190 = arith.constant 0 : i32
    %add3A_191 = vector.broadcast %add3A_190 : i32 to vector<4096x1xi32>
    %add3A_192 = arith.addi %select_n3A_44, %add3A_191 : vector<4096x1xi32>
    %ge3A_193 = arith.constant 0 : i32
    %ge3A_194 = vector.broadcast %ge3A_193 : i32 to vector<4096x1xi32>
    %ge3A_195 = arith.cmpi sge, %add3A_192, %ge3A_194 : vector<4096x1xi32>
    %and3A_196 = arith.andi %and3A_189, %ge3A_195 : vector<4096x1xi1>
    %add3A_197 = arith.constant 0 : i32
    %add3A_198 = vector.broadcast %add3A_197 : i32 to vector<4096x1xi32>
    %add3A_199 = arith.addi %select_n3A_44, %add3A_198 : vector<4096x1xi32>
    %lt3A_200 = arith.constant 64 : i32
    %lt3A_201 = vector.broadcast %lt3A_200 : i32 to vector<4096x1xi32>
    %lt3A_202 = arith.cmpi slt, %add3A_199, %lt3A_201 : vector<4096x1xi32>
    %and3A_203 = arith.andi %and3A_196, %lt3A_202 : vector<4096x1xi1>
    %jit3A_204 = arith.constant 0.000000e+00 : f32
    %broadcast_in_dim3A_205 = vector.shape_cast %and3A_203 : vector<4096x1xi1> to vector<4096x1xi1>
    %broadcast_in_dim3A_206 = vector.broadcast %broadcast_in_dim3A_205 : vector<4096x1xi1> to vector<4096x64xi1>
    %broadcast_in_dim3A_207 = vector.broadcast %jit3A_204 : f32 to vector<4096x64xf32>
    %select_n3A_208 = arith.select %broadcast_in_dim3A_206, %slice3A_176, %broadcast_in_dim3A_207 : vector<4096x64xi1>, vector<4096x64xf32>
    %slice3A_209 = vector.extract_strided_slice %concatenate3A {offsets = [129, 0], sizes = [4096, 64], strides = [1, 1]} : vector<4352x64xf32> to vector<4096x64xf32>
    %add3A_210 = arith.constant 0 : i32
    %add3A_211 = vector.broadcast %add3A_210 : i32 to vector<4096x1xi32>
    %add3A_212 = arith.addi %select_n3A, %add3A_211 : vector<4096x1xi32>
    %ge3A_213 = arith.constant 0 : i32
    %ge3A_214 = vector.broadcast %ge3A_213 : i32 to vector<4096x1xi32>
    %ge3A_215 = arith.cmpi sge, %add3A_212, %ge3A_214 : vector<4096x1xi32>
    %add3A_216 = arith.constant 0 : i32
    %add3A_217 = vector.broadcast %add3A_216 : i32 to vector<4096x1xi32>
    %add3A_218 = arith.addi %select_n3A, %add3A_217 : vector<4096x1xi32>
    %lt3A_219 = arith.constant 64 : i32
    %lt3A_220 = vector.broadcast %lt3A_219 : i32 to vector<4096x1xi32>
    %lt3A_221 = arith.cmpi slt, %add3A_218, %lt3A_220 : vector<4096x1xi32>
    %and3A_222 = arith.andi %ge3A_215, %lt3A_221 : vector<4096x1xi1>
    %add3A_223 = arith.constant 1 : i32
    %add3A_224 = vector.broadcast %add3A_223 : i32 to vector<4096x1xi32>
    %add3A_225 = arith.addi %select_n3A_44, %add3A_224 : vector<4096x1xi32>
    %ge3A_226 = arith.constant 0 : i32
    %ge3A_227 = vector.broadcast %ge3A_226 : i32 to vector<4096x1xi32>
    %ge3A_228 = arith.cmpi sge, %add3A_225, %ge3A_227 : vector<4096x1xi32>
    %and3A_229 = arith.andi %and3A_222, %ge3A_228 : vector<4096x1xi1>
    %add3A_230 = arith.constant 1 : i32
    %add3A_231 = vector.broadcast %add3A_230 : i32 to vector<4096x1xi32>
    %add3A_232 = arith.addi %select_n3A_44, %add3A_231 : vector<4096x1xi32>
    %lt3A_233 = arith.constant 64 : i32
    %lt3A_234 = vector.broadcast %lt3A_233 : i32 to vector<4096x1xi32>
    %lt3A_235 = arith.cmpi slt, %add3A_232, %lt3A_234 : vector<4096x1xi32>
    %and3A_236 = arith.andi %and3A_229, %lt3A_235 : vector<4096x1xi1>
    %jit3A_237 = arith.constant 0.000000e+00 : f32
    %broadcast_in_dim3A_238 = vector.shape_cast %and3A_236 : vector<4096x1xi1> to vector<4096x1xi1>
    %broadcast_in_dim3A_239 = vector.broadcast %broadcast_in_dim3A_238 : vector<4096x1xi1> to vector<4096x64xi1>
    %broadcast_in_dim3A_240 = vector.broadcast %jit3A_237 : f32 to vector<4096x64xf32>
    %select_n3A_241 = arith.select %broadcast_in_dim3A_239, %slice3A_209, %broadcast_in_dim3A_240 : vector<4096x64xi1>, vector<4096x64xf32>
    %slice3A_242 = vector.extract_strided_slice %concatenate3A {offsets = [191, 0], sizes = [4096, 64], strides = [1, 1]} : vector<4352x64xf32> to vector<4096x64xf32>
    %add3A_243 = arith.constant 1 : i32
    %add3A_244 = vector.broadcast %add3A_243 : i32 to vector<4096x1xi32>
    %add3A_245 = arith.addi %select_n3A, %add3A_244 : vector<4096x1xi32>
    %ge3A_246 = arith.constant 0 : i32
    %ge3A_247 = vector.broadcast %ge3A_246 : i32 to vector<4096x1xi32>
    %ge3A_248 = arith.cmpi sge, %add3A_245, %ge3A_247 : vector<4096x1xi32>
    %add3A_249 = arith.constant 1 : i32
    %add3A_250 = vector.broadcast %add3A_249 : i32 to vector<4096x1xi32>
    %add3A_251 = arith.addi %select_n3A, %add3A_250 : vector<4096x1xi32>
    %lt3A_252 = arith.constant 64 : i32
    %lt3A_253 = vector.broadcast %lt3A_252 : i32 to vector<4096x1xi32>
    %lt3A_254 = arith.cmpi slt, %add3A_251, %lt3A_253 : vector<4096x1xi32>
    %and3A_255 = arith.andi %ge3A_248, %lt3A_254 : vector<4096x1xi1>
    %add3A_256 = arith.constant -1 : i32
    %add3A_257 = vector.broadcast %add3A_256 : i32 to vector<4096x1xi32>
    %add3A_258 = arith.addi %select_n3A_44, %add3A_257 : vector<4096x1xi32>
    %ge3A_259 = arith.constant 0 : i32
    %ge3A_260 = vector.broadcast %ge3A_259 : i32 to vector<4096x1xi32>
    %ge3A_261 = arith.cmpi sge, %add3A_258, %ge3A_260 : vector<4096x1xi32>
    %and3A_262 = arith.andi %and3A_255, %ge3A_261 : vector<4096x1xi1>
    %add3A_263 = arith.constant -1 : i32
    %add3A_264 = vector.broadcast %add3A_263 : i32 to vector<4096x1xi32>
    %add3A_265 = arith.addi %select_n3A_44, %add3A_264 : vector<4096x1xi32>
    %lt3A_266 = arith.constant 64 : i32
    %lt3A_267 = vector.broadcast %lt3A_266 : i32 to vector<4096x1xi32>
    %lt3A_268 = arith.cmpi slt, %add3A_265, %lt3A_267 : vector<4096x1xi32>
    %and3A_269 = arith.andi %and3A_262, %lt3A_268 : vector<4096x1xi1>
    %jit3A_270 = arith.constant 0.000000e+00 : f32
    %broadcast_in_dim3A_271 = vector.shape_cast %and3A_269 : vector<4096x1xi1> to vector<4096x1xi1>
    %broadcast_in_dim3A_272 = vector.broadcast %broadcast_in_dim3A_271 : vector<4096x1xi1> to vector<4096x64xi1>
    %broadcast_in_dim3A_273 = vector.broadcast %jit3A_270 : f32 to vector<4096x64xf32>
    %select_n3A_274 = arith.select %broadcast_in_dim3A_272, %slice3A_242, %broadcast_in_dim3A_273 : vector<4096x64xi1>, vector<4096x64xf32>
    %slice3A_275 = vector.extract_strided_slice %concatenate3A {offsets = [192, 0], sizes = [4096, 64], strides = [1, 1]} : vector<4352x64xf32> to vector<4096x64xf32>
    %add3A_276 = arith.constant 1 : i32
    %add3A_277 = vector.broadcast %add3A_276 : i32 to vector<4096x1xi32>
    %add3A_278 = arith.addi %select_n3A, %add3A_277 : vector<4096x1xi32>
    %ge3A_279 = arith.constant 0 : i32
    %ge3A_280 = vector.broadcast %ge3A_279 : i32 to vector<4096x1xi32>
    %ge3A_281 = arith.cmpi sge, %add3A_278, %ge3A_280 : vector<4096x1xi32>
    %add3A_282 = arith.constant 1 : i32
    %add3A_283 = vector.broadcast %add3A_282 : i32 to vector<4096x1xi32>
    %add3A_284 = arith.addi %select_n3A, %add3A_283 : vector<4096x1xi32>
    %lt3A_285 = arith.constant 64 : i32
    %lt3A_286 = vector.broadcast %lt3A_285 : i32 to vector<4096x1xi32>
    %lt3A_287 = arith.cmpi slt, %add3A_284, %lt3A_286 : vector<4096x1xi32>
    %and3A_288 = arith.andi %ge3A_281, %lt3A_287 : vector<4096x1xi1>
    %add3A_289 = arith.constant 0 : i32
    %add3A_290 = vector.broadcast %add3A_289 : i32 to vector<4096x1xi32>
    %add3A_291 = arith.addi %select_n3A_44, %add3A_290 : vector<4096x1xi32>
    %ge3A_292 = arith.constant 0 : i32
    %ge3A_293 = vector.broadcast %ge3A_292 : i32 to vector<4096x1xi32>
    %ge3A_294 = arith.cmpi sge, %add3A_291, %ge3A_293 : vector<4096x1xi32>
    %and3A_295 = arith.andi %and3A_288, %ge3A_294 : vector<4096x1xi1>
    %add3A_296 = arith.constant 0 : i32
    %add3A_297 = vector.broadcast %add3A_296 : i32 to vector<4096x1xi32>
    %add3A_298 = arith.addi %select_n3A_44, %add3A_297 : vector<4096x1xi32>
    %lt3A_299 = arith.constant 64 : i32
    %lt3A_300 = vector.broadcast %lt3A_299 : i32 to vector<4096x1xi32>
    %lt3A_301 = arith.cmpi slt, %add3A_298, %lt3A_300 : vector<4096x1xi32>
    %and3A_302 = arith.andi %and3A_295, %lt3A_301 : vector<4096x1xi1>
    %jit3A_303 = arith.constant 0.000000e+00 : f32
    %broadcast_in_dim3A_304 = vector.shape_cast %and3A_302 : vector<4096x1xi1> to vector<4096x1xi1>
    %broadcast_in_dim3A_305 = vector.broadcast %broadcast_in_dim3A_304 : vector<4096x1xi1> to vector<4096x64xi1>
    %broadcast_in_dim3A_306 = vector.broadcast %jit3A_303 : f32 to vector<4096x64xf32>
    %select_n3A_307 = arith.select %broadcast_in_dim3A_305, %slice3A_275, %broadcast_in_dim3A_306 : vector<4096x64xi1>, vector<4096x64xf32>
    %slice3A_308 = vector.extract_strided_slice %concatenate3A {offsets = [193, 0], sizes = [4096, 64], strides = [1, 1]} : vector<4352x64xf32> to vector<4096x64xf32>
    %add3A_309 = arith.constant 1 : i32
    %add3A_310 = vector.broadcast %add3A_309 : i32 to vector<4096x1xi32>
    %add3A_311 = arith.addi %select_n3A, %add3A_310 : vector<4096x1xi32>
    %ge3A_312 = arith.constant 0 : i32
    %ge3A_313 = vector.broadcast %ge3A_312 : i32 to vector<4096x1xi32>
    %ge3A_314 = arith.cmpi sge, %add3A_311, %ge3A_313 : vector<4096x1xi32>
    %add3A_315 = arith.constant 1 : i32
    %add3A_316 = vector.broadcast %add3A_315 : i32 to vector<4096x1xi32>
    %add3A_317 = arith.addi %select_n3A, %add3A_316 : vector<4096x1xi32>
    %lt3A_318 = arith.constant 64 : i32
    %lt3A_319 = vector.broadcast %lt3A_318 : i32 to vector<4096x1xi32>
    %lt3A_320 = arith.cmpi slt, %add3A_317, %lt3A_319 : vector<4096x1xi32>
    %and3A_321 = arith.andi %ge3A_314, %lt3A_320 : vector<4096x1xi1>
    %add3A_322 = arith.constant 1 : i32
    %add3A_323 = vector.broadcast %add3A_322 : i32 to vector<4096x1xi32>
    %add3A_324 = arith.addi %select_n3A_44, %add3A_323 : vector<4096x1xi32>
    %ge3A_325 = arith.constant 0 : i32
    %ge3A_326 = vector.broadcast %ge3A_325 : i32 to vector<4096x1xi32>
    %ge3A_327 = arith.cmpi sge, %add3A_324, %ge3A_326 : vector<4096x1xi32>
    %and3A_328 = arith.andi %and3A_321, %ge3A_327 : vector<4096x1xi1>
    %add3A_329 = arith.constant 1 : i32
    %add3A_330 = vector.broadcast %add3A_329 : i32 to vector<4096x1xi32>
    %add3A_331 = arith.addi %select_n3A_44, %add3A_330 : vector<4096x1xi32>
    %lt3A_332 = arith.constant 64 : i32
    %lt3A_333 = vector.broadcast %lt3A_332 : i32 to vector<4096x1xi32>
    %lt3A_334 = arith.cmpi slt, %add3A_331, %lt3A_333 : vector<4096x1xi32>
    %and3A_335 = arith.andi %and3A_328, %lt3A_334 : vector<4096x1xi1>
    %jit3A_336 = arith.constant 0.000000e+00 : f32
    %broadcast_in_dim3A_337 = vector.shape_cast %and3A_335 : vector<4096x1xi1> to vector<4096x1xi1>
    %broadcast_in_dim3A_338 = vector.broadcast %broadcast_in_dim3A_337 : vector<4096x1xi1> to vector<4096x64xi1>
    %broadcast_in_dim3A_339 = vector.broadcast %jit3A_336 : f32 to vector<4096x64xf32>
    %select_n3A_340 = arith.select %broadcast_in_dim3A_338, %slice3A_308, %broadcast_in_dim3A_339 : vector<4096x64xi1>, vector<4096x64xf32>
    %concatenate3A_341 = tpu.concatenate %select_n3A_76, %select_n3A_109, %select_n3A_142, %select_n3A_175, %select_n3A_208, %select_n3A_241, %select_n3A_274, %select_n3A_307, %select_n3A_340 in 1 : vector<4096x64xf32>, vector<4096x64xf32>, vector<4096x64xf32>, vector<4096x64xf32>, vector<4096x64xf32>, vector<4096x64xf32>, vector<4096x64xf32>, vector<4096x64xf32>, vector<4096x64xf32> -> vector<4096x576xf32>
    %broadcast_in_dim3A_342 = arith.constant 0.000000e+00 : f32
    %broadcast_in_dim3A_343 = vector.broadcast %broadcast_in_dim3A_342 : f32 to vector<4096x64xf32>
    %concatenate3A_344 = tpu.concatenate %concatenate3A_341, %broadcast_in_dim3A_343 in 1 : vector<4096x576xf32>, vector<4096x64xf32> -> vector<4096x640xf32>
    %swap3A = arith.constant 0 : index
    %swap3A_345 = arith.constant 0 : index
    %swap3A_346 = vector.load %arg8[%swap3A, %swap3A_345] : memref<4096x640xf32, #tpu.memory_space<vmem>>, vector<4096x640xf32>
    tpu.vector_store %arg8[%swap3A, %swap3A_345], %concatenate3A_344 {strides = array<i32>} : memref<4096x640xf32, #tpu.memory_space<vmem>>, vector<4096x640xf32>,
    %get3A_347 = arith.constant 0 : index
    %get3A_348 = arith.constant 0 : index
    %get3A_349 = vector.load %arg1[%get3A_347, %get3A_348] : memref<576x96xf32, #tpu.memory_space<vmem>>, vector<576x96xf32>
    %dot_general3A = arith.constant dense<0.000000e+00> : vector<4096x96xf32>
    %dot_general3A_350 = tpu.matmul %concatenate3A_341, %get3A_349, %dot_general3A {dimension_numbers = #tpu.dot_dimension_numbers<[1], [0], [0], [1], [0, 0, 1, 1], [], []>, transpose_lhs_hint = false} : vector<4096x576xf32>, vector<576x96xf32>, vector<4096x96xf32> -> vector<4096x96xf32>
    %get3A_351 = arith.constant 0 : index
    %get3A_352 = arith.constant 0 : index
    %get3A_353 = vector.load %arg2[%get3A_351, %get3A_352] : memref<1x96xf32, #tpu.memory_space<vmem>>, vector<1x96xf32>
    %add3A_354 = vector.broadcast %get3A_353 : vector<1x96xf32> to vector<4096x96xf32>
    %add3A_355 = arith.addf %dot_general3A_350, %add3A_354 : vector<4096x96xf32>
    %slice3A_356 = vector.extract_strided_slice %add3A_355 {offsets = [0, 0], sizes = [4096, 64], strides = [1, 1]} : vector<4096x96xf32> to vector<4096x64xf32>
    %max3A = arith.constant 0.000000e+00 : f32
    %max3A_357 = vector.broadcast %max3A : f32 to vector<4096x64xf32>
    %max3A_358 = arith.maximumf %slice3A_356, %max3A_357 : vector<4096x64xf32>
    %slice3A_359 = vector.extract_strided_slice %add3A_355 {offsets = [0, 64], sizes = [4096, 16], strides = [1, 1]} : vector<4096x96xf32> to vector<4096x16xf32>
    %slice3A_360 = vector.extract_strided_slice %add3A_355 {offsets = [0, 80], sizes = [4096, 16], strides = [1, 1]} : vector<4096x96xf32> to vector<4096x16xf32>
    %broadcast_in_dim3A_361 = arith.constant 0.000000e+00 : f32
    %broadcast_in_dim3A_362 = vector.broadcast %broadcast_in_dim3A_361 : f32 to vector<128x64xf32>
    %concatenate3A_363 = tpu.concatenate %broadcast_in_dim3A_362, %max3A_358, %broadcast_in_dim3A_362 in 0 : vector<128x64xf32>, vector<4096x64xf32>, vector<128x64xf32> -> vector<4352x64xf32>
    %slice3A_364 = vector.extract_strided_slice %concatenate3A_363 {offsets = [63, 0], sizes = [4096, 64], strides = [1, 1]} : vector<4352x64xf32> to vector<4096x64xf32>
    %add3A_365 = arith.constant -1 : i32
    %add3A_366 = vector.broadcast %add3A_365 : i32 to vector<4096x1xi32>
    %add3A_367 = arith.addi %select_n3A, %add3A_366 : vector<4096x1xi32>
    %ge3A_368 = arith.constant 0 : i32
    %ge3A_369 = vector.broadcast %ge3A_368 : i32 to vector<4096x1xi32>
    %ge3A_370 = arith.cmpi sge, %add3A_367, %ge3A_369 : vector<4096x1xi32>
    %add3A_371 = arith.constant -1 : i32
    %add3A_372 = vector.broadcast %add3A_371 : i32 to vector<4096x1xi32>
    %add3A_373 = arith.addi %select_n3A, %add3A_372 : vector<4096x1xi32>
    %lt3A_374 = arith.constant 64 : i32
    %lt3A_375 = vector.broadcast %lt3A_374 : i32 to vector<4096x1xi32>
    %lt3A_376 = arith.cmpi slt, %add3A_373, %lt3A_375 : vector<4096x1xi32>
    %and3A_377 = arith.andi %ge3A_370, %lt3A_376 : vector<4096x1xi1>
    %add3A_378 = arith.constant -1 : i32
    %add3A_379 = vector.broadcast %add3A_378 : i32 to vector<4096x1xi32>
    %add3A_380 = arith.addi %select_n3A_44, %add3A_379 : vector<4096x1xi32>
    %ge3A_381 = arith.constant 0 : i32
    %ge3A_382 = vector.broadcast %ge3A_381 : i32 to vector<4096x1xi32>
    %ge3A_383 = arith.cmpi sge, %add3A_380, %ge3A_382 : vector<4096x1xi32>
    %and3A_384 = arith.andi %and3A_377, %ge3A_383 : vector<4096x1xi1>
    %add3A_385 = arith.constant -1 : i32
    %add3A_386 = vector.broadcast %add3A_385 : i32 to vector<4096x1xi32>
    %add3A_387 = arith.addi %select_n3A_44, %add3A_386 : vector<4096x1xi32>
    %lt3A_388 = arith.constant 64 : i32
    %lt3A_389 = vector.broadcast %lt3A_388 : i32 to vector<4096x1xi32>
    %lt3A_390 = arith.cmpi slt, %add3A_387, %lt3A_389 : vector<4096x1xi32>
    %and3A_391 = arith.andi %and3A_384, %lt3A_390 : vector<4096x1xi1>
    %jit3A_392 = arith.constant 0.000000e+00 : f32
    %broadcast_in_dim3A_393 = vector.shape_cast %and3A_391 : vector<4096x1xi1> to vector<4096x1xi1>
    %broadcast_in_dim3A_394 = vector.broadcast %broadcast_in_dim3A_393 : vector<4096x1xi1> to vector<4096x64xi1>
    %broadcast_in_dim3A_395 = vector.broadcast %jit3A_392 : f32 to vector<4096x64xf32>
    %select_n3A_396 = arith.select %broadcast_in_dim3A_394, %slice3A_364, %broadcast_in_dim3A_395 : vector<4096x64xi1>, vector<4096x64xf32>
    %slice3A_397 = vector.extract_strided_slice %concatenate3A_363 {offsets = [64, 0], sizes = [4096, 64], strides = [1, 1]} : vector<4352x64xf32> to vector<4096x64xf32>
    %add3A_398 = arith.constant -1 : i32
    %add3A_399 = vector.broadcast %add3A_398 : i32 to vector<4096x1xi32>
    %add3A_400 = arith.addi %select_n3A, %add3A_399 : vector<4096x1xi32>
    %ge3A_401 = arith.constant 0 : i32
    %ge3A_402 = vector.broadcast %ge3A_401 : i32 to vector<4096x1xi32>
    %ge3A_403 = arith.cmpi sge, %add3A_400, %ge3A_402 : vector<4096x1xi32>
    %add3A_404 = arith.constant -1 : i32
    %add3A_405 = vector.broadcast %add3A_404 : i32 to vector<4096x1xi32>
    %add3A_406 = arith.addi %select_n3A, %add3A_405 : vector<4096x1xi32>
    %lt3A_407 = arith.constant 64 : i32
    %lt3A_408 = vector.broadcast %lt3A_407 : i32 to vector<4096x1xi32>
    %lt3A_409 = arith.cmpi slt, %add3A_406, %lt3A_408 : vector<4096x1xi32>
    %and3A_410 = arith.andi %ge3A_403, %lt3A_409 : vector<4096x1xi1>
    %add3A_411 = arith.constant 0 : i32
    %add3A_412 = vector.broadcast %add3A_411 : i32 to vector<4096x1xi32>
    %add3A_413 = arith.addi %select_n3A_44, %add3A_412 : vector<4096x1xi32>
    %ge3A_414 = arith.constant 0 : i32
    %ge3A_415 = vector.broadcast %ge3A_414 : i32 to vector<4096x1xi32>
    %ge3A_416 = arith.cmpi sge, %add3A_413, %ge3A_415 : vector<4096x1xi32>
    %and3A_417 = arith.andi %and3A_410, %ge3A_416 : vector<4096x1xi1>
    %add3A_418 = arith.constant 0 : i32
    %add3A_419 = vector.broadcast %add3A_418 : i32 to vector<4096x1xi32>
    %add3A_420 = arith.addi %select_n3A_44, %add3A_419 : vector<4096x1xi32>
    %lt3A_421 = arith.constant 64 : i32
    %lt3A_422 = vector.broadcast %lt3A_421 : i32 to vector<4096x1xi32>
    %lt3A_423 = arith.cmpi slt, %add3A_420, %lt3A_422 : vector<4096x1xi32>
    %and3A_424 = arith.andi %and3A_417, %lt3A_423 : vector<4096x1xi1>
    %jit3A_425 = arith.constant 0.000000e+00 : f32
    %broadcast_in_dim3A_426 = vector.shape_cast %and3A_424 : vector<4096x1xi1> to vector<4096x1xi1>
    %broadcast_in_dim3A_427 = vector.broadcast %broadcast_in_dim3A_426 : vector<4096x1xi1> to vector<4096x64xi1>
    %broadcast_in_dim3A_428 = vector.broadcast %jit3A_425 : f32 to vector<4096x64xf32>
    %select_n3A_429 = arith.select %broadcast_in_dim3A_427, %slice3A_397, %broadcast_in_dim3A_428 : vector<4096x64xi1>, vector<4096x64xf32>
    %slice3A_430 = vector.extract_strided_slice %concatenate3A_363 {offsets = [65, 0], sizes = [4096, 64], strides = [1, 1]} : vector<4352x64xf32> to vector<4096x64xf32>
    %add3A_431 = arith.constant -1 : i32
    %add3A_432 = vector.broadcast %add3A_431 : i32 to vector<4096x1xi32>
    %add3A_433 = arith.addi %select_n3A, %add3A_432 : vector<4096x1xi32>
    %ge3A_434 = arith.constant 0 : i32
    %ge3A_435 = vector.broadcast %ge3A_434 : i32 to vector<4096x1xi32>
    %ge3A_436 = arith.cmpi sge, %add3A_433, %ge3A_435 : vector<4096x1xi32>
    %add3A_437 = arith.constant -1 : i32
    %add3A_438 = vector.broadcast %add3A_437 : i32 to vector<4096x1xi32>
    %add3A_439 = arith.addi %select_n3A, %add3A_438 : vector<4096x1xi32>
    %lt3A_440 = arith.constant 64 : i32
    %lt3A_441 = vector.broadcast %lt3A_440 : i32 to vector<4096x1xi32>
    %lt3A_442 = arith.cmpi slt, %add3A_439, %lt3A_441 : vector<4096x1xi32>
    %and3A_443 = arith.andi %ge3A_436, %lt3A_442 : vector<4096x1xi1>
    %add3A_444 = arith.constant 1 : i32
    %add3A_445 = vector.broadcast %add3A_444 : i32 to vector<4096x1xi32>
    %add3A_446 = arith.addi %select_n3A_44, %add3A_445 : vector<4096x1xi32>
    %ge3A_447 = arith.constant 0 : i32
    %ge3A_448 = vector.broadcast %ge3A_447 : i32 to vector<4096x1xi32>
    %ge3A_449 = arith.cmpi sge, %add3A_446, %ge3A_448 : vector<4096x1xi32>
    %and3A_450 = arith.andi %and3A_443, %ge3A_449 : vector<4096x1xi1>
    %add3A_451 = arith.constant 1 : i32
    %add3A_452 = vector.broadcast %add3A_451 : i32 to vector<4096x1xi32>
    %add3A_453 = arith.addi %select_n3A_44, %add3A_452 : vector<4096x1xi32>
    %lt3A_454 = arith.constant 64 : i32
    %lt3A_455 = vector.broadcast %lt3A_454 : i32 to vector<4096x1xi32>
    %lt3A_456 = arith.cmpi slt, %add3A_453, %lt3A_455 : vector<4096x1xi32>
    %and3A_457 = arith.andi %and3A_450, %lt3A_456 : vector<4096x1xi1>
    %jit3A_458 = arith.constant 0.000000e+00 : f32
    %broadcast_in_dim3A_459 = vector.shape_cast %and3A_457 : vector<4096x1xi1> to vector<4096x1xi1>
    %broadcast_in_dim3A_460 = vector.broadcast %broadcast_in_dim3A_459 : vector<4096x1xi1> to vector<4096x64xi1>
    %broadcast_in_dim3A_461 = vector.broadcast %jit3A_458 : f32 to vector<4096x64xf32>
    %select_n3A_462 = arith.select %broadcast_in_dim3A_460, %slice3A_430, %broadcast_in_dim3A_461 : vector<4096x64xi1>, vector<4096x64xf32>
    %slice3A_463 = vector.extract_strided_slice %concatenate3A_363 {offsets = [127, 0], sizes = [4096, 64], strides = [1, 1]} : vector<4352x64xf32> to vector<4096x64xf32>
    %add3A_464 = arith.constant 0 : i32
    %add3A_465 = vector.broadcast %add3A_464 : i32 to vector<4096x1xi32>
    %add3A_466 = arith.addi %select_n3A, %add3A_465 : vector<4096x1xi32>
    %ge3A_467 = arith.constant 0 : i32
    %ge3A_468 = vector.broadcast %ge3A_467 : i32 to vector<4096x1xi32>
    %ge3A_469 = arith.cmpi sge, %add3A_466, %ge3A_468 : vector<4096x1xi32>
    %add3A_470 = arith.constant 0 : i32
    %add3A_471 = vector.broadcast %add3A_470 : i32 to vector<4096x1xi32>
    %add3A_472 = arith.addi %select_n3A, %add3A_471 : vector<4096x1xi32>
    %lt3A_473 = arith.constant 64 : i32
    %lt3A_474 = vector.broadcast %lt3A_473 : i32 to vector<4096x1xi32>
    %lt3A_475 = arith.cmpi slt, %add3A_472, %lt3A_474 : vector<4096x1xi32>
    %and3A_476 = arith.andi %ge3A_469, %lt3A_475 : vector<4096x1xi1>
    %add3A_477 = arith.constant -1 : i32
    %add3A_478 = vector.broadcast %add3A_477 : i32 to vector<4096x1xi32>
    %add3A_479 = arith.addi %select_n3A_44, %add3A_478 : vector<4096x1xi32>
    %ge3A_480 = arith.constant 0 : i32
    %ge3A_481 = vector.broadcast %ge3A_480 : i32 to vector<4096x1xi32>
    %ge3A_482 = arith.cmpi sge, %add3A_479, %ge3A_481 : vector<4096x1xi32>
    %and3A_483 = arith.andi %and3A_476, %ge3A_482 : vector<4096x1xi1>
    %add3A_484 = arith.constant -1 : i32
    %add3A_485 = vector.broadcast %add3A_484 : i32 to vector<4096x1xi32>
    %add3A_486 = arith.addi %select_n3A_44, %add3A_485 : vector<4096x1xi32>
    %lt3A_487 = arith.constant 64 : i32
    %lt3A_488 = vector.broadcast %lt3A_487 : i32 to vector<4096x1xi32>
    %lt3A_489 = arith.cmpi slt, %add3A_486, %lt3A_488 : vector<4096x1xi32>
    %and3A_490 = arith.andi %and3A_483, %lt3A_489 : vector<4096x1xi1>
    %jit3A_491 = arith.constant 0.000000e+00 : f32
    %broadcast_in_dim3A_492 = vector.shape_cast %and3A_490 : vector<4096x1xi1> to vector<4096x1xi1>
    %broadcast_in_dim3A_493 = vector.broadcast %broadcast_in_dim3A_492 : vector<4096x1xi1> to vector<4096x64xi1>
    %broadcast_in_dim3A_494 = vector.broadcast %jit3A_491 : f32 to vector<4096x64xf32>
    %select_n3A_495 = arith.select %broadcast_in_dim3A_493, %slice3A_463, %broadcast_in_dim3A_494 : vector<4096x64xi1>, vector<4096x64xf32>
    %slice3A_496 = vector.extract_strided_slice %concatenate3A_363 {offsets = [128, 0], sizes = [4096, 64], strides = [1, 1]} : vector<4352x64xf32> to vector<4096x64xf32>
    %add3A_497 = arith.constant 0 : i32
    %add3A_498 = vector.broadcast %add3A_497 : i32 to vector<4096x1xi32>
    %add3A_499 = arith.addi %select_n3A, %add3A_498 : vector<4096x1xi32>
    %ge3A_500 = arith.constant 0 : i32
    %ge3A_501 = vector.broadcast %ge3A_500 : i32 to vector<4096x1xi32>
    %ge3A_502 = arith.cmpi sge, %add3A_499, %ge3A_501 : vector<4096x1xi32>
    %add3A_503 = arith.constant 0 : i32
    %add3A_504 = vector.broadcast %add3A_503 : i32 to vector<4096x1xi32>
    %add3A_505 = arith.addi %select_n3A, %add3A_504 : vector<4096x1xi32>
    %lt3A_506 = arith.constant 64 : i32
    %lt3A_507 = vector.broadcast %lt3A_506 : i32 to vector<4096x1xi32>
    %lt3A_508 = arith.cmpi slt, %add3A_505, %lt3A_507 : vector<4096x1xi32>
    %and3A_509 = arith.andi %ge3A_502, %lt3A_508 : vector<4096x1xi1>
    %add3A_510 = arith.constant 0 : i32
    %add3A_511 = vector.broadcast %add3A_510 : i32 to vector<4096x1xi32>
    %add3A_512 = arith.addi %select_n3A_44, %add3A_511 : vector<4096x1xi32>
    %ge3A_513 = arith.constant 0 : i32
    %ge3A_514 = vector.broadcast %ge3A_513 : i32 to vector<4096x1xi32>
    %ge3A_515 = arith.cmpi sge, %add3A_512, %ge3A_514 : vector<4096x1xi32>
    %and3A_516 = arith.andi %and3A_509, %ge3A_515 : vector<4096x1xi1>
    %add3A_517 = arith.constant 0 : i32
    %add3A_518 = vector.broadcast %add3A_517 : i32 to vector<4096x1xi32>
    %add3A_519 = arith.addi %select_n3A_44, %add3A_518 : vector<4096x1xi32>
    %lt3A_520 = arith.constant 64 : i32
    %lt3A_521 = vector.broadcast %lt3A_520 : i32 to vector<4096x1xi32>
    %lt3A_522 = arith.cmpi slt, %add3A_519, %lt3A_521 : vector<4096x1xi32>
    %and3A_523 = arith.andi %and3A_516, %lt3A_522 : vector<4096x1xi1>
    %jit3A_524 = arith.constant 0.000000e+00 : f32
    %broadcast_in_dim3A_525 = vector.shape_cast %and3A_523 : vector<4096x1xi1> to vector<4096x1xi1>
    %broadcast_in_dim3A_526 = vector.broadcast %broadcast_in_dim3A_525 : vector<4096x1xi1> to vector<4096x64xi1>
    %broadcast_in_dim3A_527 = vector.broadcast %jit3A_524 : f32 to vector<4096x64xf32>
    %select_n3A_528 = arith.select %broadcast_in_dim3A_526, %slice3A_496, %broadcast_in_dim3A_527 : vector<4096x64xi1>, vector<4096x64xf32>
    %slice3A_529 = vector.extract_strided_slice %concatenate3A_363 {offsets = [129, 0], sizes = [4096, 64], strides = [1, 1]} : vector<4352x64xf32> to vector<4096x64xf32>
    %add3A_530 = arith.constant 0 : i32
    %add3A_531 = vector.broadcast %add3A_530 : i32 to vector<4096x1xi32>
    %add3A_532 = arith.addi %select_n3A, %add3A_531 : vector<4096x1xi32>
    %ge3A_533 = arith.constant 0 : i32
    %ge3A_534 = vector.broadcast %ge3A_533 : i32 to vector<4096x1xi32>
    %ge3A_535 = arith.cmpi sge, %add3A_532, %ge3A_534 : vector<4096x1xi32>
    %add3A_536 = arith.constant 0 : i32
    %add3A_537 = vector.broadcast %add3A_536 : i32 to vector<4096x1xi32>
    %add3A_538 = arith.addi %select_n3A, %add3A_537 : vector<4096x1xi32>
    %lt3A_539 = arith.constant 64 : i32
    %lt3A_540 = vector.broadcast %lt3A_539 : i32 to vector<4096x1xi32>
    %lt3A_541 = arith.cmpi slt, %add3A_538, %lt3A_540 : vector<4096x1xi32>
    %and3A_542 = arith.andi %ge3A_535, %lt3A_541 : vector<4096x1xi1>
    %add3A_543 = arith.constant 1 : i32
    %add3A_544 = vector.broadcast %add3A_543 : i32 to vector<4096x1xi32>
    %add3A_545 = arith.addi %select_n3A_44, %add3A_544 : vector<4096x1xi32>
    %ge3A_546 = arith.constant 0 : i32
    %ge3A_547 = vector.broadcast %ge3A_546 : i32 to vector<4096x1xi32>
    %ge3A_548 = arith.cmpi sge, %add3A_545, %ge3A_547 : vector<4096x1xi32>
    %and3A_549 = arith.andi %and3A_542, %ge3A_548 : vector<4096x1xi1>
    %add3A_550 = arith.constant 1 : i32
    %add3A_551 = vector.broadcast %add3A_550 : i32 to vector<4096x1xi32>
    %add3A_552 = arith.addi %select_n3A_44, %add3A_551 : vector<4096x1xi32>
    %lt3A_553 = arith.constant 64 : i32
    %lt3A_554 = vector.broadcast %lt3A_553 : i32 to vector<4096x1xi32>
    %lt3A_555 = arith.cmpi slt, %add3A_552, %lt3A_554 : vector<4096x1xi32>
    %and3A_556 = arith.andi %and3A_549, %lt3A_555 : vector<4096x1xi1>
    %jit3A_557 = arith.constant 0.000000e+00 : f32
    %broadcast_in_dim3A_558 = vector.shape_cast %and3A_556 : vector<4096x1xi1> to vector<4096x1xi1>
    %broadcast_in_dim3A_559 = vector.broadcast %broadcast_in_dim3A_558 : vector<4096x1xi1> to vector<4096x64xi1>
    %broadcast_in_dim3A_560 = vector.broadcast %jit3A_557 : f32 to vector<4096x64xf32>
    %select_n3A_561 = arith.select %broadcast_in_dim3A_559, %slice3A_529, %broadcast_in_dim3A_560 : vector<4096x64xi1>, vector<4096x64xf32>
    %slice3A_562 = vector.extract_strided_slice %concatenate3A_363 {offsets = [191, 0], sizes = [4096, 64], strides = [1, 1]} : vector<4352x64xf32> to vector<4096x64xf32>
    %add3A_563 = arith.constant 1 : i32
    %add3A_564 = vector.broadcast %add3A_563 : i32 to vector<4096x1xi32>
    %add3A_565 = arith.addi %select_n3A, %add3A_564 : vector<4096x1xi32>
    %ge3A_566 = arith.constant 0 : i32
    %ge3A_567 = vector.broadcast %ge3A_566 : i32 to vector<4096x1xi32>
    %ge3A_568 = arith.cmpi sge, %add3A_565, %ge3A_567 : vector<4096x1xi32>
    %add3A_569 = arith.constant 1 : i32
    %add3A_570 = vector.broadcast %add3A_569 : i32 to vector<4096x1xi32>
    %add3A_571 = arith.addi %select_n3A, %add3A_570 : vector<4096x1xi32>
    %lt3A_572 = arith.constant 64 : i32
    %lt3A_573 = vector.broadcast %lt3A_572 : i32 to vector<4096x1xi32>
    %lt3A_574 = arith.cmpi slt, %add3A_571, %lt3A_573 : vector<4096x1xi32>
    %and3A_575 = arith.andi %ge3A_568, %lt3A_574 : vector<4096x1xi1>
    %add3A_576 = arith.constant -1 : i32
    %add3A_577 = vector.broadcast %add3A_576 : i32 to vector<4096x1xi32>
    %add3A_578 = arith.addi %select_n3A_44, %add3A_577 : vector<4096x1xi32>
    %ge3A_579 = arith.constant 0 : i32
    %ge3A_580 = vector.broadcast %ge3A_579 : i32 to vector<4096x1xi32>
    %ge3A_581 = arith.cmpi sge, %add3A_578, %ge3A_580 : vector<4096x1xi32>
    %and3A_582 = arith.andi %and3A_575, %ge3A_581 : vector<4096x1xi1>
    %add3A_583 = arith.constant -1 : i32
    %add3A_584 = vector.broadcast %add3A_583 : i32 to vector<4096x1xi32>
    %add3A_585 = arith.addi %select_n3A_44, %add3A_584 : vector<4096x1xi32>
    %lt3A_586 = arith.constant 64 : i32
    %lt3A_587 = vector.broadcast %lt3A_586 : i32 to vector<4096x1xi32>
    %lt3A_588 = arith.cmpi slt, %add3A_585, %lt3A_587 : vector<4096x1xi32>
    %and3A_589 = arith.andi %and3A_582, %lt3A_588 : vector<4096x1xi1>
    %jit3A_590 = arith.constant 0.000000e+00 : f32
    %broadcast_in_dim3A_591 = vector.shape_cast %and3A_589 : vector<4096x1xi1> to vector<4096x1xi1>
    %broadcast_in_dim3A_592 = vector.broadcast %broadcast_in_dim3A_591 : vector<4096x1xi1> to vector<4096x64xi1>
    %broadcast_in_dim3A_593 = vector.broadcast %jit3A_590 : f32 to vector<4096x64xf32>
    %select_n3A_594 = arith.select %broadcast_in_dim3A_592, %slice3A_562, %broadcast_in_dim3A_593 : vector<4096x64xi1>, vector<4096x64xf32>
    %slice3A_595 = vector.extract_strided_slice %concatenate3A_363 {offsets = [192, 0], sizes = [4096, 64], strides = [1, 1]} : vector<4352x64xf32> to vector<4096x64xf32>
    %add3A_596 = arith.constant 1 : i32
    %add3A_597 = vector.broadcast %add3A_596 : i32 to vector<4096x1xi32>
    %add3A_598 = arith.addi %select_n3A, %add3A_597 : vector<4096x1xi32>
    %ge3A_599 = arith.constant 0 : i32
    %ge3A_600 = vector.broadcast %ge3A_599 : i32 to vector<4096x1xi32>
    %ge3A_601 = arith.cmpi sge, %add3A_598, %ge3A_600 : vector<4096x1xi32>
    %add3A_602 = arith.constant 1 : i32
    %add3A_603 = vector.broadcast %add3A_602 : i32 to vector<4096x1xi32>
    %add3A_604 = arith.addi %select_n3A, %add3A_603 : vector<4096x1xi32>
    %lt3A_605 = arith.constant 64 : i32
    %lt3A_606 = vector.broadcast %lt3A_605 : i32 to vector<4096x1xi32>
    %lt3A_607 = arith.cmpi slt, %add3A_604, %lt3A_606 : vector<4096x1xi32>
    %and3A_608 = arith.andi %ge3A_601, %lt3A_607 : vector<4096x1xi1>
    %add3A_609 = arith.constant 0 : i32
    %add3A_610 = vector.broadcast %add3A_609 : i32 to vector<4096x1xi32>
    %add3A_611 = arith.addi %select_n3A_44, %add3A_610 : vector<4096x1xi32>
    %ge3A_612 = arith.constant 0 : i32
    %ge3A_613 = vector.broadcast %ge3A_612 : i32 to vector<4096x1xi32>
    %ge3A_614 = arith.cmpi sge, %add3A_611, %ge3A_613 : vector<4096x1xi32>
    %and3A_615 = arith.andi %and3A_608, %ge3A_614 : vector<4096x1xi1>
    %add3A_616 = arith.constant 0 : i32
    %add3A_617 = vector.broadcast %add3A_616 : i32 to vector<4096x1xi32>
    %add3A_618 = arith.addi %select_n3A_44, %add3A_617 : vector<4096x1xi32>
    %lt3A_619 = arith.constant 64 : i32
    %lt3A_620 = vector.broadcast %lt3A_619 : i32 to vector<4096x1xi32>
    %lt3A_621 = arith.cmpi slt, %add3A_618, %lt3A_620 : vector<4096x1xi32>
    %and3A_622 = arith.andi %and3A_615, %lt3A_621 : vector<4096x1xi1>
    %jit3A_623 = arith.constant 0.000000e+00 : f32
    %broadcast_in_dim3A_624 = vector.shape_cast %and3A_622 : vector<4096x1xi1> to vector<4096x1xi1>
    %broadcast_in_dim3A_625 = vector.broadcast %broadcast_in_dim3A_624 : vector<4096x1xi1> to vector<4096x64xi1>
    %broadcast_in_dim3A_626 = vector.broadcast %jit3A_623 : f32 to vector<4096x64xf32>
    %select_n3A_627 = arith.select %broadcast_in_dim3A_625, %slice3A_595, %broadcast_in_dim3A_626 : vector<4096x64xi1>, vector<4096x64xf32>
    %slice3A_628 = vector.extract_strided_slice %concatenate3A_363 {offsets = [193, 0], sizes = [4096, 64], strides = [1, 1]} : vector<4352x64xf32> to vector<4096x64xf32>
    %add3A_629 = arith.constant 1 : i32
    %add3A_630 = vector.broadcast %add3A_629 : i32 to vector<4096x1xi32>
    %add3A_631 = arith.addi %select_n3A, %add3A_630 : vector<4096x1xi32>
    %ge3A_632 = arith.constant 0 : i32
    %ge3A_633 = vector.broadcast %ge3A_632 : i32 to vector<4096x1xi32>
    %ge3A_634 = arith.cmpi sge, %add3A_631, %ge3A_633 : vector<4096x1xi32>
    %add3A_635 = arith.constant 1 : i32
    %add3A_636 = vector.broadcast %add3A_635 : i32 to vector<4096x1xi32>
    %add3A_637 = arith.addi %select_n3A, %add3A_636 : vector<4096x1xi32>
    %lt3A_638 = arith.constant 64 : i32
    %lt3A_639 = vector.broadcast %lt3A_638 : i32 to vector<4096x1xi32>
    %lt3A_640 = arith.cmpi slt, %add3A_637, %lt3A_639 : vector<4096x1xi32>
    %and3A_641 = arith.andi %ge3A_634, %lt3A_640 : vector<4096x1xi1>
    %add3A_642 = arith.constant 1 : i32
    %add3A_643 = vector.broadcast %add3A_642 : i32 to vector<4096x1xi32>
    %add3A_644 = arith.addi %select_n3A_44, %add3A_643 : vector<4096x1xi32>
    %ge3A_645 = arith.constant 0 : i32
    %ge3A_646 = vector.broadcast %ge3A_645 : i32 to vector<4096x1xi32>
    %ge3A_647 = arith.cmpi sge, %add3A_644, %ge3A_646 : vector<4096x1xi32>
    %and3A_648 = arith.andi %and3A_641, %ge3A_647 : vector<4096x1xi1>
    %add3A_649 = arith.constant 1 : i32
    %add3A_650 = vector.broadcast %add3A_649 : i32 to vector<4096x1xi32>
    %add3A_651 = arith.addi %select_n3A_44, %add3A_650 : vector<4096x1xi32>
    %lt3A_652 = arith.constant 64 : i32
    %lt3A_653 = vector.broadcast %lt3A_652 : i32 to vector<4096x1xi32>
    %lt3A_654 = arith.cmpi slt, %add3A_651, %lt3A_653 : vector<4096x1xi32>
    %and3A_655 = arith.andi %and3A_648, %lt3A_654 : vector<4096x1xi1>
    %jit3A_656 = arith.constant 0.000000e+00 : f32
    %broadcast_in_dim3A_657 = vector.shape_cast %and3A_655 : vector<4096x1xi1> to vector<4096x1xi1>
    %broadcast_in_dim3A_658 = vector.broadcast %broadcast_in_dim3A_657 : vector<4096x1xi1> to vector<4096x64xi1>
    %broadcast_in_dim3A_659 = vector.broadcast %jit3A_656 : f32 to vector<4096x64xf32>
    %select_n3A_660 = arith.select %broadcast_in_dim3A_658, %slice3A_628, %broadcast_in_dim3A_659 : vector<4096x64xi1>, vector<4096x64xf32>
    %concatenate3A_661 = tpu.concatenate %select_n3A_396, %select_n3A_429, %select_n3A_462, %select_n3A_495, %select_n3A_528, %select_n3A_561, %select_n3A_594, %select_n3A_627, %select_n3A_660 in 1 : vector<4096x64xf32>, vector<4096x64xf32>, vector<4096x64xf32>, vector<4096x64xf32>, vector<4096x64xf32>, vector<4096x64xf32>, vector<4096x64xf32>, vector<4096x64xf32>, vector<4096x64xf32> -> vector<4096x576xf32>
    %get3A_662 = arith.constant 0 : index
    %get3A_663 = arith.constant 0 : index
    %get3A_664 = vector.load %arg3[%get3A_662, %get3A_663] : memref<576x64xf32, #tpu.memory_space<vmem>>, vector<576x64xf32>
    %dot_general3A_665 = arith.constant dense<0.000000e+00> : vector<4096x64xf32>
    %dot_general3A_666 = tpu.matmul %concatenate3A_661, %get3A_664, %dot_general3A_665 {dimension_numbers = #tpu.dot_dimension_numbers<[1], [0], [0], [1], [0, 0, 1, 1], [], []>, transpose_lhs_hint = false} : vector<4096x576xf32>, vector<576x64xf32>, vector<4096x64xf32> -> vector<4096x64xf32>
    %get3A_667 = arith.constant 0 : index
    %get3A_668 = arith.constant 0 : index
    %get3A_669 = vector.load %arg4[%get3A_667, %get3A_668] : memref<1x64xf32, #tpu.memory_space<vmem>>, vector<1x64xf32>
    %add3A_670 = vector.broadcast %get3A_669 : vector<1x64xf32> to vector<4096x64xf32>
    %add3A_671 = arith.addf %dot_general3A_666, %add3A_670 : vector<4096x64xf32>
    %max3A_672 = arith.constant 0.000000e+00 : f32
    %max3A_673 = vector.broadcast %max3A_672 : f32 to vector<4096x64xf32>
    %max3A_674 = arith.maximumf %add3A_671, %max3A_673 : vector<4096x64xf32>
    %swap3A_675 = arith.constant 0 : index
    %swap3A_676 = arith.constant 0 : index
    %swap3A_677 = vector.load %arg5[%swap3A_675, %swap3A_676] : memref<4096x64xf32, #tpu.memory_space<vmem>>, vector<4096x64xf32>
    tpu.vector_store %arg5[%swap3A_675, %swap3A_676], %max3A_674 {strides = array<i32>} : memref<4096x64xf32, #tpu.memory_space<vmem>>, vector<4096x64xf32>,
    %broadcast_in_dim3A_678 = arith.constant 0.000000e+00 : f32
    %broadcast_in_dim3A_679 = vector.broadcast %broadcast_in_dim3A_678 : f32 to vector<128x16xf32>
    %concatenate3A_680 = tpu.concatenate %broadcast_in_dim3A_679, %slice3A_359, %broadcast_in_dim3A_679 in 0 : vector<128x16xf32>, vector<4096x16xf32>, vector<128x16xf32> -> vector<4352x16xf32>
    %slice3A_681 = vector.extract_strided_slice %concatenate3A_680 {offsets = [63, 0], sizes = [4096, 16], strides = [1, 1]} : vector<4352x16xf32> to vector<4096x16xf32>
    %add3A_682 = arith.constant -1 : i32
    %add3A_683 = vector.broadcast %add3A_682 : i32 to vector<4096x1xi32>
    %add3A_684 = arith.addi %select_n3A, %add3A_683 : vector<4096x1xi32>
    %ge3A_685 = arith.constant 0 : i32
    %ge3A_686 = vector.broadcast %ge3A_685 : i32 to vector<4096x1xi32>
    %ge3A_687 = arith.cmpi sge, %add3A_684, %ge3A_686 : vector<4096x1xi32>
    %add3A_688 = arith.constant -1 : i32
    %add3A_689 = vector.broadcast %add3A_688 : i32 to vector<4096x1xi32>
    %add3A_690 = arith.addi %select_n3A, %add3A_689 : vector<4096x1xi32>
    %lt3A_691 = arith.constant 64 : i32
    %lt3A_692 = vector.broadcast %lt3A_691 : i32 to vector<4096x1xi32>
    %lt3A_693 = arith.cmpi slt, %add3A_690, %lt3A_692 : vector<4096x1xi32>
    %and3A_694 = arith.andi %ge3A_687, %lt3A_693 : vector<4096x1xi1>
    %add3A_695 = arith.constant -1 : i32
    %add3A_696 = vector.broadcast %add3A_695 : i32 to vector<4096x1xi32>
    %add3A_697 = arith.addi %select_n3A_44, %add3A_696 : vector<4096x1xi32>
    %ge3A_698 = arith.constant 0 : i32
    %ge3A_699 = vector.broadcast %ge3A_698 : i32 to vector<4096x1xi32>
    %ge3A_700 = arith.cmpi sge, %add3A_697, %ge3A_699 : vector<4096x1xi32>
    %and3A_701 = arith.andi %and3A_694, %ge3A_700 : vector<4096x1xi1>
    %add3A_702 = arith.constant -1 : i32
    %add3A_703 = vector.broadcast %add3A_702 : i32 to vector<4096x1xi32>
    %add3A_704 = arith.addi %select_n3A_44, %add3A_703 : vector<4096x1xi32>
    %lt3A_705 = arith.constant 64 : i32
    %lt3A_706 = vector.broadcast %lt3A_705 : i32 to vector<4096x1xi32>
    %lt3A_707 = arith.cmpi slt, %add3A_704, %lt3A_706 : vector<4096x1xi32>
    %and3A_708 = arith.andi %and3A_701, %lt3A_707 : vector<4096x1xi1>
    %jit3A_709 = arith.constant 0.000000e+00 : f32
    %broadcast_in_dim3A_710 = vector.shape_cast %and3A_708 : vector<4096x1xi1> to vector<4096x1xi1>
    %broadcast_in_dim3A_711 = vector.broadcast %broadcast_in_dim3A_710 : vector<4096x1xi1> to vector<4096x16xi1>
    %broadcast_in_dim3A_712 = vector.broadcast %jit3A_709 : f32 to vector<4096x16xf32>
    %select_n3A_713 = arith.select %broadcast_in_dim3A_711, %slice3A_681, %broadcast_in_dim3A_712 : vector<4096x16xi1>, vector<4096x16xf32>
    %slice3A_714 = vector.extract_strided_slice %concatenate3A_680 {offsets = [64, 0], sizes = [4096, 16], strides = [1, 1]} : vector<4352x16xf32> to vector<4096x16xf32>
    %add3A_715 = arith.constant -1 : i32
    %add3A_716 = vector.broadcast %add3A_715 : i32 to vector<4096x1xi32>
    %add3A_717 = arith.addi %select_n3A, %add3A_716 : vector<4096x1xi32>
    %ge3A_718 = arith.constant 0 : i32
    %ge3A_719 = vector.broadcast %ge3A_718 : i32 to vector<4096x1xi32>
    %ge3A_720 = arith.cmpi sge, %add3A_717, %ge3A_719 : vector<4096x1xi32>
    %add3A_721 = arith.constant -1 : i32
    %add3A_722 = vector.broadcast %add3A_721 : i32 to vector<4096x1xi32>
    %add3A_723 = arith.addi %select_n3A, %add3A_722 : vector<4096x1xi32>
    %lt3A_724 = arith.constant 64 : i32
    %lt3A_725 = vector.broadcast %lt3A_724 : i32 to vector<4096x1xi32>
    %lt3A_726 = arith.cmpi slt, %add3A_723, %lt3A_725 : vector<4096x1xi32>
    %and3A_727 = arith.andi %ge3A_720, %lt3A_726 : vector<4096x1xi1>
    %add3A_728 = arith.constant 0 : i32
    %add3A_729 = vector.broadcast %add3A_728 : i32 to vector<4096x1xi32>
    %add3A_730 = arith.addi %select_n3A_44, %add3A_729 : vector<4096x1xi32>
    %ge3A_731 = arith.constant 0 : i32
    %ge3A_732 = vector.broadcast %ge3A_731 : i32 to vector<4096x1xi32>
    %ge3A_733 = arith.cmpi sge, %add3A_730, %ge3A_732 : vector<4096x1xi32>
    %and3A_734 = arith.andi %and3A_727, %ge3A_733 : vector<4096x1xi1>
    %add3A_735 = arith.constant 0 : i32
    %add3A_736 = vector.broadcast %add3A_735 : i32 to vector<4096x1xi32>
    %add3A_737 = arith.addi %select_n3A_44, %add3A_736 : vector<4096x1xi32>
    %lt3A_738 = arith.constant 64 : i32
    %lt3A_739 = vector.broadcast %lt3A_738 : i32 to vector<4096x1xi32>
    %lt3A_740 = arith.cmpi slt, %add3A_737, %lt3A_739 : vector<4096x1xi32>
    %and3A_741 = arith.andi %and3A_734, %lt3A_740 : vector<4096x1xi1>
    %jit3A_742 = arith.constant 0.000000e+00 : f32
    %broadcast_in_dim3A_743 = vector.shape_cast %and3A_741 : vector<4096x1xi1> to vector<4096x1xi1>
    %broadcast_in_dim3A_744 = vector.broadcast %broadcast_in_dim3A_743 : vector<4096x1xi1> to vector<4096x16xi1>
    %broadcast_in_dim3A_745 = vector.broadcast %jit3A_742 : f32 to vector<4096x16xf32>
    %select_n3A_746 = arith.select %broadcast_in_dim3A_744, %slice3A_714, %broadcast_in_dim3A_745 : vector<4096x16xi1>, vector<4096x16xf32>
    %slice3A_747 = vector.extract_strided_slice %concatenate3A_680 {offsets = [65, 0], sizes = [4096, 16], strides = [1, 1]} : vector<4352x16xf32> to vector<4096x16xf32>
    %add3A_748 = arith.constant -1 : i32
    %add3A_749 = vector.broadcast %add3A_748 : i32 to vector<4096x1xi32>
    %add3A_750 = arith.addi %select_n3A, %add3A_749 : vector<4096x1xi32>
    %ge3A_751 = arith.constant 0 : i32
    %ge3A_752 = vector.broadcast %ge3A_751 : i32 to vector<4096x1xi32>
    %ge3A_753 = arith.cmpi sge, %add3A_750, %ge3A_752 : vector<4096x1xi32>
    %add3A_754 = arith.constant -1 : i32
    %add3A_755 = vector.broadcast %add3A_754 : i32 to vector<4096x1xi32>
    %add3A_756 = arith.addi %select_n3A, %add3A_755 : vector<4096x1xi32>
    %lt3A_757 = arith.constant 64 : i32
    %lt3A_758 = vector.broadcast %lt3A_757 : i32 to vector<4096x1xi32>
    %lt3A_759 = arith.cmpi slt, %add3A_756, %lt3A_758 : vector<4096x1xi32>
    %and3A_760 = arith.andi %ge3A_753, %lt3A_759 : vector<4096x1xi1>
    %add3A_761 = arith.constant 1 : i32
    %add3A_762 = vector.broadcast %add3A_761 : i32 to vector<4096x1xi32>
    %add3A_763 = arith.addi %select_n3A_44, %add3A_762 : vector<4096x1xi32>
    %ge3A_764 = arith.constant 0 : i32
    %ge3A_765 = vector.broadcast %ge3A_764 : i32 to vector<4096x1xi32>
    %ge3A_766 = arith.cmpi sge, %add3A_763, %ge3A_765 : vector<4096x1xi32>
    %and3A_767 = arith.andi %and3A_760, %ge3A_766 : vector<4096x1xi1>
    %add3A_768 = arith.constant 1 : i32
    %add3A_769 = vector.broadcast %add3A_768 : i32 to vector<4096x1xi32>
    %add3A_770 = arith.addi %select_n3A_44, %add3A_769 : vector<4096x1xi32>
    %lt3A_771 = arith.constant 64 : i32
    %lt3A_772 = vector.broadcast %lt3A_771 : i32 to vector<4096x1xi32>
    %lt3A_773 = arith.cmpi slt, %add3A_770, %lt3A_772 : vector<4096x1xi32>
    %and3A_774 = arith.andi %and3A_767, %lt3A_773 : vector<4096x1xi1>
    %jit3A_775 = arith.constant 0.000000e+00 : f32
    %broadcast_in_dim3A_776 = vector.shape_cast %and3A_774 : vector<4096x1xi1> to vector<4096x1xi1>
    %broadcast_in_dim3A_777 = vector.broadcast %broadcast_in_dim3A_776 : vector<4096x1xi1> to vector<4096x16xi1>
    %broadcast_in_dim3A_778 = vector.broadcast %jit3A_775 : f32 to vector<4096x16xf32>
    %select_n3A_779 = arith.select %broadcast_in_dim3A_777, %slice3A_747, %broadcast_in_dim3A_778 : vector<4096x16xi1>, vector<4096x16xf32>
    %slice3A_780 = vector.extract_strided_slice %concatenate3A_680 {offsets = [127, 0], sizes = [4096, 16], strides = [1, 1]} : vector<4352x16xf32> to vector<4096x16xf32>
    %add3A_781 = arith.constant 0 : i32
    %add3A_782 = vector.broadcast %add3A_781 : i32 to vector<4096x1xi32>
    %add3A_783 = arith.addi %select_n3A, %add3A_782 : vector<4096x1xi32>
    %ge3A_784 = arith.constant 0 : i32
    %ge3A_785 = vector.broadcast %ge3A_784 : i32 to vector<4096x1xi32>
    %ge3A_786 = arith.cmpi sge, %add3A_783, %ge3A_785 : vector<4096x1xi32>
    %add3A_787 = arith.constant 0 : i32
    %add3A_788 = vector.broadcast %add3A_787 : i32 to vector<4096x1xi32>
    %add3A_789 = arith.addi %select_n3A, %add3A_788 : vector<4096x1xi32>
    %lt3A_790 = arith.constant 64 : i32
    %lt3A_791 = vector.broadcast %lt3A_790 : i32 to vector<4096x1xi32>
    %lt3A_792 = arith.cmpi slt, %add3A_789, %lt3A_791 : vector<4096x1xi32>
    %and3A_793 = arith.andi %ge3A_786, %lt3A_792 : vector<4096x1xi1>
    %add3A_794 = arith.constant -1 : i32
    %add3A_795 = vector.broadcast %add3A_794 : i32 to vector<4096x1xi32>
    %add3A_796 = arith.addi %select_n3A_44, %add3A_795 : vector<4096x1xi32>
    %ge3A_797 = arith.constant 0 : i32
    %ge3A_798 = vector.broadcast %ge3A_797 : i32 to vector<4096x1xi32>
    %ge3A_799 = arith.cmpi sge, %add3A_796, %ge3A_798 : vector<4096x1xi32>
    %and3A_800 = arith.andi %and3A_793, %ge3A_799 : vector<4096x1xi1>
    %add3A_801 = arith.constant -1 : i32
    %add3A_802 = vector.broadcast %add3A_801 : i32 to vector<4096x1xi32>
    %add3A_803 = arith.addi %select_n3A_44, %add3A_802 : vector<4096x1xi32>
    %lt3A_804 = arith.constant 64 : i32
    %lt3A_805 = vector.broadcast %lt3A_804 : i32 to vector<4096x1xi32>
    %lt3A_806 = arith.cmpi slt, %add3A_803, %lt3A_805 : vector<4096x1xi32>
    %and3A_807 = arith.andi %and3A_800, %lt3A_806 : vector<4096x1xi1>
    %jit3A_808 = arith.constant 0.000000e+00 : f32
    %broadcast_in_dim3A_809 = vector.shape_cast %and3A_807 : vector<4096x1xi1> to vector<4096x1xi1>
    %broadcast_in_dim3A_810 = vector.broadcast %broadcast_in_dim3A_809 : vector<4096x1xi1> to vector<4096x16xi1>
    %broadcast_in_dim3A_811 = vector.broadcast %jit3A_808 : f32 to vector<4096x16xf32>
    %select_n3A_812 = arith.select %broadcast_in_dim3A_810, %slice3A_780, %broadcast_in_dim3A_811 : vector<4096x16xi1>, vector<4096x16xf32>
    %slice3A_813 = vector.extract_strided_slice %concatenate3A_680 {offsets = [128, 0], sizes = [4096, 16], strides = [1, 1]} : vector<4352x16xf32> to vector<4096x16xf32>
    %add3A_814 = arith.constant 0 : i32
    %add3A_815 = vector.broadcast %add3A_814 : i32 to vector<4096x1xi32>
    %add3A_816 = arith.addi %select_n3A, %add3A_815 : vector<4096x1xi32>
    %ge3A_817 = arith.constant 0 : i32
    %ge3A_818 = vector.broadcast %ge3A_817 : i32 to vector<4096x1xi32>
    %ge3A_819 = arith.cmpi sge, %add3A_816, %ge3A_818 : vector<4096x1xi32>
    %add3A_820 = arith.constant 0 : i32
    %add3A_821 = vector.broadcast %add3A_820 : i32 to vector<4096x1xi32>
    %add3A_822 = arith.addi %select_n3A, %add3A_821 : vector<4096x1xi32>
    %lt3A_823 = arith.constant 64 : i32
    %lt3A_824 = vector.broadcast %lt3A_823 : i32 to vector<4096x1xi32>
    %lt3A_825 = arith.cmpi slt, %add3A_822, %lt3A_824 : vector<4096x1xi32>
    %and3A_826 = arith.andi %ge3A_819, %lt3A_825 : vector<4096x1xi1>
    %add3A_827 = arith.constant 0 : i32
    %add3A_828 = vector.broadcast %add3A_827 : i32 to vector<4096x1xi32>
    %add3A_829 = arith.addi %select_n3A_44, %add3A_828 : vector<4096x1xi32>
    %ge3A_830 = arith.constant 0 : i32
    %ge3A_831 = vector.broadcast %ge3A_830 : i32 to vector<4096x1xi32>
    %ge3A_832 = arith.cmpi sge, %add3A_829, %ge3A_831 : vector<4096x1xi32>
    %and3A_833 = arith.andi %and3A_826, %ge3A_832 : vector<4096x1xi1>
    %add3A_834 = arith.constant 0 : i32
    %add3A_835 = vector.broadcast %add3A_834 : i32 to vector<4096x1xi32>
    %add3A_836 = arith.addi %select_n3A_44, %add3A_835 : vector<4096x1xi32>
    %lt3A_837 = arith.constant 64 : i32
    %lt3A_838 = vector.broadcast %lt3A_837 : i32 to vector<4096x1xi32>
    %lt3A_839 = arith.cmpi slt, %add3A_836, %lt3A_838 : vector<4096x1xi32>
    %and3A_840 = arith.andi %and3A_833, %lt3A_839 : vector<4096x1xi1>
    %jit3A_841 = arith.constant 0.000000e+00 : f32
    %broadcast_in_dim3A_842 = vector.shape_cast %and3A_840 : vector<4096x1xi1> to vector<4096x1xi1>
    %broadcast_in_dim3A_843 = vector.broadcast %broadcast_in_dim3A_842 : vector<4096x1xi1> to vector<4096x16xi1>
    %broadcast_in_dim3A_844 = vector.broadcast %jit3A_841 : f32 to vector<4096x16xf32>
    %select_n3A_845 = arith.select %broadcast_in_dim3A_843, %slice3A_813, %broadcast_in_dim3A_844 : vector<4096x16xi1>, vector<4096x16xf32>
    %slice3A_846 = vector.extract_strided_slice %concatenate3A_680 {offsets = [129, 0], sizes = [4096, 16], strides = [1, 1]} : vector<4352x16xf32> to vector<4096x16xf32>
    %add3A_847 = arith.constant 0 : i32
    %add3A_848 = vector.broadcast %add3A_847 : i32 to vector<4096x1xi32>
    %add3A_849 = arith.addi %select_n3A, %add3A_848 : vector<4096x1xi32>
    %ge3A_850 = arith.constant 0 : i32
    %ge3A_851 = vector.broadcast %ge3A_850 : i32 to vector<4096x1xi32>
    %ge3A_852 = arith.cmpi sge, %add3A_849, %ge3A_851 : vector<4096x1xi32>
    %add3A_853 = arith.constant 0 : i32
    %add3A_854 = vector.broadcast %add3A_853 : i32 to vector<4096x1xi32>
    %add3A_855 = arith.addi %select_n3A, %add3A_854 : vector<4096x1xi32>
    %lt3A_856 = arith.constant 64 : i32
    %lt3A_857 = vector.broadcast %lt3A_856 : i32 to vector<4096x1xi32>
    %lt3A_858 = arith.cmpi slt, %add3A_855, %lt3A_857 : vector<4096x1xi32>
    %and3A_859 = arith.andi %ge3A_852, %lt3A_858 : vector<4096x1xi1>
    %add3A_860 = arith.constant 1 : i32
    %add3A_861 = vector.broadcast %add3A_860 : i32 to vector<4096x1xi32>
    %add3A_862 = arith.addi %select_n3A_44, %add3A_861 : vector<4096x1xi32>
    %ge3A_863 = arith.constant 0 : i32
    %ge3A_864 = vector.broadcast %ge3A_863 : i32 to vector<4096x1xi32>
    %ge3A_865 = arith.cmpi sge, %add3A_862, %ge3A_864 : vector<4096x1xi32>
    %and3A_866 = arith.andi %and3A_859, %ge3A_865 : vector<4096x1xi1>
    %add3A_867 = arith.constant 1 : i32
    %add3A_868 = vector.broadcast %add3A_867 : i32 to vector<4096x1xi32>
    %add3A_869 = arith.addi %select_n3A_44, %add3A_868 : vector<4096x1xi32>
    %lt3A_870 = arith.constant 64 : i32
    %lt3A_871 = vector.broadcast %lt3A_870 : i32 to vector<4096x1xi32>
    %lt3A_872 = arith.cmpi slt, %add3A_869, %lt3A_871 : vector<4096x1xi32>
    %and3A_873 = arith.andi %and3A_866, %lt3A_872 : vector<4096x1xi1>
    %jit3A_874 = arith.constant 0.000000e+00 : f32
    %broadcast_in_dim3A_875 = vector.shape_cast %and3A_873 : vector<4096x1xi1> to vector<4096x1xi1>
    %broadcast_in_dim3A_876 = vector.broadcast %broadcast_in_dim3A_875 : vector<4096x1xi1> to vector<4096x16xi1>
    %broadcast_in_dim3A_877 = vector.broadcast %jit3A_874 : f32 to vector<4096x16xf32>
    %select_n3A_878 = arith.select %broadcast_in_dim3A_876, %slice3A_846, %broadcast_in_dim3A_877 : vector<4096x16xi1>, vector<4096x16xf32>
    %slice3A_879 = vector.extract_strided_slice %concatenate3A_680 {offsets = [191, 0], sizes = [4096, 16], strides = [1, 1]} : vector<4352x16xf32> to vector<4096x16xf32>
    %add3A_880 = arith.constant 1 : i32
    %add3A_881 = vector.broadcast %add3A_880 : i32 to vector<4096x1xi32>
    %add3A_882 = arith.addi %select_n3A, %add3A_881 : vector<4096x1xi32>
    %ge3A_883 = arith.constant 0 : i32
    %ge3A_884 = vector.broadcast %ge3A_883 : i32 to vector<4096x1xi32>
    %ge3A_885 = arith.cmpi sge, %add3A_882, %ge3A_884 : vector<4096x1xi32>
    %add3A_886 = arith.constant 1 : i32
    %add3A_887 = vector.broadcast %add3A_886 : i32 to vector<4096x1xi32>
    %add3A_888 = arith.addi %select_n3A, %add3A_887 : vector<4096x1xi32>
    %lt3A_889 = arith.constant 64 : i32
    %lt3A_890 = vector.broadcast %lt3A_889 : i32 to vector<4096x1xi32>
    %lt3A_891 = arith.cmpi slt, %add3A_888, %lt3A_890 : vector<4096x1xi32>
    %and3A_892 = arith.andi %ge3A_885, %lt3A_891 : vector<4096x1xi1>
    %add3A_893 = arith.constant -1 : i32
    %add3A_894 = vector.broadcast %add3A_893 : i32 to vector<4096x1xi32>
    %add3A_895 = arith.addi %select_n3A_44, %add3A_894 : vector<4096x1xi32>
    %ge3A_896 = arith.constant 0 : i32
    %ge3A_897 = vector.broadcast %ge3A_896 : i32 to vector<4096x1xi32>
    %ge3A_898 = arith.cmpi sge, %add3A_895, %ge3A_897 : vector<4096x1xi32>
    %and3A_899 = arith.andi %and3A_892, %ge3A_898 : vector<4096x1xi1>
    %add3A_900 = arith.constant -1 : i32
    %add3A_901 = vector.broadcast %add3A_900 : i32 to vector<4096x1xi32>
    %add3A_902 = arith.addi %select_n3A_44, %add3A_901 : vector<4096x1xi32>
    %lt3A_903 = arith.constant 64 : i32
    %lt3A_904 = vector.broadcast %lt3A_903 : i32 to vector<4096x1xi32>
    %lt3A_905 = arith.cmpi slt, %add3A_902, %lt3A_904 : vector<4096x1xi32>
    %and3A_906 = arith.andi %and3A_899, %lt3A_905 : vector<4096x1xi1>
    %jit3A_907 = arith.constant 0.000000e+00 : f32
    %broadcast_in_dim3A_908 = vector.shape_cast %and3A_906 : vector<4096x1xi1> to vector<4096x1xi1>
    %broadcast_in_dim3A_909 = vector.broadcast %broadcast_in_dim3A_908 : vector<4096x1xi1> to vector<4096x16xi1>
    %broadcast_in_dim3A_910 = vector.broadcast %jit3A_907 : f32 to vector<4096x16xf32>
    %select_n3A_911 = arith.select %broadcast_in_dim3A_909, %slice3A_879, %broadcast_in_dim3A_910 : vector<4096x16xi1>, vector<4096x16xf32>
    %slice3A_912 = vector.extract_strided_slice %concatenate3A_680 {offsets = [192, 0], sizes = [4096, 16], strides = [1, 1]} : vector<4352x16xf32> to vector<4096x16xf32>
    %add3A_913 = arith.constant 1 : i32
    %add3A_914 = vector.broadcast %add3A_913 : i32 to vector<4096x1xi32>
    %add3A_915 = arith.addi %select_n3A, %add3A_914 : vector<4096x1xi32>
    %ge3A_916 = arith.constant 0 : i32
    %ge3A_917 = vector.broadcast %ge3A_916 : i32 to vector<4096x1xi32>
    %ge3A_918 = arith.cmpi sge, %add3A_915, %ge3A_917 : vector<4096x1xi32>
    %add3A_919 = arith.constant 1 : i32
    %add3A_920 = vector.broadcast %add3A_919 : i32 to vector<4096x1xi32>
    %add3A_921 = arith.addi %select_n3A, %add3A_920 : vector<4096x1xi32>
    %lt3A_922 = arith.constant 64 : i32
    %lt3A_923 = vector.broadcast %lt3A_922 : i32 to vector<4096x1xi32>
    %lt3A_924 = arith.cmpi slt, %add3A_921, %lt3A_923 : vector<4096x1xi32>
    %and3A_925 = arith.andi %ge3A_918, %lt3A_924 : vector<4096x1xi1>
    %add3A_926 = arith.constant 0 : i32
    %add3A_927 = vector.broadcast %add3A_926 : i32 to vector<4096x1xi32>
    %add3A_928 = arith.addi %select_n3A_44, %add3A_927 : vector<4096x1xi32>
    %ge3A_929 = arith.constant 0 : i32
    %ge3A_930 = vector.broadcast %ge3A_929 : i32 to vector<4096x1xi32>
    %ge3A_931 = arith.cmpi sge, %add3A_928, %ge3A_930 : vector<4096x1xi32>
    %and3A_932 = arith.andi %and3A_925, %ge3A_931 : vector<4096x1xi1>
    %add3A_933 = arith.constant 0 : i32
    %add3A_934 = vector.broadcast %add3A_933 : i32 to vector<4096x1xi32>
    %add3A_935 = arith.addi %select_n3A_44, %add3A_934 : vector<4096x1xi32>
    %lt3A_936 = arith.constant 64 : i32
    %lt3A_937 = vector.broadcast %lt3A_936 : i32 to vector<4096x1xi32>
    %lt3A_938 = arith.cmpi slt, %add3A_935, %lt3A_937 : vector<4096x1xi32>
    %and3A_939 = arith.andi %and3A_932, %lt3A_938 : vector<4096x1xi1>
    %jit3A_940 = arith.constant 0.000000e+00 : f32
    %broadcast_in_dim3A_941 = vector.shape_cast %and3A_939 : vector<4096x1xi1> to vector<4096x1xi1>
    %broadcast_in_dim3A_942 = vector.broadcast %broadcast_in_dim3A_941 : vector<4096x1xi1> to vector<4096x16xi1>
    %broadcast_in_dim3A_943 = vector.broadcast %jit3A_940 : f32 to vector<4096x16xf32>
    %select_n3A_944 = arith.select %broadcast_in_dim3A_942, %slice3A_912, %broadcast_in_dim3A_943 : vector<4096x16xi1>, vector<4096x16xf32>
    %slice3A_945 = vector.extract_strided_slice %concatenate3A_680 {offsets = [193, 0], sizes = [4096, 16], strides = [1, 1]} : vector<4352x16xf32> to vector<4096x16xf32>
    %add3A_946 = arith.constant 1 : i32
    %add3A_947 = vector.broadcast %add3A_946 : i32 to vector<4096x1xi32>
    %add3A_948 = arith.addi %select_n3A, %add3A_947 : vector<4096x1xi32>
    %ge3A_949 = arith.constant 0 : i32
    %ge3A_950 = vector.broadcast %ge3A_949 : i32 to vector<4096x1xi32>
    %ge3A_951 = arith.cmpi sge, %add3A_948, %ge3A_950 : vector<4096x1xi32>
    %add3A_952 = arith.constant 1 : i32
    %add3A_953 = vector.broadcast %add3A_952 : i32 to vector<4096x1xi32>
    %add3A_954 = arith.addi %select_n3A, %add3A_953 : vector<4096x1xi32>
    %lt3A_955 = arith.constant 64 : i32
    %lt3A_956 = vector.broadcast %lt3A_955 : i32 to vector<4096x1xi32>
    %lt3A_957 = arith.cmpi slt, %add3A_954, %lt3A_956 : vector<4096x1xi32>
    %and3A_958 = arith.andi %ge3A_951, %lt3A_957 : vector<4096x1xi1>
    %add3A_959 = arith.constant 1 : i32
    %add3A_960 = vector.broadcast %add3A_959 : i32 to vector<4096x1xi32>
    %add3A_961 = arith.addi %select_n3A_44, %add3A_960 : vector<4096x1xi32>
    %ge3A_962 = arith.constant 0 : i32
    %ge3A_963 = vector.broadcast %ge3A_962 : i32 to vector<4096x1xi32>
    %ge3A_964 = arith.cmpi sge, %add3A_961, %ge3A_963 : vector<4096x1xi32>
    %and3A_965 = arith.andi %and3A_958, %ge3A_964 : vector<4096x1xi1>
    %add3A_966 = arith.constant 1 : i32
    %add3A_967 = vector.broadcast %add3A_966 : i32 to vector<4096x1xi32>
    %add3A_968 = arith.addi %select_n3A_44, %add3A_967 : vector<4096x1xi32>
    %lt3A_969 = arith.constant 64 : i32
    %lt3A_970 = vector.broadcast %lt3A_969 : i32 to vector<4096x1xi32>
    %lt3A_971 = arith.cmpi slt, %add3A_968, %lt3A_970 : vector<4096x1xi32>
    %and3A_972 = arith.andi %and3A_965, %lt3A_971 : vector<4096x1xi1>
    %jit3A_973 = arith.constant 0.000000e+00 : f32
    %broadcast_in_dim3A_974 = vector.shape_cast %and3A_972 : vector<4096x1xi1> to vector<4096x1xi1>
    %broadcast_in_dim3A_975 = vector.broadcast %broadcast_in_dim3A_974 : vector<4096x1xi1> to vector<4096x16xi1>
    %broadcast_in_dim3A_976 = vector.broadcast %jit3A_973 : f32 to vector<4096x16xf32>
    %select_n3A_977 = arith.select %broadcast_in_dim3A_975, %slice3A_945, %broadcast_in_dim3A_976 : vector<4096x16xi1>, vector<4096x16xf32>
    %concatenate3A_978 = tpu.concatenate %select_n3A_713, %select_n3A_746, %select_n3A_779, %select_n3A_812, %select_n3A_845, %select_n3A_878, %select_n3A_911, %select_n3A_944, %select_n3A_977 in 1 : vector<4096x16xf32>, vector<4096x16xf32>, vector<4096x16xf32>, vector<4096x16xf32>, vector<4096x16xf32>, vector<4096x16xf32>, vector<4096x16xf32>, vector<4096x16xf32>, vector<4096x16xf32> -> vector<4096x144xf32>
    %mul3A = arith.mulf %concatenate3A_978, %concatenate3A_978 : vector<4096x144xf32>
    %reduce_sum3A = arith.constant dense<0.000000e+00> : vector<4096xf32>
    %reduce_sum3A_979 = vector.multi_reduction <add>, %mul3A, %reduce_sum3A [1] : vector<4096x144xf32> to vector<4096xf32>
    %broadcast_in_dim3A_980 = vector.shape_cast %reduce_sum3A_979 : vector<4096xf32> to vector<4096x1xf32>
    %max3A_981 = arith.constant 1.000000e-24 : f32
    %max3A_982 = vector.broadcast %max3A_981 : f32 to vector<4096x1xf32>
    %max3A_983 = arith.maximumf %broadcast_in_dim3A_980, %max3A_982 : vector<4096x1xf32>
    %rsqrt3A = math.rsqrt %max3A_983 : vector<4096x1xf32>
    %mul3A_984 = vector.broadcast %rsqrt3A : vector<4096x1xf32> to vector<4096x144xf32>
    %mul3A_985 = arith.mulf %concatenate3A_978, %mul3A_984 : vector<4096x144xf32>
    %swap3A_986 = arith.constant 0 : index
    %swap3A_987 = arith.constant 0 : index
    %swap3A_988 = vector.load %arg6[%swap3A_986, %swap3A_987] : memref<4096x144xf32, #tpu.memory_space<vmem>>, vector<4096x144xf32>
    tpu.vector_store %arg6[%swap3A_986, %swap3A_987], %mul3A_985 {strides = array<i32>} : memref<4096x144xf32, #tpu.memory_space<vmem>>, vector<4096x144xf32>,
    %broadcast_in_dim3A_989 = arith.constant 0.000000e+00 : f32
    %broadcast_in_dim3A_990 = vector.broadcast %broadcast_in_dim3A_989 : f32 to vector<128x16xf32>
    %concatenate3A_991 = tpu.concatenate %broadcast_in_dim3A_990, %slice3A_360, %broadcast_in_dim3A_990 in 0 : vector<128x16xf32>, vector<4096x16xf32>, vector<128x16xf32> -> vector<4352x16xf32>
    %slice3A_992 = vector.extract_strided_slice %concatenate3A_991 {offsets = [63, 0], sizes = [4096, 16], strides = [1, 1]} : vector<4352x16xf32> to vector<4096x16xf32>
    %add3A_993 = arith.constant -1 : i32
    %add3A_994 = vector.broadcast %add3A_993 : i32 to vector<4096x1xi32>
    %add3A_995 = arith.addi %select_n3A, %add3A_994 : vector<4096x1xi32>
    %ge3A_996 = arith.constant 0 : i32
    %ge3A_997 = vector.broadcast %ge3A_996 : i32 to vector<4096x1xi32>
    %ge3A_998 = arith.cmpi sge, %add3A_995, %ge3A_997 : vector<4096x1xi32>
    %add3A_999 = arith.constant -1 : i32
    %add3A_1000 = vector.broadcast %add3A_999 : i32 to vector<4096x1xi32>
    %add3A_1001 = arith.addi %select_n3A, %add3A_1000 : vector<4096x1xi32>
    %lt3A_1002 = arith.constant 64 : i32
    %lt3A_1003 = vector.broadcast %lt3A_1002 : i32 to vector<4096x1xi32>
    %lt3A_1004 = arith.cmpi slt, %add3A_1001, %lt3A_1003 : vector<4096x1xi32>
    %and3A_1005 = arith.andi %ge3A_998, %lt3A_1004 : vector<4096x1xi1>
    %add3A_1006 = arith.constant -1 : i32
    %add3A_1007 = vector.broadcast %add3A_1006 : i32 to vector<4096x1xi32>
    %add3A_1008 = arith.addi %select_n3A_44, %add3A_1007 : vector<4096x1xi32>
    %ge3A_1009 = arith.constant 0 : i32
    %ge3A_1010 = vector.broadcast %ge3A_1009 : i32 to vector<4096x1xi32>
    %ge3A_1011 = arith.cmpi sge, %add3A_1008, %ge3A_1010 : vector<4096x1xi32>
    %and3A_1012 = arith.andi %and3A_1005, %ge3A_1011 : vector<4096x1xi1>
    %add3A_1013 = arith.constant -1 : i32
    %add3A_1014 = vector.broadcast %add3A_1013 : i32 to vector<4096x1xi32>
    %add3A_1015 = arith.addi %select_n3A_44, %add3A_1014 : vector<4096x1xi32>
    %lt3A_1016 = arith.constant 64 : i32
    %lt3A_1017 = vector.broadcast %lt3A_1016 : i32 to vector<4096x1xi32>
    %lt3A_1018 = arith.cmpi slt, %add3A_1015, %lt3A_1017 : vector<4096x1xi32>
    %and3A_1019 = arith.andi %and3A_1012, %lt3A_1018 : vector<4096x1xi1>
    %jit3A_1020 = arith.constant 0.000000e+00 : f32
    %broadcast_in_dim3A_1021 = vector.shape_cast %and3A_1019 : vector<4096x1xi1> to vector<4096x1xi1>
    %broadcast_in_dim3A_1022 = vector.broadcast %broadcast_in_dim3A_1021 : vector<4096x1xi1> to vector<4096x16xi1>
    %broadcast_in_dim3A_1023 = vector.broadcast %jit3A_1020 : f32 to vector<4096x16xf32>
    %select_n3A_1024 = arith.select %broadcast_in_dim3A_1022, %slice3A_992, %broadcast_in_dim3A_1023 : vector<4096x16xi1>, vector<4096x16xf32>
    %slice3A_1025 = vector.extract_strided_slice %concatenate3A_991 {offsets = [64, 0], sizes = [4096, 16], strides = [1, 1]} : vector<4352x16xf32> to vector<4096x16xf32>
    %add3A_1026 = arith.constant -1 : i32
    %add3A_1027 = vector.broadcast %add3A_1026 : i32 to vector<4096x1xi32>
    %add3A_1028 = arith.addi %select_n3A, %add3A_1027 : vector<4096x1xi32>
    %ge3A_1029 = arith.constant 0 : i32
    %ge3A_1030 = vector.broadcast %ge3A_1029 : i32 to vector<4096x1xi32>
    %ge3A_1031 = arith.cmpi sge, %add3A_1028, %ge3A_1030 : vector<4096x1xi32>
    %add3A_1032 = arith.constant -1 : i32
    %add3A_1033 = vector.broadcast %add3A_1032 : i32 to vector<4096x1xi32>
    %add3A_1034 = arith.addi %select_n3A, %add3A_1033 : vector<4096x1xi32>
    %lt3A_1035 = arith.constant 64 : i32
    %lt3A_1036 = vector.broadcast %lt3A_1035 : i32 to vector<4096x1xi32>
    %lt3A_1037 = arith.cmpi slt, %add3A_1034, %lt3A_1036 : vector<4096x1xi32>
    %and3A_1038 = arith.andi %ge3A_1031, %lt3A_1037 : vector<4096x1xi1>
    %add3A_1039 = arith.constant 0 : i32
    %add3A_1040 = vector.broadcast %add3A_1039 : i32 to vector<4096x1xi32>
    %add3A_1041 = arith.addi %select_n3A_44, %add3A_1040 : vector<4096x1xi32>
    %ge3A_1042 = arith.constant 0 : i32
    %ge3A_1043 = vector.broadcast %ge3A_1042 : i32 to vector<4096x1xi32>
    %ge3A_1044 = arith.cmpi sge, %add3A_1041, %ge3A_1043 : vector<4096x1xi32>
    %and3A_1045 = arith.andi %and3A_1038, %ge3A_1044 : vector<4096x1xi1>
    %add3A_1046 = arith.constant 0 : i32
    %add3A_1047 = vector.broadcast %add3A_1046 : i32 to vector<4096x1xi32>
    %add3A_1048 = arith.addi %select_n3A_44, %add3A_1047 : vector<4096x1xi32>
    %lt3A_1049 = arith.constant 64 : i32
    %lt3A_1050 = vector.broadcast %lt3A_1049 : i32 to vector<4096x1xi32>
    %lt3A_1051 = arith.cmpi slt, %add3A_1048, %lt3A_1050 : vector<4096x1xi32>
    %and3A_1052 = arith.andi %and3A_1045, %lt3A_1051 : vector<4096x1xi1>
    %jit3A_1053 = arith.constant 0.000000e+00 : f32
    %broadcast_in_dim3A_1054 = vector.shape_cast %and3A_1052 : vector<4096x1xi1> to vector<4096x1xi1>
    %broadcast_in_dim3A_1055 = vector.broadcast %broadcast_in_dim3A_1054 : vector<4096x1xi1> to vector<4096x16xi1>
    %broadcast_in_dim3A_1056 = vector.broadcast %jit3A_1053 : f32 to vector<4096x16xf32>
    %select_n3A_1057 = arith.select %broadcast_in_dim3A_1055, %slice3A_1025, %broadcast_in_dim3A_1056 : vector<4096x16xi1>, vector<4096x16xf32>
    %slice3A_1058 = vector.extract_strided_slice %concatenate3A_991 {offsets = [65, 0], sizes = [4096, 16], strides = [1, 1]} : vector<4352x16xf32> to vector<4096x16xf32>
    %add3A_1059 = arith.constant -1 : i32
    %add3A_1060 = vector.broadcast %add3A_1059 : i32 to vector<4096x1xi32>
    %add3A_1061 = arith.addi %select_n3A, %add3A_1060 : vector<4096x1xi32>
    %ge3A_1062 = arith.constant 0 : i32
    %ge3A_1063 = vector.broadcast %ge3A_1062 : i32 to vector<4096x1xi32>
    %ge3A_1064 = arith.cmpi sge, %add3A_1061, %ge3A_1063 : vector<4096x1xi32>
    %add3A_1065 = arith.constant -1 : i32
    %add3A_1066 = vector.broadcast %add3A_1065 : i32 to vector<4096x1xi32>
    %add3A_1067 = arith.addi %select_n3A, %add3A_1066 : vector<4096x1xi32>
    %lt3A_1068 = arith.constant 64 : i32
    %lt3A_1069 = vector.broadcast %lt3A_1068 : i32 to vector<4096x1xi32>
    %lt3A_1070 = arith.cmpi slt, %add3A_1067, %lt3A_1069 : vector<4096x1xi32>
    %and3A_1071 = arith.andi %ge3A_1064, %lt3A_1070 : vector<4096x1xi1>
    %add3A_1072 = arith.constant 1 : i32
    %add3A_1073 = vector.broadcast %add3A_1072 : i32 to vector<4096x1xi32>
    %add3A_1074 = arith.addi %select_n3A_44, %add3A_1073 : vector<4096x1xi32>
    %ge3A_1075 = arith.constant 0 : i32
    %ge3A_1076 = vector.broadcast %ge3A_1075 : i32 to vector<4096x1xi32>
    %ge3A_1077 = arith.cmpi sge, %add3A_1074, %ge3A_1076 : vector<4096x1xi32>
    %and3A_1078 = arith.andi %and3A_1071, %ge3A_1077 : vector<4096x1xi1>
    %add3A_1079 = arith.constant 1 : i32
    %add3A_1080 = vector.broadcast %add3A_1079 : i32 to vector<4096x1xi32>
    %add3A_1081 = arith.addi %select_n3A_44, %add3A_1080 : vector<4096x1xi32>
    %lt3A_1082 = arith.constant 64 : i32
    %lt3A_1083 = vector.broadcast %lt3A_1082 : i32 to vector<4096x1xi32>
    %lt3A_1084 = arith.cmpi slt, %add3A_1081, %lt3A_1083 : vector<4096x1xi32>
    %and3A_1085 = arith.andi %and3A_1078, %lt3A_1084 : vector<4096x1xi1>
    %jit3A_1086 = arith.constant 0.000000e+00 : f32
    %broadcast_in_dim3A_1087 = vector.shape_cast %and3A_1085 : vector<4096x1xi1> to vector<4096x1xi1>
    %broadcast_in_dim3A_1088 = vector.broadcast %broadcast_in_dim3A_1087 : vector<4096x1xi1> to vector<4096x16xi1>
    %broadcast_in_dim3A_1089 = vector.broadcast %jit3A_1086 : f32 to vector<4096x16xf32>
    %select_n3A_1090 = arith.select %broadcast_in_dim3A_1088, %slice3A_1058, %broadcast_in_dim3A_1089 : vector<4096x16xi1>, vector<4096x16xf32>
    %slice3A_1091 = vector.extract_strided_slice %concatenate3A_991 {offsets = [127, 0], sizes = [4096, 16], strides = [1, 1]} : vector<4352x16xf32> to vector<4096x16xf32>
    %add3A_1092 = arith.constant 0 : i32
    %add3A_1093 = vector.broadcast %add3A_1092 : i32 to vector<4096x1xi32>
    %add3A_1094 = arith.addi %select_n3A, %add3A_1093 : vector<4096x1xi32>
    %ge3A_1095 = arith.constant 0 : i32
    %ge3A_1096 = vector.broadcast %ge3A_1095 : i32 to vector<4096x1xi32>
    %ge3A_1097 = arith.cmpi sge, %add3A_1094, %ge3A_1096 : vector<4096x1xi32>
    %add3A_1098 = arith.constant 0 : i32
    %add3A_1099 = vector.broadcast %add3A_1098 : i32 to vector<4096x1xi32>
    %add3A_1100 = arith.addi %select_n3A, %add3A_1099 : vector<4096x1xi32>
    %lt3A_1101 = arith.constant 64 : i32
    %lt3A_1102 = vector.broadcast %lt3A_1101 : i32 to vector<4096x1xi32>
    %lt3A_1103 = arith.cmpi slt, %add3A_1100, %lt3A_1102 : vector<4096x1xi32>
    %and3A_1104 = arith.andi %ge3A_1097, %lt3A_1103 : vector<4096x1xi1>
    %add3A_1105 = arith.constant -1 : i32
    %add3A_1106 = vector.broadcast %add3A_1105 : i32 to vector<4096x1xi32>
    %add3A_1107 = arith.addi %select_n3A_44, %add3A_1106 : vector<4096x1xi32>
    %ge3A_1108 = arith.constant 0 : i32
    %ge3A_1109 = vector.broadcast %ge3A_1108 : i32 to vector<4096x1xi32>
    %ge3A_1110 = arith.cmpi sge, %add3A_1107, %ge3A_1109 : vector<4096x1xi32>
    %and3A_1111 = arith.andi %and3A_1104, %ge3A_1110 : vector<4096x1xi1>
    %add3A_1112 = arith.constant -1 : i32
    %add3A_1113 = vector.broadcast %add3A_1112 : i32 to vector<4096x1xi32>
    %add3A_1114 = arith.addi %select_n3A_44, %add3A_1113 : vector<4096x1xi32>
    %lt3A_1115 = arith.constant 64 : i32
    %lt3A_1116 = vector.broadcast %lt3A_1115 : i32 to vector<4096x1xi32>
    %lt3A_1117 = arith.cmpi slt, %add3A_1114, %lt3A_1116 : vector<4096x1xi32>
    %and3A_1118 = arith.andi %and3A_1111, %lt3A_1117 : vector<4096x1xi1>
    %jit3A_1119 = arith.constant 0.000000e+00 : f32
    %broadcast_in_dim3A_1120 = vector.shape_cast %and3A_1118 : vector<4096x1xi1> to vector<4096x1xi1>
    %broadcast_in_dim3A_1121 = vector.broadcast %broadcast_in_dim3A_1120 : vector<4096x1xi1> to vector<4096x16xi1>
    %broadcast_in_dim3A_1122 = vector.broadcast %jit3A_1119 : f32 to vector<4096x16xf32>
    %select_n3A_1123 = arith.select %broadcast_in_dim3A_1121, %slice3A_1091, %broadcast_in_dim3A_1122 : vector<4096x16xi1>, vector<4096x16xf32>
    %slice3A_1124 = vector.extract_strided_slice %concatenate3A_991 {offsets = [128, 0], sizes = [4096, 16], strides = [1, 1]} : vector<4352x16xf32> to vector<4096x16xf32>
    %add3A_1125 = arith.constant 0 : i32
    %add3A_1126 = vector.broadcast %add3A_1125 : i32 to vector<4096x1xi32>
    %add3A_1127 = arith.addi %select_n3A, %add3A_1126 : vector<4096x1xi32>
    %ge3A_1128 = arith.constant 0 : i32
    %ge3A_1129 = vector.broadcast %ge3A_1128 : i32 to vector<4096x1xi32>
    %ge3A_1130 = arith.cmpi sge, %add3A_1127, %ge3A_1129 : vector<4096x1xi32>
    %add3A_1131 = arith.constant 0 : i32
    %add3A_1132 = vector.broadcast %add3A_1131 : i32 to vector<4096x1xi32>
    %add3A_1133 = arith.addi %select_n3A, %add3A_1132 : vector<4096x1xi32>
    %lt3A_1134 = arith.constant 64 : i32
    %lt3A_1135 = vector.broadcast %lt3A_1134 : i32 to vector<4096x1xi32>
    %lt3A_1136 = arith.cmpi slt, %add3A_1133, %lt3A_1135 : vector<4096x1xi32>
    %and3A_1137 = arith.andi %ge3A_1130, %lt3A_1136 : vector<4096x1xi1>
    %add3A_1138 = arith.constant 0 : i32
    %add3A_1139 = vector.broadcast %add3A_1138 : i32 to vector<4096x1xi32>
    %add3A_1140 = arith.addi %select_n3A_44, %add3A_1139 : vector<4096x1xi32>
    %ge3A_1141 = arith.constant 0 : i32
    %ge3A_1142 = vector.broadcast %ge3A_1141 : i32 to vector<4096x1xi32>
    %ge3A_1143 = arith.cmpi sge, %add3A_1140, %ge3A_1142 : vector<4096x1xi32>
    %and3A_1144 = arith.andi %and3A_1137, %ge3A_1143 : vector<4096x1xi1>
    %add3A_1145 = arith.constant 0 : i32
    %add3A_1146 = vector.broadcast %add3A_1145 : i32 to vector<4096x1xi32>
    %add3A_1147 = arith.addi %select_n3A_44, %add3A_1146 : vector<4096x1xi32>
    %lt3A_1148 = arith.constant 64 : i32
    %lt3A_1149 = vector.broadcast %lt3A_1148 : i32 to vector<4096x1xi32>
    %lt3A_1150 = arith.cmpi slt, %add3A_1147, %lt3A_1149 : vector<4096x1xi32>
    %and3A_1151 = arith.andi %and3A_1144, %lt3A_1150 : vector<4096x1xi1>
    %jit3A_1152 = arith.constant 0.000000e+00 : f32
    %broadcast_in_dim3A_1153 = vector.shape_cast %and3A_1151 : vector<4096x1xi1> to vector<4096x1xi1>
    %broadcast_in_dim3A_1154 = vector.broadcast %broadcast_in_dim3A_1153 : vector<4096x1xi1> to vector<4096x16xi1>
    %broadcast_in_dim3A_1155 = vector.broadcast %jit3A_1152 : f32 to vector<4096x16xf32>
    %select_n3A_1156 = arith.select %broadcast_in_dim3A_1154, %slice3A_1124, %broadcast_in_dim3A_1155 : vector<4096x16xi1>, vector<4096x16xf32>
    %slice3A_1157 = vector.extract_strided_slice %concatenate3A_991 {offsets = [129, 0], sizes = [4096, 16], strides = [1, 1]} : vector<4352x16xf32> to vector<4096x16xf32>
    %add3A_1158 = arith.constant 0 : i32
    %add3A_1159 = vector.broadcast %add3A_1158 : i32 to vector<4096x1xi32>
    %add3A_1160 = arith.addi %select_n3A, %add3A_1159 : vector<4096x1xi32>
    %ge3A_1161 = arith.constant 0 : i32
    %ge3A_1162 = vector.broadcast %ge3A_1161 : i32 to vector<4096x1xi32>
    %ge3A_1163 = arith.cmpi sge, %add3A_1160, %ge3A_1162 : vector<4096x1xi32>
    %add3A_1164 = arith.constant 0 : i32
    %add3A_1165 = vector.broadcast %add3A_1164 : i32 to vector<4096x1xi32>
    %add3A_1166 = arith.addi %select_n3A, %add3A_1165 : vector<4096x1xi32>
    %lt3A_1167 = arith.constant 64 : i32
    %lt3A_1168 = vector.broadcast %lt3A_1167 : i32 to vector<4096x1xi32>
    %lt3A_1169 = arith.cmpi slt, %add3A_1166, %lt3A_1168 : vector<4096x1xi32>
    %and3A_1170 = arith.andi %ge3A_1163, %lt3A_1169 : vector<4096x1xi1>
    %add3A_1171 = arith.constant 1 : i32
    %add3A_1172 = vector.broadcast %add3A_1171 : i32 to vector<4096x1xi32>
    %add3A_1173 = arith.addi %select_n3A_44, %add3A_1172 : vector<4096x1xi32>
    %ge3A_1174 = arith.constant 0 : i32
    %ge3A_1175 = vector.broadcast %ge3A_1174 : i32 to vector<4096x1xi32>
    %ge3A_1176 = arith.cmpi sge, %add3A_1173, %ge3A_1175 : vector<4096x1xi32>
    %and3A_1177 = arith.andi %and3A_1170, %ge3A_1176 : vector<4096x1xi1>
    %add3A_1178 = arith.constant 1 : i32
    %add3A_1179 = vector.broadcast %add3A_1178 : i32 to vector<4096x1xi32>
    %add3A_1180 = arith.addi %select_n3A_44, %add3A_1179 : vector<4096x1xi32>
    %lt3A_1181 = arith.constant 64 : i32
    %lt3A_1182 = vector.broadcast %lt3A_1181 : i32 to vector<4096x1xi32>
    %lt3A_1183 = arith.cmpi slt, %add3A_1180, %lt3A_1182 : vector<4096x1xi32>
    %and3A_1184 = arith.andi %and3A_1177, %lt3A_1183 : vector<4096x1xi1>
    %jit3A_1185 = arith.constant 0.000000e+00 : f32
    %broadcast_in_dim3A_1186 = vector.shape_cast %and3A_1184 : vector<4096x1xi1> to vector<4096x1xi1>
    %broadcast_in_dim3A_1187 = vector.broadcast %broadcast_in_dim3A_1186 : vector<4096x1xi1> to vector<4096x16xi1>
    %broadcast_in_dim3A_1188 = vector.broadcast %jit3A_1185 : f32 to vector<4096x16xf32>
    %select_n3A_1189 = arith.select %broadcast_in_dim3A_1187, %slice3A_1157, %broadcast_in_dim3A_1188 : vector<4096x16xi1>, vector<4096x16xf32>
    %slice3A_1190 = vector.extract_strided_slice %concatenate3A_991 {offsets = [191, 0], sizes = [4096, 16], strides = [1, 1]} : vector<4352x16xf32> to vector<4096x16xf32>
    %add3A_1191 = arith.constant 1 : i32
    %add3A_1192 = vector.broadcast %add3A_1191 : i32 to vector<4096x1xi32>
    %add3A_1193 = arith.addi %select_n3A, %add3A_1192 : vector<4096x1xi32>
    %ge3A_1194 = arith.constant 0 : i32
    %ge3A_1195 = vector.broadcast %ge3A_1194 : i32 to vector<4096x1xi32>
    %ge3A_1196 = arith.cmpi sge, %add3A_1193, %ge3A_1195 : vector<4096x1xi32>
    %add3A_1197 = arith.constant 1 : i32
    %add3A_1198 = vector.broadcast %add3A_1197 : i32 to vector<4096x1xi32>
    %add3A_1199 = arith.addi %select_n3A, %add3A_1198 : vector<4096x1xi32>
    %lt3A_1200 = arith.constant 64 : i32
    %lt3A_1201 = vector.broadcast %lt3A_1200 : i32 to vector<4096x1xi32>
    %lt3A_1202 = arith.cmpi slt, %add3A_1199, %lt3A_1201 : vector<4096x1xi32>
    %and3A_1203 = arith.andi %ge3A_1196, %lt3A_1202 : vector<4096x1xi1>
    %add3A_1204 = arith.constant -1 : i32
    %add3A_1205 = vector.broadcast %add3A_1204 : i32 to vector<4096x1xi32>
    %add3A_1206 = arith.addi %select_n3A_44, %add3A_1205 : vector<4096x1xi32>
    %ge3A_1207 = arith.constant 0 : i32
    %ge3A_1208 = vector.broadcast %ge3A_1207 : i32 to vector<4096x1xi32>
    %ge3A_1209 = arith.cmpi sge, %add3A_1206, %ge3A_1208 : vector<4096x1xi32>
    %and3A_1210 = arith.andi %and3A_1203, %ge3A_1209 : vector<4096x1xi1>
    %add3A_1211 = arith.constant -1 : i32
    %add3A_1212 = vector.broadcast %add3A_1211 : i32 to vector<4096x1xi32>
    %add3A_1213 = arith.addi %select_n3A_44, %add3A_1212 : vector<4096x1xi32>
    %lt3A_1214 = arith.constant 64 : i32
    %lt3A_1215 = vector.broadcast %lt3A_1214 : i32 to vector<4096x1xi32>
    %lt3A_1216 = arith.cmpi slt, %add3A_1213, %lt3A_1215 : vector<4096x1xi32>
    %and3A_1217 = arith.andi %and3A_1210, %lt3A_1216 : vector<4096x1xi1>
    %jit3A_1218 = arith.constant 0.000000e+00 : f32
    %broadcast_in_dim3A_1219 = vector.shape_cast %and3A_1217 : vector<4096x1xi1> to vector<4096x1xi1>
    %broadcast_in_dim3A_1220 = vector.broadcast %broadcast_in_dim3A_1219 : vector<4096x1xi1> to vector<4096x16xi1>
    %broadcast_in_dim3A_1221 = vector.broadcast %jit3A_1218 : f32 to vector<4096x16xf32>
    %select_n3A_1222 = arith.select %broadcast_in_dim3A_1220, %slice3A_1190, %broadcast_in_dim3A_1221 : vector<4096x16xi1>, vector<4096x16xf32>
    %slice3A_1223 = vector.extract_strided_slice %concatenate3A_991 {offsets = [192, 0], sizes = [4096, 16], strides = [1, 1]} : vector<4352x16xf32> to vector<4096x16xf32>
    %add3A_1224 = arith.constant 1 : i32
    %add3A_1225 = vector.broadcast %add3A_1224 : i32 to vector<4096x1xi32>
    %add3A_1226 = arith.addi %select_n3A, %add3A_1225 : vector<4096x1xi32>
    %ge3A_1227 = arith.constant 0 : i32
    %ge3A_1228 = vector.broadcast %ge3A_1227 : i32 to vector<4096x1xi32>
    %ge3A_1229 = arith.cmpi sge, %add3A_1226, %ge3A_1228 : vector<4096x1xi32>
    %add3A_1230 = arith.constant 1 : i32
    %add3A_1231 = vector.broadcast %add3A_1230 : i32 to vector<4096x1xi32>
    %add3A_1232 = arith.addi %select_n3A, %add3A_1231 : vector<4096x1xi32>
    %lt3A_1233 = arith.constant 64 : i32
    %lt3A_1234 = vector.broadcast %lt3A_1233 : i32 to vector<4096x1xi32>
    %lt3A_1235 = arith.cmpi slt, %add3A_1232, %lt3A_1234 : vector<4096x1xi32>
    %and3A_1236 = arith.andi %ge3A_1229, %lt3A_1235 : vector<4096x1xi1>
    %add3A_1237 = arith.constant 0 : i32
    %add3A_1238 = vector.broadcast %add3A_1237 : i32 to vector<4096x1xi32>
    %add3A_1239 = arith.addi %select_n3A_44, %add3A_1238 : vector<4096x1xi32>
    %ge3A_1240 = arith.constant 0 : i32
    %ge3A_1241 = vector.broadcast %ge3A_1240 : i32 to vector<4096x1xi32>
    %ge3A_1242 = arith.cmpi sge, %add3A_1239, %ge3A_1241 : vector<4096x1xi32>
    %and3A_1243 = arith.andi %and3A_1236, %ge3A_1242 : vector<4096x1xi1>
    %add3A_1244 = arith.constant 0 : i32
    %add3A_1245 = vector.broadcast %add3A_1244 : i32 to vector<4096x1xi32>
    %add3A_1246 = arith.addi %select_n3A_44, %add3A_1245 : vector<4096x1xi32>
    %lt3A_1247 = arith.constant 64 : i32
    %lt3A_1248 = vector.broadcast %lt3A_1247 : i32 to vector<4096x1xi32>
    %lt3A_1249 = arith.cmpi slt, %add3A_1246, %lt3A_1248 : vector<4096x1xi32>
    %and3A_1250 = arith.andi %and3A_1243, %lt3A_1249 : vector<4096x1xi1>
    %jit3A_1251 = arith.constant 0.000000e+00 : f32
    %broadcast_in_dim3A_1252 = vector.shape_cast %and3A_1250 : vector<4096x1xi1> to vector<4096x1xi1>
    %broadcast_in_dim3A_1253 = vector.broadcast %broadcast_in_dim3A_1252 : vector<4096x1xi1> to vector<4096x16xi1>
    %broadcast_in_dim3A_1254 = vector.broadcast %jit3A_1251 : f32 to vector<4096x16xf32>
    %select_n3A_1255 = arith.select %broadcast_in_dim3A_1253, %slice3A_1223, %broadcast_in_dim3A_1254 : vector<4096x16xi1>, vector<4096x16xf32>
    %slice3A_1256 = vector.extract_strided_slice %concatenate3A_991 {offsets = [193, 0], sizes = [4096, 16], strides = [1, 1]} : vector<4352x16xf32> to vector<4096x16xf32>
    %add3A_1257 = arith.constant 1 : i32
    %add3A_1258 = vector.broadcast %add3A_1257 : i32 to vector<4096x1xi32>
    %add3A_1259 = arith.addi %select_n3A, %add3A_1258 : vector<4096x1xi32>
    %ge3A_1260 = arith.constant 0 : i32
    %ge3A_1261 = vector.broadcast %ge3A_1260 : i32 to vector<4096x1xi32>
    %ge3A_1262 = arith.cmpi sge, %add3A_1259, %ge3A_1261 : vector<4096x1xi32>
    %add3A_1263 = arith.constant 1 : i32
    %add3A_1264 = vector.broadcast %add3A_1263 : i32 to vector<4096x1xi32>
    %add3A_1265 = arith.addi %select_n3A, %add3A_1264 : vector<4096x1xi32>
    %lt3A_1266 = arith.constant 64 : i32
    %lt3A_1267 = vector.broadcast %lt3A_1266 : i32 to vector<4096x1xi32>
    %lt3A_1268 = arith.cmpi slt, %add3A_1265, %lt3A_1267 : vector<4096x1xi32>
    %and3A_1269 = arith.andi %ge3A_1262, %lt3A_1268 : vector<4096x1xi1>
    %add3A_1270 = arith.constant 1 : i32
    %add3A_1271 = vector.broadcast %add3A_1270 : i32 to vector<4096x1xi32>
    %add3A_1272 = arith.addi %select_n3A_44, %add3A_1271 : vector<4096x1xi32>
    %ge3A_1273 = arith.constant 0 : i32
    %ge3A_1274 = vector.broadcast %ge3A_1273 : i32 to vector<4096x1xi32>
    %ge3A_1275 = arith.cmpi sge, %add3A_1272, %ge3A_1274 : vector<4096x1xi32>
    %and3A_1276 = arith.andi %and3A_1269, %ge3A_1275 : vector<4096x1xi1>
    %add3A_1277 = arith.constant 1 : i32
    %add3A_1278 = vector.broadcast %add3A_1277 : i32 to vector<4096x1xi32>
    %add3A_1279 = arith.addi %select_n3A_44, %add3A_1278 : vector<4096x1xi32>
    %lt3A_1280 = arith.constant 64 : i32
    %lt3A_1281 = vector.broadcast %lt3A_1280 : i32 to vector<4096x1xi32>
    %lt3A_1282 = arith.cmpi slt, %add3A_1279, %lt3A_1281 : vector<4096x1xi32>
    %and3A_1283 = arith.andi %and3A_1276, %lt3A_1282 : vector<4096x1xi1>
    %jit3A_1284 = arith.constant 0.000000e+00 : f32
    %broadcast_in_dim3A_1285 = vector.shape_cast %and3A_1283 : vector<4096x1xi1> to vector<4096x1xi1>
    %broadcast_in_dim3A_1286 = vector.broadcast %broadcast_in_dim3A_1285 : vector<4096x1xi1> to vector<4096x16xi1>
    %broadcast_in_dim3A_1287 = vector.broadcast %jit3A_1284 : f32 to vector<4096x16xf32>
    %select_n3A_1288 = arith.select %broadcast_in_dim3A_1286, %slice3A_1256, %broadcast_in_dim3A_1287 : vector<4096x16xi1>, vector<4096x16xf32>
    %concatenate3A_1289 = tpu.concatenate %select_n3A_1024, %select_n3A_1057, %select_n3A_1090, %select_n3A_1123, %select_n3A_1156, %select_n3A_1189, %select_n3A_1222, %select_n3A_1255, %select_n3A_1288 in 1 : vector<4096x16xf32>, vector<4096x16xf32>, vector<4096x16xf32>, vector<4096x16xf32>, vector<4096x16xf32>, vector<4096x16xf32>, vector<4096x16xf32>, vector<4096x16xf32>, vector<4096x16xf32> -> vector<4096x144xf32>
    %mul3A_1290 = arith.mulf %concatenate3A_1289, %concatenate3A_1289 : vector<4096x144xf32>
    %reduce_sum3A_1291 = arith.constant dense<0.000000e+00> : vector<4096xf32>
    %reduce_sum3A_1292 = vector.multi_reduction <add>, %mul3A_1290, %reduce_sum3A_1291 [1] : vector<4096x144xf32> to vector<4096xf32>
    %broadcast_in_dim3A_1293 = vector.shape_cast %reduce_sum3A_1292 : vector<4096xf32> to vector<4096x1xf32>
    %max3A_1294 = arith.constant 1.000000e-24 : f32
    %max3A_1295 = vector.broadcast %max3A_1294 : f32 to vector<4096x1xf32>
    %max3A_1296 = arith.maximumf %broadcast_in_dim3A_1293, %max3A_1295 : vector<4096x1xf32>
    %rsqrt3A_1297 = math.rsqrt %max3A_1296 : vector<4096x1xf32>
    %mul3A_1298 = vector.broadcast %rsqrt3A_1297 : vector<4096x1xf32> to vector<4096x144xf32>
    %mul3A_1299 = arith.mulf %concatenate3A_1289, %mul3A_1298 : vector<4096x144xf32>
    %swap3A_1300 = arith.constant 0 : index
    %swap3A_1301 = arith.constant 0 : index
    %swap3A_1302 = vector.load %arg7[%swap3A_1300, %swap3A_1301] : memref<4096x144xf32, #tpu.memory_space<vmem>>, vector<4096x144xf32>
    tpu.vector_store %arg7[%swap3A_1300, %swap3A_1301], %mul3A_1299 {strides = array<i32>} : memref<4096x144xf32, #tpu.memory_space<vmem>>, vector<4096x144xf32>,
    return
  }
}

module attributes {stable_mosaic.version = 14 : i64} {
  func.func @_stage_d_body(%arg0: i32, %arg1: memref<1x4352x640xf32, #tpu.memory_space<vmem>>, %arg2: memref<4096x8xf32, #tpu.memory_space<vmem>>, %arg3: memref<4096x64xf32, #tpu.memory_space<vmem>>, %arg4: memref<4096x64xf32, #tpu.memory_space<vmem>>, %arg5: memref<4096x64xf32, #tpu.memory_space<vmem>>) attributes {dimension_semantics = [#tpu.dimension_semantics<arbitrary>], iteration_bounds = array<i64: 4>, scalar_prefetch = 0 : i64, scratch_operands = 0 : i64, tpu.core_type = #tpu.core_type<tc>, window_params = [{transform_indices = @transform_0, window_bounds = array<i64: 1, 4352, 640>}, {pipeline_mode = #tpu.pipeline_mode<synchronous>, transform_indices = @transform_1, window_bounds = array<i64: 4096, 8>}, {pipeline_mode = #tpu.pipeline_mode<synchronous>, transform_indices = @transform_2, window_bounds = array<i64: 4096, 64>}, {pipeline_mode = #tpu.pipeline_mode<synchronous>, transform_indices = @transform_3, window_bounds = array<i64: 4096, 64>}, {pipeline_mode = #tpu.pipeline_mode<synchronous>, transform_indices = @transform_4, window_bounds = array<i64: 4096, 64>}]} {
    %iota3A = tpu.iota {dimensions = array<i32: 0>} : vector<4096x1xi32>
    %jit3A = arith.constant 64 : i32
    %div3A = vector.broadcast %jit3A : i32 to vector<4096x1xi32>
    %div3A_0 = arith.divsi %iota3A, %div3A : vector<4096x1xi32>
    %sign3A = arith.constant 0 : i32
    %sign3A_1 = vector.broadcast %sign3A : i32 to vector<4096x1xi32>
    %sign3A_2 = arith.cmpi sgt, %iota3A, %sign3A_1 : vector<4096x1xi32>
    %sign3A_3 = arith.extui %sign3A_2 : vector<4096x1xi1> to vector<4096x1xi32>
    %sign3A_4 = arith.constant 0 : i32
    %sign3A_5 = vector.broadcast %sign3A_4 : i32 to vector<4096x1xi32>
    %sign3A_6 = arith.cmpi slt, %iota3A, %sign3A_5 : vector<4096x1xi32>
    %sign3A_7 = arith.extui %sign3A_6 : vector<4096x1xi1> to vector<4096x1xi32>
    %sign3A_8 = arith.subi %sign3A_3, %sign3A_7 : vector<4096x1xi32>
    %sign3A_9 = arith.constant 0 : i32
    %sign3A_10 = arith.cmpi sgt, %jit3A, %sign3A_9 : i32
    %sign3A_11 = arith.extui %sign3A_10 : i1 to i32
    %sign3A_12 = arith.constant 0 : i32
    %sign3A_13 = arith.cmpi slt, %jit3A, %sign3A_12 : i32
    %sign3A_14 = arith.extui %sign3A_13 : i1 to i32
    %sign3A_15 = arith.subi %sign3A_11, %sign3A_14 : i32
    %ne3A = vector.broadcast %sign3A_15 : i32 to vector<4096x1xi32>
    %ne3A_16 = arith.cmpi ne, %sign3A_8, %ne3A : vector<4096x1xi32>
    %rem3A = vector.broadcast %jit3A : i32 to vector<4096x1xi32>
    %rem3A_17 = arith.remsi %iota3A, %rem3A : vector<4096x1xi32>
    %ne3A_18 = arith.constant 0 : i32
    %ne3A_19 = vector.broadcast %ne3A_18 : i32 to vector<4096x1xi32>
    %ne3A_20 = arith.cmpi ne, %rem3A_17, %ne3A_19 : vector<4096x1xi32>
    %and3A = arith.andi %ne3A_16, %ne3A_20 : vector<4096x1xi1>
    %sub3A = arith.constant 1 : i32
    %sub3A_21 = vector.broadcast %sub3A : i32 to vector<4096x1xi32>
    %sub3A_22 = arith.subi %div3A_0, %sub3A_21 : vector<4096x1xi32>
    %select_n3A = arith.select %and3A, %sub3A_22, %div3A_0 : vector<4096x1xi1>, vector<4096x1xi32>
    %iota3A_23 = tpu.iota {dimensions = array<i32: 0>} : vector<4096x1xi32>
    %jit3A_24 = arith.constant 64 : i32
    %eq3A = arith.constant 0 : i32
    %eq3A_25 = arith.cmpi eq, %jit3A_24, %eq3A : i32
    %jit3A_26 = arith.constant 1 : i32
    %select_n3A_27 = arith.select %eq3A_25, %jit3A_26, %jit3A_24 : i32
    %rem3A_28 = vector.broadcast %select_n3A_27 : i32 to vector<4096x1xi32>
    %rem3A_29 = arith.remsi %iota3A_23, %rem3A_28 : vector<4096x1xi32>
    %ne3A_30 = arith.constant 0 : i32
    %ne3A_31 = vector.broadcast %ne3A_30 : i32 to vector<4096x1xi32>
    %ne3A_32 = arith.cmpi ne, %rem3A_29, %ne3A_31 : vector<4096x1xi32>
    %lt3A = arith.constant 0 : i32
    %lt3A_33 = vector.broadcast %lt3A : i32 to vector<4096x1xi32>
    %lt3A_34 = arith.cmpi slt, %rem3A_29, %lt3A_33 : vector<4096x1xi32>
    %lt3A_35 = arith.constant 0 : i32
    %lt3A_36 = arith.cmpi slt, %select_n3A_27, %lt3A_35 : i32
    %ne3A_37 = vector.broadcast %lt3A_36 : i1 to vector<4096x1xi1>
    %ne3A_38 = vector.broadcast %ne3A_37 : vector<4096x1xi1> to vector<4096x1xi1>
    %ne3A_39 = arith.xori %lt3A_34, %ne3A_38 : vector<4096x1xi1>
    %and3A_40 = arith.andi %ne3A_39, %ne3A_32 : vector<4096x1xi1>
    %add3A = vector.broadcast %select_n3A_27 : i32 to vector<4096x1xi32>
    %add3A_41 = arith.addi %rem3A_29, %add3A : vector<4096x1xi32>
    %select_n3A_42 = arith.select %and3A_40, %add3A_41, %rem3A_29 : vector<4096x1xi1>, vector<4096x1xi32>
    %iota3A_43 = tpu.iota {dimensions = array<i32: 1>} : vector<4096x8xi32>
    %add3A_44 = arith.constant 1 : i32
    %add3A_45 = arith.addi %arg0, %add3A_44 : i32
    %eq3A_46 = vector.broadcast %add3A_45 : i32 to vector<4096x8xi32>
    %eq3A_47 = arith.cmpi eq, %iota3A_43, %eq3A_46 : vector<4096x8xi32>
    %get3A = arith.constant 0 : index
    %get3A_48 = arith.constant 0 : index
    %get3A_49 = vector.load %arg2[%get3A, %get3A_48] : memref<4096x8xf32, #tpu.memory_space<vmem>>, vector<4096x8xf32>
    %jit3A_50 = arith.constant 0.000000e+00 : f32
    %broadcast_in_dim3A = vector.broadcast %jit3A_50 : f32 to vector<4096x8xf32>
    %select_n3A_51 = arith.select %eq3A_47, %get3A_49, %broadcast_in_dim3A : vector<4096x8xi1>, vector<4096x8xf32>
    %reduce_sum3A = arith.constant dense<0.000000e+00> : vector<4096xf32>
    %reduce_sum3A_52 = vector.multi_reduction <add>, %select_n3A_51, %reduce_sum3A [1] : vector<4096x8xf32> to vector<4096xf32>
    %broadcast_in_dim3A_53 = vector.shape_cast %reduce_sum3A_52 : vector<4096xf32> to vector<4096x1xf32>
    %broadcast_in_dim3A_54 = arith.constant 0.000000e+00 : f32
    %broadcast_in_dim3A_55 = vector.broadcast %broadcast_in_dim3A_54 : f32 to vector<4096x64xf32>
    %get3A_56 = arith.constant 0 : index
    %get3A_57 = arith.constant 193 : index
    %get3A_58 = arith.constant 0 : index
    %get3A_59 = vector.load %arg1[%get3A_56, %get3A_57, %get3A_58] : memref<1x4352x640xf32, #tpu.memory_space<vmem>>, vector<1x4096x64xf32>
    %get3A_60 = vector.shape_cast %get3A_59 : vector<1x4096x64xf32> to vector<4096x64xf32>
    %sub3A_61 = arith.constant -1 : i32
    %sub3A_62 = vector.broadcast %sub3A_61 : i32 to vector<4096x1xi32>
    %sub3A_63 = arith.subi %select_n3A, %sub3A_62 : vector<4096x1xi32>
    %ge3A = arith.constant 0 : i32
    %ge3A_64 = vector.broadcast %ge3A : i32 to vector<4096x1xi32>
    %ge3A_65 = arith.cmpi sge, %sub3A_63, %ge3A_64 : vector<4096x1xi32>
    %sub3A_66 = arith.constant -1 : i32
    %sub3A_67 = vector.broadcast %sub3A_66 : i32 to vector<4096x1xi32>
    %sub3A_68 = arith.subi %select_n3A, %sub3A_67 : vector<4096x1xi32>
    %lt3A_69 = arith.constant 64 : i32
    %lt3A_70 = vector.broadcast %lt3A_69 : i32 to vector<4096x1xi32>
    %lt3A_71 = arith.cmpi slt, %sub3A_68, %lt3A_70 : vector<4096x1xi32>
    %and3A_72 = arith.andi %ge3A_65, %lt3A_71 : vector<4096x1xi1>
    %sub3A_73 = arith.constant -1 : i32
    %sub3A_74 = vector.broadcast %sub3A_73 : i32 to vector<4096x1xi32>
    %sub3A_75 = arith.subi %select_n3A_42, %sub3A_74 : vector<4096x1xi32>
    %ge3A_76 = arith.constant 0 : i32
    %ge3A_77 = vector.broadcast %ge3A_76 : i32 to vector<4096x1xi32>
    %ge3A_78 = arith.cmpi sge, %sub3A_75, %ge3A_77 : vector<4096x1xi32>
    %and3A_79 = arith.andi %and3A_72, %ge3A_78 : vector<4096x1xi1>
    %sub3A_80 = arith.constant -1 : i32
    %sub3A_81 = vector.broadcast %sub3A_80 : i32 to vector<4096x1xi32>
    %sub3A_82 = arith.subi %select_n3A_42, %sub3A_81 : vector<4096x1xi32>
    %lt3A_83 = arith.constant 64 : i32
    %lt3A_84 = vector.broadcast %lt3A_83 : i32 to vector<4096x1xi32>
    %lt3A_85 = arith.cmpi slt, %sub3A_82, %lt3A_84 : vector<4096x1xi32>
    %and3A_86 = arith.andi %and3A_79, %lt3A_85 : vector<4096x1xi1>
    %jit3A_87 = arith.constant 0.000000e+00 : f32
    %broadcast_in_dim3A_88 = vector.shape_cast %and3A_86 : vector<4096x1xi1> to vector<4096x1xi1>
    %broadcast_in_dim3A_89 = vector.broadcast %broadcast_in_dim3A_88 : vector<4096x1xi1> to vector<4096x64xi1>
    %broadcast_in_dim3A_90 = vector.broadcast %jit3A_87 : f32 to vector<4096x64xf32>
    %select_n3A_91 = arith.select %broadcast_in_dim3A_89, %get3A_60, %broadcast_in_dim3A_90 : vector<4096x64xi1>, vector<4096x64xf32>
    %add3A_92 = arith.addf %broadcast_in_dim3A_55, %select_n3A_91 : vector<4096x64xf32>
    %get3A_93 = arith.constant 0 : index
    %get3A_94 = arith.constant 192 : index
    %get3A_95 = arith.constant 64 : index
    %get3A_96 = vector.load %arg1[%get3A_93, %get3A_94, %get3A_95] : memref<1x4352x640xf32, #tpu.memory_space<vmem>>, vector<1x4096x64xf32>
    %get3A_97 = vector.shape_cast %get3A_96 : vector<1x4096x64xf32> to vector<4096x64xf32>
    %sub3A_98 = arith.constant -1 : i32
    %sub3A_99 = vector.broadcast %sub3A_98 : i32 to vector<4096x1xi32>
    %sub3A_100 = arith.subi %select_n3A, %sub3A_99 : vector<4096x1xi32>
    %ge3A_101 = arith.constant 0 : i32
    %ge3A_102 = vector.broadcast %ge3A_101 : i32 to vector<4096x1xi32>
    %ge3A_103 = arith.cmpi sge, %sub3A_100, %ge3A_102 : vector<4096x1xi32>
    %sub3A_104 = arith.constant -1 : i32
    %sub3A_105 = vector.broadcast %sub3A_104 : i32 to vector<4096x1xi32>
    %sub3A_106 = arith.subi %select_n3A, %sub3A_105 : vector<4096x1xi32>
    %lt3A_107 = arith.constant 64 : i32
    %lt3A_108 = vector.broadcast %lt3A_107 : i32 to vector<4096x1xi32>
    %lt3A_109 = arith.cmpi slt, %sub3A_106, %lt3A_108 : vector<4096x1xi32>
    %and3A_110 = arith.andi %ge3A_103, %lt3A_109 : vector<4096x1xi1>
    %sub3A_111 = arith.constant 0 : i32
    %sub3A_112 = vector.broadcast %sub3A_111 : i32 to vector<4096x1xi32>
    %sub3A_113 = arith.subi %select_n3A_42, %sub3A_112 : vector<4096x1xi32>
    %ge3A_114 = arith.constant 0 : i32
    %ge3A_115 = vector.broadcast %ge3A_114 : i32 to vector<4096x1xi32>
    %ge3A_116 = arith.cmpi sge, %sub3A_113, %ge3A_115 : vector<4096x1xi32>
    %and3A_117 = arith.andi %and3A_110, %ge3A_116 : vector<4096x1xi1>
    %sub3A_118 = arith.constant 0 : i32
    %sub3A_119 = vector.broadcast %sub3A_118 : i32 to vector<4096x1xi32>
    %sub3A_120 = arith.subi %select_n3A_42, %sub3A_119 : vector<4096x1xi32>
    %lt3A_121 = arith.constant 64 : i32
    %lt3A_122 = vector.broadcast %lt3A_121 : i32 to vector<4096x1xi32>
    %lt3A_123 = arith.cmpi slt, %sub3A_120, %lt3A_122 : vector<4096x1xi32>
    %and3A_124 = arith.andi %and3A_117, %lt3A_123 : vector<4096x1xi1>
    %jit3A_125 = arith.constant 0.000000e+00 : f32
    %broadcast_in_dim3A_126 = vector.shape_cast %and3A_124 : vector<4096x1xi1> to vector<4096x1xi1>
    %broadcast_in_dim3A_127 = vector.broadcast %broadcast_in_dim3A_126 : vector<4096x1xi1> to vector<4096x64xi1>
    %broadcast_in_dim3A_128 = vector.broadcast %jit3A_125 : f32 to vector<4096x64xf32>
    %select_n3A_129 = arith.select %broadcast_in_dim3A_127, %get3A_97, %broadcast_in_dim3A_128 : vector<4096x64xi1>, vector<4096x64xf32>
    %add3A_130 = arith.addf %add3A_92, %select_n3A_129 : vector<4096x64xf32>
    %get3A_131 = arith.constant 0 : index
    %get3A_132 = arith.constant 191 : index
    %get3A_133 = arith.constant 128 : index
    %get3A_134 = vector.load %arg1[%get3A_131, %get3A_132, %get3A_133] : memref<1x4352x640xf32, #tpu.memory_space<vmem>>, vector<1x4096x64xf32>
    %get3A_135 = vector.shape_cast %get3A_134 : vector<1x4096x64xf32> to vector<4096x64xf32>
    %sub3A_136 = arith.constant -1 : i32
    %sub3A_137 = vector.broadcast %sub3A_136 : i32 to vector<4096x1xi32>
    %sub3A_138 = arith.subi %select_n3A, %sub3A_137 : vector<4096x1xi32>
    %ge3A_139 = arith.constant 0 : i32
    %ge3A_140 = vector.broadcast %ge3A_139 : i32 to vector<4096x1xi32>
    %ge3A_141 = arith.cmpi sge, %sub3A_138, %ge3A_140 : vector<4096x1xi32>
    %sub3A_142 = arith.constant -1 : i32
    %sub3A_143 = vector.broadcast %sub3A_142 : i32 to vector<4096x1xi32>
    %sub3A_144 = arith.subi %select_n3A, %sub3A_143 : vector<4096x1xi32>
    %lt3A_145 = arith.constant 64 : i32
    %lt3A_146 = vector.broadcast %lt3A_145 : i32 to vector<4096x1xi32>
    %lt3A_147 = arith.cmpi slt, %sub3A_144, %lt3A_146 : vector<4096x1xi32>
    %and3A_148 = arith.andi %ge3A_141, %lt3A_147 : vector<4096x1xi1>
    %sub3A_149 = arith.constant 1 : i32
    %sub3A_150 = vector.broadcast %sub3A_149 : i32 to vector<4096x1xi32>
    %sub3A_151 = arith.subi %select_n3A_42, %sub3A_150 : vector<4096x1xi32>
    %ge3A_152 = arith.constant 0 : i32
    %ge3A_153 = vector.broadcast %ge3A_152 : i32 to vector<4096x1xi32>
    %ge3A_154 = arith.cmpi sge, %sub3A_151, %ge3A_153 : vector<4096x1xi32>
    %and3A_155 = arith.andi %and3A_148, %ge3A_154 : vector<4096x1xi1>
    %sub3A_156 = arith.constant 1 : i32
    %sub3A_157 = vector.broadcast %sub3A_156 : i32 to vector<4096x1xi32>
    %sub3A_158 = arith.subi %select_n3A_42, %sub3A_157 : vector<4096x1xi32>
    %lt3A_159 = arith.constant 64 : i32
    %lt3A_160 = vector.broadcast %lt3A_159 : i32 to vector<4096x1xi32>
    %lt3A_161 = arith.cmpi slt, %sub3A_158, %lt3A_160 : vector<4096x1xi32>
    %and3A_162 = arith.andi %and3A_155, %lt3A_161 : vector<4096x1xi1>
    %jit3A_163 = arith.constant 0.000000e+00 : f32
    %broadcast_in_dim3A_164 = vector.shape_cast %and3A_162 : vector<4096x1xi1> to vector<4096x1xi1>
    %broadcast_in_dim3A_165 = vector.broadcast %broadcast_in_dim3A_164 : vector<4096x1xi1> to vector<4096x64xi1>
    %broadcast_in_dim3A_166 = vector.broadcast %jit3A_163 : f32 to vector<4096x64xf32>
    %select_n3A_167 = arith.select %broadcast_in_dim3A_165, %get3A_135, %broadcast_in_dim3A_166 : vector<4096x64xi1>, vector<4096x64xf32>
    %add3A_168 = arith.addf %add3A_130, %select_n3A_167 : vector<4096x64xf32>
    %get3A_169 = arith.constant 0 : index
    %get3A_170 = arith.constant 129 : index
    %get3A_171 = arith.constant 192 : index
    %get3A_172 = vector.load %arg1[%get3A_169, %get3A_170, %get3A_171] : memref<1x4352x640xf32, #tpu.memory_space<vmem>>, vector<1x4096x64xf32>
    %get3A_173 = vector.shape_cast %get3A_172 : vector<1x4096x64xf32> to vector<4096x64xf32>
    %sub3A_174 = arith.constant 0 : i32
    %sub3A_175 = vector.broadcast %sub3A_174 : i32 to vector<4096x1xi32>
    %sub3A_176 = arith.subi %select_n3A, %sub3A_175 : vector<4096x1xi32>
    %ge3A_177 = arith.constant 0 : i32
    %ge3A_178 = vector.broadcast %ge3A_177 : i32 to vector<4096x1xi32>
    %ge3A_179 = arith.cmpi sge, %sub3A_176, %ge3A_178 : vector<4096x1xi32>
    %sub3A_180 = arith.constant 0 : i32
    %sub3A_181 = vector.broadcast %sub3A_180 : i32 to vector<4096x1xi32>
    %sub3A_182 = arith.subi %select_n3A, %sub3A_181 : vector<4096x1xi32>
    %lt3A_183 = arith.constant 64 : i32
    %lt3A_184 = vector.broadcast %lt3A_183 : i32 to vector<4096x1xi32>
    %lt3A_185 = arith.cmpi slt, %sub3A_182, %lt3A_184 : vector<4096x1xi32>
    %and3A_186 = arith.andi %ge3A_179, %lt3A_185 : vector<4096x1xi1>
    %sub3A_187 = arith.constant -1 : i32
    %sub3A_188 = vector.broadcast %sub3A_187 : i32 to vector<4096x1xi32>
    %sub3A_189 = arith.subi %select_n3A_42, %sub3A_188 : vector<4096x1xi32>
    %ge3A_190 = arith.constant 0 : i32
    %ge3A_191 = vector.broadcast %ge3A_190 : i32 to vector<4096x1xi32>
    %ge3A_192 = arith.cmpi sge, %sub3A_189, %ge3A_191 : vector<4096x1xi32>
    %and3A_193 = arith.andi %and3A_186, %ge3A_192 : vector<4096x1xi1>
    %sub3A_194 = arith.constant -1 : i32
    %sub3A_195 = vector.broadcast %sub3A_194 : i32 to vector<4096x1xi32>
    %sub3A_196 = arith.subi %select_n3A_42, %sub3A_195 : vector<4096x1xi32>
    %lt3A_197 = arith.constant 64 : i32
    %lt3A_198 = vector.broadcast %lt3A_197 : i32 to vector<4096x1xi32>
    %lt3A_199 = arith.cmpi slt, %sub3A_196, %lt3A_198 : vector<4096x1xi32>
    %and3A_200 = arith.andi %and3A_193, %lt3A_199 : vector<4096x1xi1>
    %jit3A_201 = arith.constant 0.000000e+00 : f32
    %broadcast_in_dim3A_202 = vector.shape_cast %and3A_200 : vector<4096x1xi1> to vector<4096x1xi1>
    %broadcast_in_dim3A_203 = vector.broadcast %broadcast_in_dim3A_202 : vector<4096x1xi1> to vector<4096x64xi1>
    %broadcast_in_dim3A_204 = vector.broadcast %jit3A_201 : f32 to vector<4096x64xf32>
    %select_n3A_205 = arith.select %broadcast_in_dim3A_203, %get3A_173, %broadcast_in_dim3A_204 : vector<4096x64xi1>, vector<4096x64xf32>
    %add3A_206 = arith.addf %add3A_168, %select_n3A_205 : vector<4096x64xf32>
    %get3A_207 = arith.constant 0 : index
    %get3A_208 = arith.constant 128 : index
    %get3A_209 = arith.constant 256 : index
    %get3A_210 = vector.load %arg1[%get3A_207, %get3A_208, %get3A_209] : memref<1x4352x640xf32, #tpu.memory_space<vmem>>, vector<1x4096x64xf32>
    %get3A_211 = vector.shape_cast %get3A_210 : vector<1x4096x64xf32> to vector<4096x64xf32>
    %sub3A_212 = arith.constant 0 : i32
    %sub3A_213 = vector.broadcast %sub3A_212 : i32 to vector<4096x1xi32>
    %sub3A_214 = arith.subi %select_n3A, %sub3A_213 : vector<4096x1xi32>
    %ge3A_215 = arith.constant 0 : i32
    %ge3A_216 = vector.broadcast %ge3A_215 : i32 to vector<4096x1xi32>
    %ge3A_217 = arith.cmpi sge, %sub3A_214, %ge3A_216 : vector<4096x1xi32>
    %sub3A_218 = arith.constant 0 : i32
    %sub3A_219 = vector.broadcast %sub3A_218 : i32 to vector<4096x1xi32>
    %sub3A_220 = arith.subi %select_n3A, %sub3A_219 : vector<4096x1xi32>
    %lt3A_221 = arith.constant 64 : i32
    %lt3A_222 = vector.broadcast %lt3A_221 : i32 to vector<4096x1xi32>
    %lt3A_223 = arith.cmpi slt, %sub3A_220, %lt3A_222 : vector<4096x1xi32>
    %and3A_224 = arith.andi %ge3A_217, %lt3A_223 : vector<4096x1xi1>
    %sub3A_225 = arith.constant 0 : i32
    %sub3A_226 = vector.broadcast %sub3A_225 : i32 to vector<4096x1xi32>
    %sub3A_227 = arith.subi %select_n3A_42, %sub3A_226 : vector<4096x1xi32>
    %ge3A_228 = arith.constant 0 : i32
    %ge3A_229 = vector.broadcast %ge3A_228 : i32 to vector<4096x1xi32>
    %ge3A_230 = arith.cmpi sge, %sub3A_227, %ge3A_229 : vector<4096x1xi32>
    %and3A_231 = arith.andi %and3A_224, %ge3A_230 : vector<4096x1xi1>
    %sub3A_232 = arith.constant 0 : i32
    %sub3A_233 = vector.broadcast %sub3A_232 : i32 to vector<4096x1xi32>
    %sub3A_234 = arith.subi %select_n3A_42, %sub3A_233 : vector<4096x1xi32>
    %lt3A_235 = arith.constant 64 : i32
    %lt3A_236 = vector.broadcast %lt3A_235 : i32 to vector<4096x1xi32>
    %lt3A_237 = arith.cmpi slt, %sub3A_234, %lt3A_236 : vector<4096x1xi32>
    %and3A_238 = arith.andi %and3A_231, %lt3A_237 : vector<4096x1xi1>
    %jit3A_239 = arith.constant 0.000000e+00 : f32
    %broadcast_in_dim3A_240 = vector.shape_cast %and3A_238 : vector<4096x1xi1> to vector<4096x1xi1>
    %broadcast_in_dim3A_241 = vector.broadcast %broadcast_in_dim3A_240 : vector<4096x1xi1> to vector<4096x64xi1>
    %broadcast_in_dim3A_242 = vector.broadcast %jit3A_239 : f32 to vector<4096x64xf32>
    %select_n3A_243 = arith.select %broadcast_in_dim3A_241, %get3A_211, %broadcast_in_dim3A_242 : vector<4096x64xi1>, vector<4096x64xf32>
    %add3A_244 = arith.addf %add3A_206, %select_n3A_243 : vector<4096x64xf32>
    %get3A_245 = arith.constant 0 : index
    %get3A_246 = arith.constant 127 : index
    %get3A_247 = arith.constant 320 : index
    %get3A_248 = vector.load %arg1[%get3A_245, %get3A_246, %get3A_247] : memref<1x4352x640xf32, #tpu.memory_space<vmem>>, vector<1x4096x64xf32>
    %get3A_249 = vector.shape_cast %get3A_248 : vector<1x4096x64xf32> to vector<4096x64xf32>
    %sub3A_250 = arith.constant 0 : i32
    %sub3A_251 = vector.broadcast %sub3A_250 : i32 to vector<4096x1xi32>
    %sub3A_252 = arith.subi %select_n3A, %sub3A_251 : vector<4096x1xi32>
    %ge3A_253 = arith.constant 0 : i32
    %ge3A_254 = vector.broadcast %ge3A_253 : i32 to vector<4096x1xi32>
    %ge3A_255 = arith.cmpi sge, %sub3A_252, %ge3A_254 : vector<4096x1xi32>
    %sub3A_256 = arith.constant 0 : i32
    %sub3A_257 = vector.broadcast %sub3A_256 : i32 to vector<4096x1xi32>
    %sub3A_258 = arith.subi %select_n3A, %sub3A_257 : vector<4096x1xi32>
    %lt3A_259 = arith.constant 64 : i32
    %lt3A_260 = vector.broadcast %lt3A_259 : i32 to vector<4096x1xi32>
    %lt3A_261 = arith.cmpi slt, %sub3A_258, %lt3A_260 : vector<4096x1xi32>
    %and3A_262 = arith.andi %ge3A_255, %lt3A_261 : vector<4096x1xi1>
    %sub3A_263 = arith.constant 1 : i32
    %sub3A_264 = vector.broadcast %sub3A_263 : i32 to vector<4096x1xi32>
    %sub3A_265 = arith.subi %select_n3A_42, %sub3A_264 : vector<4096x1xi32>
    %ge3A_266 = arith.constant 0 : i32
    %ge3A_267 = vector.broadcast %ge3A_266 : i32 to vector<4096x1xi32>
    %ge3A_268 = arith.cmpi sge, %sub3A_265, %ge3A_267 : vector<4096x1xi32>
    %and3A_269 = arith.andi %and3A_262, %ge3A_268 : vector<4096x1xi1>
    %sub3A_270 = arith.constant 1 : i32
    %sub3A_271 = vector.broadcast %sub3A_270 : i32 to vector<4096x1xi32>
    %sub3A_272 = arith.subi %select_n3A_42, %sub3A_271 : vector<4096x1xi32>
    %lt3A_273 = arith.constant 64 : i32
    %lt3A_274 = vector.broadcast %lt3A_273 : i32 to vector<4096x1xi32>
    %lt3A_275 = arith.cmpi slt, %sub3A_272, %lt3A_274 : vector<4096x1xi32>
    %and3A_276 = arith.andi %and3A_269, %lt3A_275 : vector<4096x1xi1>
    %jit3A_277 = arith.constant 0.000000e+00 : f32
    %broadcast_in_dim3A_278 = vector.shape_cast %and3A_276 : vector<4096x1xi1> to vector<4096x1xi1>
    %broadcast_in_dim3A_279 = vector.broadcast %broadcast_in_dim3A_278 : vector<4096x1xi1> to vector<4096x64xi1>
    %broadcast_in_dim3A_280 = vector.broadcast %jit3A_277 : f32 to vector<4096x64xf32>
    %select_n3A_281 = arith.select %broadcast_in_dim3A_279, %get3A_249, %broadcast_in_dim3A_280 : vector<4096x64xi1>, vector<4096x64xf32>
    %add3A_282 = arith.addf %add3A_244, %select_n3A_281 : vector<4096x64xf32>
    %get3A_283 = arith.constant 0 : index
    %get3A_284 = arith.constant 65 : index
    %get3A_285 = arith.constant 384 : index
    %get3A_286 = vector.load %arg1[%get3A_283, %get3A_284, %get3A_285] : memref<1x4352x640xf32, #tpu.memory_space<vmem>>, vector<1x4096x64xf32>
    %get3A_287 = vector.shape_cast %get3A_286 : vector<1x4096x64xf32> to vector<4096x64xf32>
    %sub3A_288 = arith.constant 1 : i32
    %sub3A_289 = vector.broadcast %sub3A_288 : i32 to vector<4096x1xi32>
    %sub3A_290 = arith.subi %select_n3A, %sub3A_289 : vector<4096x1xi32>
    %ge3A_291 = arith.constant 0 : i32
    %ge3A_292 = vector.broadcast %ge3A_291 : i32 to vector<4096x1xi32>
    %ge3A_293 = arith.cmpi sge, %sub3A_290, %ge3A_292 : vector<4096x1xi32>
    %sub3A_294 = arith.constant 1 : i32
    %sub3A_295 = vector.broadcast %sub3A_294 : i32 to vector<4096x1xi32>
    %sub3A_296 = arith.subi %select_n3A, %sub3A_295 : vector<4096x1xi32>
    %lt3A_297 = arith.constant 64 : i32
    %lt3A_298 = vector.broadcast %lt3A_297 : i32 to vector<4096x1xi32>
    %lt3A_299 = arith.cmpi slt, %sub3A_296, %lt3A_298 : vector<4096x1xi32>
    %and3A_300 = arith.andi %ge3A_293, %lt3A_299 : vector<4096x1xi1>
    %sub3A_301 = arith.constant -1 : i32
    %sub3A_302 = vector.broadcast %sub3A_301 : i32 to vector<4096x1xi32>
    %sub3A_303 = arith.subi %select_n3A_42, %sub3A_302 : vector<4096x1xi32>
    %ge3A_304 = arith.constant 0 : i32
    %ge3A_305 = vector.broadcast %ge3A_304 : i32 to vector<4096x1xi32>
    %ge3A_306 = arith.cmpi sge, %sub3A_303, %ge3A_305 : vector<4096x1xi32>
    %and3A_307 = arith.andi %and3A_300, %ge3A_306 : vector<4096x1xi1>
    %sub3A_308 = arith.constant -1 : i32
    %sub3A_309 = vector.broadcast %sub3A_308 : i32 to vector<4096x1xi32>
    %sub3A_310 = arith.subi %select_n3A_42, %sub3A_309 : vector<4096x1xi32>
    %lt3A_311 = arith.constant 64 : i32
    %lt3A_312 = vector.broadcast %lt3A_311 : i32 to vector<4096x1xi32>
    %lt3A_313 = arith.cmpi slt, %sub3A_310, %lt3A_312 : vector<4096x1xi32>
    %and3A_314 = arith.andi %and3A_307, %lt3A_313 : vector<4096x1xi1>
    %jit3A_315 = arith.constant 0.000000e+00 : f32
    %broadcast_in_dim3A_316 = vector.shape_cast %and3A_314 : vector<4096x1xi1> to vector<4096x1xi1>
    %broadcast_in_dim3A_317 = vector.broadcast %broadcast_in_dim3A_316 : vector<4096x1xi1> to vector<4096x64xi1>
    %broadcast_in_dim3A_318 = vector.broadcast %jit3A_315 : f32 to vector<4096x64xf32>
    %select_n3A_319 = arith.select %broadcast_in_dim3A_317, %get3A_287, %broadcast_in_dim3A_318 : vector<4096x64xi1>, vector<4096x64xf32>
    %add3A_320 = arith.addf %add3A_282, %select_n3A_319 : vector<4096x64xf32>
    %get3A_321 = arith.constant 0 : index
    %get3A_322 = arith.constant 64 : index
    %get3A_323 = arith.constant 448 : index
    %get3A_324 = vector.load %arg1[%get3A_321, %get3A_322, %get3A_323] : memref<1x4352x640xf32, #tpu.memory_space<vmem>>, vector<1x4096x64xf32>
    %get3A_325 = vector.shape_cast %get3A_324 : vector<1x4096x64xf32> to vector<4096x64xf32>
    %sub3A_326 = arith.constant 1 : i32
    %sub3A_327 = vector.broadcast %sub3A_326 : i32 to vector<4096x1xi32>
    %sub3A_328 = arith.subi %select_n3A, %sub3A_327 : vector<4096x1xi32>
    %ge3A_329 = arith.constant 0 : i32
    %ge3A_330 = vector.broadcast %ge3A_329 : i32 to vector<4096x1xi32>
    %ge3A_331 = arith.cmpi sge, %sub3A_328, %ge3A_330 : vector<4096x1xi32>
    %sub3A_332 = arith.constant 1 : i32
    %sub3A_333 = vector.broadcast %sub3A_332 : i32 to vector<4096x1xi32>
    %sub3A_334 = arith.subi %select_n3A, %sub3A_333 : vector<4096x1xi32>
    %lt3A_335 = arith.constant 64 : i32
    %lt3A_336 = vector.broadcast %lt3A_335 : i32 to vector<4096x1xi32>
    %lt3A_337 = arith.cmpi slt, %sub3A_334, %lt3A_336 : vector<4096x1xi32>
    %and3A_338 = arith.andi %ge3A_331, %lt3A_337 : vector<4096x1xi1>
    %sub3A_339 = arith.constant 0 : i32
    %sub3A_340 = vector.broadcast %sub3A_339 : i32 to vector<4096x1xi32>
    %sub3A_341 = arith.subi %select_n3A_42, %sub3A_340 : vector<4096x1xi32>
    %ge3A_342 = arith.constant 0 : i32
    %ge3A_343 = vector.broadcast %ge3A_342 : i32 to vector<4096x1xi32>
    %ge3A_344 = arith.cmpi sge, %sub3A_341, %ge3A_343 : vector<4096x1xi32>
    %and3A_345 = arith.andi %and3A_338, %ge3A_344 : vector<4096x1xi1>
    %sub3A_346 = arith.constant 0 : i32
    %sub3A_347 = vector.broadcast %sub3A_346 : i32 to vector<4096x1xi32>
    %sub3A_348 = arith.subi %select_n3A_42, %sub3A_347 : vector<4096x1xi32>
    %lt3A_349 = arith.constant 64 : i32
    %lt3A_350 = vector.broadcast %lt3A_349 : i32 to vector<4096x1xi32>
    %lt3A_351 = arith.cmpi slt, %sub3A_348, %lt3A_350 : vector<4096x1xi32>
    %and3A_352 = arith.andi %and3A_345, %lt3A_351 : vector<4096x1xi1>
    %jit3A_353 = arith.constant 0.000000e+00 : f32
    %broadcast_in_dim3A_354 = vector.shape_cast %and3A_352 : vector<4096x1xi1> to vector<4096x1xi1>
    %broadcast_in_dim3A_355 = vector.broadcast %broadcast_in_dim3A_354 : vector<4096x1xi1> to vector<4096x64xi1>
    %broadcast_in_dim3A_356 = vector.broadcast %jit3A_353 : f32 to vector<4096x64xf32>
    %select_n3A_357 = arith.select %broadcast_in_dim3A_355, %get3A_325, %broadcast_in_dim3A_356 : vector<4096x64xi1>, vector<4096x64xf32>
    %add3A_358 = arith.addf %add3A_320, %select_n3A_357 : vector<4096x64xf32>
    %get3A_359 = arith.constant 0 : index
    %get3A_360 = arith.constant 63 : index
    %get3A_361 = arith.constant 512 : index
    %get3A_362 = vector.load %arg1[%get3A_359, %get3A_360, %get3A_361] : memref<1x4352x640xf32, #tpu.memory_space<vmem>>, vector<1x4096x64xf32>
    %get3A_363 = vector.shape_cast %get3A_362 : vector<1x4096x64xf32> to vector<4096x64xf32>
    %sub3A_364 = arith.constant 1 : i32
    %sub3A_365 = vector.broadcast %sub3A_364 : i32 to vector<4096x1xi32>
    %sub3A_366 = arith.subi %select_n3A, %sub3A_365 : vector<4096x1xi32>
    %ge3A_367 = arith.constant 0 : i32
    %ge3A_368 = vector.broadcast %ge3A_367 : i32 to vector<4096x1xi32>
    %ge3A_369 = arith.cmpi sge, %sub3A_366, %ge3A_368 : vector<4096x1xi32>
    %sub3A_370 = arith.constant 1 : i32
    %sub3A_371 = vector.broadcast %sub3A_370 : i32 to vector<4096x1xi32>
    %sub3A_372 = arith.subi %select_n3A, %sub3A_371 : vector<4096x1xi32>
    %lt3A_373 = arith.constant 64 : i32
    %lt3A_374 = vector.broadcast %lt3A_373 : i32 to vector<4096x1xi32>
    %lt3A_375 = arith.cmpi slt, %sub3A_372, %lt3A_374 : vector<4096x1xi32>
    %and3A_376 = arith.andi %ge3A_369, %lt3A_375 : vector<4096x1xi1>
    %sub3A_377 = arith.constant 1 : i32
    %sub3A_378 = vector.broadcast %sub3A_377 : i32 to vector<4096x1xi32>
    %sub3A_379 = arith.subi %select_n3A_42, %sub3A_378 : vector<4096x1xi32>
    %ge3A_380 = arith.constant 0 : i32
    %ge3A_381 = vector.broadcast %ge3A_380 : i32 to vector<4096x1xi32>
    %ge3A_382 = arith.cmpi sge, %sub3A_379, %ge3A_381 : vector<4096x1xi32>
    %and3A_383 = arith.andi %and3A_376, %ge3A_382 : vector<4096x1xi1>
    %sub3A_384 = arith.constant 1 : i32
    %sub3A_385 = vector.broadcast %sub3A_384 : i32 to vector<4096x1xi32>
    %sub3A_386 = arith.subi %select_n3A_42, %sub3A_385 : vector<4096x1xi32>
    %lt3A_387 = arith.constant 64 : i32
    %lt3A_388 = vector.broadcast %lt3A_387 : i32 to vector<4096x1xi32>
    %lt3A_389 = arith.cmpi slt, %sub3A_386, %lt3A_388 : vector<4096x1xi32>
    %and3A_390 = arith.andi %and3A_383, %lt3A_389 : vector<4096x1xi1>
    %jit3A_391 = arith.constant 0.000000e+00 : f32
    %broadcast_in_dim3A_392 = vector.shape_cast %and3A_390 : vector<4096x1xi1> to vector<4096x1xi1>
    %broadcast_in_dim3A_393 = vector.broadcast %broadcast_in_dim3A_392 : vector<4096x1xi1> to vector<4096x64xi1>
    %broadcast_in_dim3A_394 = vector.broadcast %jit3A_391 : f32 to vector<4096x64xf32>
    %select_n3A_395 = arith.select %broadcast_in_dim3A_393, %get3A_363, %broadcast_in_dim3A_394 : vector<4096x64xi1>, vector<4096x64xf32>
    %add3A_396 = arith.addf %add3A_358, %select_n3A_395 : vector<4096x64xf32>
    %mul3A = vector.broadcast %broadcast_in_dim3A_53 : vector<4096x1xf32> to vector<4096x64xf32>
    %mul3A_397 = arith.mulf %mul3A, %add3A_396 : vector<4096x64xf32>
    %mul3A_398 = arith.constant 0.027777778 : f32
    %mul3A_399 = vector.broadcast %mul3A_398 : f32 to vector<4096x64xf32>
    %mul3A_400 = arith.mulf %mul3A_397, %mul3A_399 : vector<4096x64xf32>
    %eq3A_401 = arith.constant 0 : i32
    %eq3A_402 = arith.cmpi eq, %arg0, %eq3A_401 : i32
    %convert_element_type3A = arith.extui %eq3A_402 : i1 to i32
    %cond3A = arith.constant 0 : i32
    %cond3A_403 = arith.cmpi ne, %convert_element_type3A, %cond3A : i32
    scf.if %cond3A_403 {
      %get3A_408 = arith.constant 0 : index
      %get3A_409 = arith.constant 0 : index
      %get3A_410 = vector.load %arg3[%get3A_408, %get3A_409] : memref<4096x64xf32, #tpu.memory_space<vmem>>, vector<4096x64xf32>
      %get3A_411 = arith.constant 0 : index
      %get3A_412 = arith.constant 0 : index
      %get3A_413 = vector.load %arg4[%get3A_411, %get3A_412] : memref<4096x64xf32, #tpu.memory_space<vmem>>, vector<4096x64xf32>
      %add3A_414 = arith.addf %get3A_410, %get3A_413 : vector<4096x64xf32>
      %add3A_415 = arith.addf %add3A_414, %mul3A_400 : vector<4096x64xf32>
      %swap3A = arith.constant 0 : index
      %swap3A_416 = arith.constant 0 : index
      %swap3A_417 = vector.load %arg5[%swap3A, %swap3A_416] : memref<4096x64xf32, #tpu.memory_space<vmem>>, vector<4096x64xf32>
      tpu.vector_store %arg5[%swap3A, %swap3A_416], %add3A_415 {strides = array<i32>} : memref<4096x64xf32, #tpu.memory_space<vmem>>, vector<4096x64xf32>,
    } else {
    }
    %gt3A = arith.constant 0 : i32
    %gt3A_404 = arith.cmpi sgt, %arg0, %gt3A : i32
    %convert_element_type3A_405 = arith.extui %gt3A_404 : i1 to i32
    %cond3A_406 = arith.constant 0 : i32
    %cond3A_407 = arith.cmpi ne, %convert_element_type3A_405, %cond3A_406 : i32
    scf.if %cond3A_407 {
      %get3A_408 = arith.constant 0 : index
      %get3A_409 = arith.constant 0 : index
      %get3A_410 = vector.load %arg5[%get3A_408, %get3A_409] : memref<4096x64xf32, #tpu.memory_space<vmem>>, vector<4096x64xf32>
      %add3A_411 = arith.addf %get3A_410, %mul3A_400 : vector<4096x64xf32>
      %swap3A = arith.constant 0 : index
      %swap3A_412 = arith.constant 0 : index
      %swap3A_413 = vector.load %arg5[%swap3A, %swap3A_412] : memref<4096x64xf32, #tpu.memory_space<vmem>>, vector<4096x64xf32>
      tpu.vector_store %arg5[%swap3A, %swap3A_412], %add3A_411 {strides = array<i32>} : memref<4096x64xf32, #tpu.memory_space<vmem>>, vector<4096x64xf32>,
    } else {
    }
    return
  }
  func.func @transform_0(%arg0: i32) -> (i32, i32, i32) {
    %c0_i32 = arith.constant 0 : i32
    %c0_i32_0 = arith.constant 0 : i32
    %c0_i32_1 = arith.constant 0 : i32
    return %arg0, %c0_i32, %c0_i32_0 : i32, i32, i32
  }
  func.func @transform_1(%arg0: i32) -> (i32, i32) {
    %c0_i32 = arith.constant 0 : i32
    %c0_i32_0 = arith.constant 0 : i32
    %c0_i32_1 = arith.constant 0 : i32
    return %c0_i32, %c0_i32_0 : i32, i32
  }
  func.func @transform_2(%arg0: i32) -> (i32, i32) {
    %c0_i32 = arith.constant 0 : i32
    %c0_i32_0 = arith.constant 0 : i32
    %c0_i32_1 = arith.constant 0 : i32
    return %c0_i32, %c0_i32_0 : i32, i32
  }
  func.func @transform_3(%arg0: i32) -> (i32, i32) {
    %c0_i32 = arith.constant 0 : i32
    %c0_i32_0 = arith.constant 0 : i32
    %c0_i32_1 = arith.constant 0 : i32
    return %c0_i32, %c0_i32_0 : i32, i32
  }
  func.func @transform_4(%arg0: i32) -> (i32, i32) {
    %c0_i32 = arith.constant 0 : i32
    %c0_i32_0 = arith.constant 0 : i32
    %c0_i32_1 = arith.constant 0 : i32
    return %c0_i32, %c0_i32_0 : i32, i32
  }
}

</mosaic_0001>

<sc_bundles>
// kernel: kernel.6.cloned.1.call-start
scs
__scs_entry_jumppad:
0x0: {  	(pc) =	sbr.rel $0x88, $3  }
0x1: {  	(tag) =	ssettag $0x0;
	lr =	simm.s32 $0x1  }
0x2: {  	[smem:$0x3F98] =	sst lr;
	_ =	strace $0xD0000000  }
0x3: {  	_ = 	snop  }
0x4: {  	_ = 	snop  }
0x5: {  	_ = 	snop  }
0x6: {  	_ = 	snop  }
0x7: {  	_ = 	snop  }
__scs_overlays_trampoline_lowered:
0x8: {  	[smem:$0x3FA7] =	sst s0  }
0x9: {  	[smem:$0x3FA8] =	sst s1  }
0xa: {  	[smem:$0x3FA9] =	sst s2  }
0xb: {  	[smem:$0x3FAA] =	sst s3  }
0xc: {  	[smem:$0x3FAB] =	sst s4  }
0xd: {  	[smem:$0x3FAC] =	sst s5  }
0xe: {  	[smem:$0x3FAD] =	sst s6  }
0xf: {  	[smem:$0x3FAE] =	sst s7  }
0x10: {  	[smem:$0x3FAF] =	sst s8  }
0x11: {  	[smem:$0x3FB0] =	sst s9;
	s0 =	simm.s32 @!p0 $0x0  }
0x12: {  	s1 =	sld [smem:$0x3F96];
	s0 =	simm.s32 @p0 $0x1  }
0x13: {  	[smem:$0x3FB1] =	sst s0;
	s0 =	simm.s32 @!p1 $0x0  }
0x14: {  	s2 =	sld [smem:$0x3F95];
	s0 =	simm.s32 @p1 $0x1  }
0x15: {  	[smem:$0x3FB2] =	sst s0;
	s0 =	simm.s32 @!p2 $0x0  }
0x16: {  	s3 =	sld [smem:$0x3FDB];
	s0 =	simm.s32 @p2 $0x1  }
0x17: {  	s4 =	simm.s32 $0x1BF5;
	[smem:$0x3FB4] =	sst s0  }
0x18: {  	s0 =	sld [smem:$0x3F97];
	_ =	swait.ge [sflag:s4], $0x0  }
0x19: {  	s7 =	sld [smem:$0x3F98]  }
0x1a: {  	s8 =	sadd.s32 $0xFFFFE003, lr  }
0x1b: {  	s9 =	sadd.s32 $0xFFFFFEF7, lr;
	s5 =	simm.s32 $0xFFFFFFFF;
	p2 =	slt.u32 s8, $0xFFFFF086  }
0x1c: {  	p1 =	slt.u32 s9, $0xF7A;
	s5 =	simm.s32 @!p2 $0x0  }
0x1d: {  	s5 =	simm.s32 @p1 $0x1;
	p0 =	seq.s32 s7, s2  }
0x1e: {  	s7 =	smul.u32 @!p0 $0xF7A, s2;
	p2 =	seq.s32 @!p0 s5, $0x0  }
0x1f: {  	s9 =	smul.u32 $0xF7A, s1;
	s8 =	simm.s32 @!p0 $0x1BF5;
	p2 =	por !p2, p0  }
0x20: {  	[sflag:s8] =	ssyncset.s32 @!p0 $0xFFFFF086;
	s6 =	sadd.s32 @!p0 s3, s7;
	s7 =	simm.s32 @!p0 $0x108  }
0x21: {  	s3 =	sadd.s32 s3, s9;
	s6 =	sadd.s32 @!p0 $0x88, s6;
	s7 =	simm.s32 @p2 $0x1082  }
0x22: {  	[simem:s7], [sflag:s8] =	dma.local @!p0 [hbm:s6], $0xF7A  }
0x23: {  	s9 =	sor.u32 $0xD0000000, s2;
	s6 =	simm.s32 $0x108;
	_ =	swait.ge @!p0 [sflag:s8], $0x0  }
0x24: {  	s3 =	sadd.s32 $0x88, s3;
	s6 =	simm.s32 @!p1 $0x1082;
	[sflag:s4] =	ssyncset.s32 $0xFFFFF086  }
0x25: {  	[simem:s6], [sflag:s4] =	dma.local [hbm:s3], $0xF7A  }
0x26: {  	[smem:$0x3F98] =	sst s1;
	(tag) =	ssettag s2;
	_ =	strace s9  }
0x27: {  	s1 =	sld [smem:$0x3FA8]  }
0x28: {  	s2 =	sld [smem:$0x3FA9]  }
0x29: {  	s4 =	sld [smem:$0x3FAB]  }
0x2a: {  	p0 =	seq.s32 s5, $0x0;
	s5 =	sld [smem:$0x3FAC]  }
0x2b: {  	s6 =	sld [smem:$0x3FAD]  }
0x2c: {  	s7 =	sld [smem:$0x3FAE]  }
0x2d: {  	s3 =	simm.s32 $0x108;
	s8 =	sld [smem:$0x3FAF]  }
0x2e: {  	s3 =	simm.s32 @!p0 $0x1082;
	s9 =	sld [smem:$0x3FB0]  }
0x2f: {  	lr =	sadd.s32 s0, s3;
	s0 =	sld [smem:$0x3FA7]  }
0x30: {  	s3 =	sld [smem:$0x3FAA]  }
0x31: {  	[smem:$0x3FB3] =	sst s10  }
0x32: {  	s10 =	sld [smem:$0x3FB1];
	_ =	sdelay $0x3  }
0x33: {  	p0 =	seq.s32 s10, $0x1;
	s10 =	sld [smem:$0x3FB3];
	_ =	sdelay $0x3  }
0x34: {  	[smem:$0x3FB3] =	sst s10  }
0x35: {  	s10 =	sld [smem:$0x3FB2];
	_ =	sdelay $0x3  }
0x36: {  	p1 =	seq.s32 s10, $0x1;
	s10 =	sld [smem:$0x3FB3];
	_ =	sdelay $0x3  }
0x37: {  	[smem:$0x3FB3] =	sst s10  }
0x38: {  	s10 =	sld [smem:$0x3FB4]  }
0x39: {  	_ = 	snop;
	(pc) =	sbr.ind lr, $3  }
0x3a: {  	_ = 	snop  }
0x3b: {  	_ = 	snop  }
0x3c: {  	p2 =	seq.s32 s10, $0x1;
	s10 =	sld [smem:$0x3FB3]  }
0x3d: {  	_ =	shalt  }
0x3e: {  	_ =	shalt  }
0x3f: {  	_ =	shalt  }
0x40: {  	_ =	shalt  }
0x41: {  	_ =	shalt  }
0x42: {  	_ =	shalt  }
0x43: {  	_ =	shalt  }
0x44: {  	_ =	shalt  }
0x45: {  	_ =	shalt  }
0x46: {  	_ =	shalt  }
0x47: {  	_ =	shalt  }
0x48: {  	_ =	shalt  }
0x49: {  	_ =	shalt  }
0x4a: {  	_ =	shalt  }
0x4b: {  	_ =	shalt  }
0x4c: {  	_ =	shalt  }
0x4d: {  	_ =	shalt  }
0x4e: {  	_ =	shalt  }
0x4f: {  	_ =	shalt  }
0x50: {  	_ =	shalt  }
0x51: {  	_ =	shalt  }
0x52: {  	_ =	shalt  }
0x53: {  	_ =	shalt  }
0x54: {  	_ =	shalt  }
0x55: {  	_ =	shalt  }
0x56: {  	_ =	shalt  }
0x57: {  	_ =	shalt  }
0x58: {  	_ =	shalt  }
0x59: {  	_ =	shalt  }
0x5a: {  	_ =	shalt  }
0x5b: {  	_ =	shalt  }
0x5c: {  	_ =	shalt  }
0x5d: {  	_ =	shalt  }
0x5e: {  	_ =	shalt  }
0x5f: {  	_ =	shalt  }
0x60: {  	_ =	shalt  }
0x61: {  	_ =	shalt  }
0x62: {  	_ =	shalt  }
0x63: {  	_ =	shalt  }
0x64: {  	_ =	shalt  }
0x65: {  	_ =	shalt  }
0x66: {  	_ =	shalt  }
0x67: {  	_ =	shalt  }
0x68: {  	_ =	shalt  }
0x69: {  	_ =	shalt  }
0x6a: {  	_ =	shalt  }
0x6b: {  	_ =	shalt  }
0x6c: {  	_ =	shalt  }
0x6d: {  	_ =	shalt  }
0x6e: {  	_ =	shalt  }
0x6f: {  	_ =	shalt  }
0x70: {  	_ =	shalt  }
0x71: {  	_ =	shalt  }
0x72: {  	_ =	shalt  }
0x73: {  	_ =	shalt  }
0x74: {  	_ =	shalt  }
0x75: {  	_ =	shalt  }
0x76: {  	_ =	shalt  }
0x77: {  	_ =	shalt  }
0x78: {  	_ =	shalt  }
0x79: {  	_ =	shalt  }
0x7a: {  	_ =	shalt  }
0x7b: {  	_ =	shalt  }
0x7c: {  	_ =	shalt  }
0x7d: {  	_ =	shalt  }
0x7e: {  	_ =	shalt  }
0x7f: {  	_ =	shalt  }
0x80: {  	_ =	shalt  }
0x81: {  	_ =	shalt  }
0x82: {  	_ =	shalt  }
0x83: {  	_ =	shalt  }
0x84: {  	_ =	shalt  }
0x85: {  	_ =	shalt  }
0x86: {  	_ =	shalt  }
0x87: {  	_ =	shalt  }
.Lfunc_end0:
.L_simem_size_0:
called_computation_lowered:
.L_overlay_start_0:
0x88: {  	s2 =	sld [smem:$0x3FD9]  }
0x89: {  	s3 =	sld [smem:$0x3FFE];
	_ =	sdelay $0x1  }
0x8a: {  	s1 =	srdreg.scid  }
0x8b: {  	s0 =	sand.u32 $0x1, s1  }
0x8c: {  	s17 =	sshll.u32 s0, $0xA;
	s2 =	sadd.s32 s3, s2  }
0x8d: {  	s2 =	sadd.s32 s2, s17  }
0x8e: {  	[smem:$0x3FBF] =	sst s2  }
0x8f: {  	_ = 	snop  }
0x90: {  	s2 =	sld [smem:$0x3FD0];
	(tm) =	ssettm $0x1  }
0x91: {  	s18 =	sld [smem:$0x3FFB];
	_ =	sdelay $0x3  }
0x92: {  	_ =	strace s18  }
0x93: {  	s3 =	sld [smem:$0x3FFC];
	_ =	sdelay $0x3  }
0x94: {  	_ =	strace s3  }
0x95: {  	s3 =	sld [smem:$0x3FFD];
	_ =	sdelay $0x3  }
0x96: {  	_ =	strace s3  }
0x97: {  	_ =	strace $0x8FFFFFFF  }
0x98: {  	s19 =	sld [smem:$0x3FDB];
	_ =	sdelay $0x1  }
0x99: {  	s4 =	simm.s32 $_scs_section_size  }
0x9a: {  	s5 =	simm.s32 $_size__tile_overlayer_lowered;
	s6 =	simm.s32 $_tile_overlayer_lowered  }
0x9b: {  	s22 =	simm.s32 $0x1BFF;
	s21 =	sshll.u32 s6, $0x1;
	s3 =	sadd.s32 s4, s19  }
0x9c: {  	s7 =	simm.s32 $0x0;
	s20 =	sshll.u32 s5, $0x1;
	s5 =	sadd.s32 s21, s3  }
0x9d: {  	[timem:s7], [sflag:s22] =	dma.local [hbm:s5], s20  }
0x9e: {  	_ =	swait.ge [sflag:s22], s20  }
0x9f: {  	s4 =	ssub.s32 $0x0, s20;
	[sflag:s22] =	ssyncset.done $0x0  }
0xa0: {  	[sflag:s22] =	ssyncadd.s32 s4;
	_ =	sdelay $0x1  }
0xa1: {  	s23 =	simm.s32 $0x1B8B  }
0xa2: {  	_ =	swait.ge [sflag:s23], $0x1  }
0xa3: {  	[sflag:s23] =	ssyncset.done $0x0  }
0xa4: {  	s25 =	simm.s32 $0x1B8E;
	s24 =	sld [smem:$0x3FFE];
	[sflag:s23] =	ssyncadd.s32 $0xFFFFFFFF  }
0xa5: {  	s26 =	simm.s32 $execute0_lowered;
	[smem:$0x3FD2] =	sst s25  }
0xa6: {  	s5 =	sshll.u32 s26, $0x1;
	_ =	strace $0x80000046;
	[dreg:$0x1] =	wrdreg $0xFFFFFFFF  }
0xa7: {  	s28 =	simm.s32 $_size_execute0_lowered;
	s3 =	sadd.s32 s3, s5;
	[dreg:$0x0] =	wrdreg $0x0  }
0xa8: {  	s5 =	sshll.u32 s28, $0x1;
	[dreg:$0x2] =	wrdreg s3  }
0xa9: {  	[dreg:$0x3] =	wrdreg s5  }
0xaa: {  	[dreg:$0x4] =	wrdreg $0xC0  }
0xab: {  	_ =	task [dreg:s7], $0x5FFFF  }
0xac: {  	[dreg:$0x1] =	wrdreg $0xFFFFFFFF  }
0xad: {  	[dreg:$0x0] =	wrdreg $0x60  }
0xae: {  	[dreg:$0x2] =	wrdreg s24  }
0xaf: {  	[dreg:$0x3] =	wrdreg s2  }
0xb0: {  	[dreg:$0x4] =	wrdreg $0x9  }
0xb1: {  	_ =	task.clear_ibuf [dreg:s7], $0x5FFFF;
	_ =	strace $0x90000046  }
0xb2: {  	s29 =	simm.s32 $0x9;
	_ =	strace $0x80000048  }
0xb3: {  	_ =	swait.ge [sflag:s29], $0x1  }
0xb4: {  	[sflag:s29] =	ssyncadd.s32 $0xFFFFFFFF  }
0xb5: {  	_ =	strace $0x90000048  }
0xb6: {  	_ =	sfence  }
0xb7: {  	s30 =	sld [smem:$0x0];
	_ =	sdelay $0x2  }
0xb8: {  	s31 =	sshll.u32 s1, $0xD;
	s1 =	sshrl.u32 s1, $0x2  }
0xb9: {  	s3 =	sand.u32 $0x4000, s31;
	s1 =	sadd.s32 s1, s30  }
0xba: {  	s0 =	sor.u32 s3, s0;
	s1 =	sshll.u32 s1, $0x11  }
0xbb: {  	s0 =	sor.u32 s1, s0  }
0xbc: {  	s0 =	sadd.s32 $0x8F2B, s0  }
0xbd: {  	[sflag:s0] =	ssyncadd.remote.s32 $0x1  }
0xbe: {  	_ =	sfence.sel $0xFFFF  }
0xbf: {  	[dreg:$0x0] =	wrdreg $0xFFFFFFFF;
	(pc) =	sbr.abs _section_cstart, $3  }
0xc0: {  	[dreg:$0x1] =	wrdreg $0xFFFFFFFF  }
0xc1: {  	_ =	task.clear_ibuf [dreg:s7], $0x2FFFF;
	_ =	strace $0x9FFFFFFF  }
0xc2: {  	(tm) =	ssettm $0x7FFFFFFF  }
0xc3: {  	_ =	shalt  }
tec
execute0_lowered:
.L_overlay_start_1:
0x0: {  	(tag) =	ssettag $0x1  }
0x1: {  	s0 =	srdreg.scid  }
0x2: {  	s3 =	stileid.u32;
	s0 =	sand.u32 $0x1, s0  }
0x3: {  	s1 =	sshll.u32 s3, $0xA;
	s2 =	sshll.u32 s0, $0x9  }
0x4: {  	s6 =	rddreg [dreg:$0x0];
	s1 =	sor.u32 s2, s1  }
0x5: {  	s4 =	rddreg [dreg:$0x1];
	s3 =	sshrl.u32 s3, $0x2;
	s2 =	sand.u32 $0xE00, s1  }
0x6: {  	s3 =	smul.u32 $0x2A8000, s3;
	s0 =	ssub.s32 $0x2, s0;
	s2 =	sshrl.u32 s2, $0x3  }
0x7: {  	s29 =	simm.s32 $0x80;
	s8 =	sshrl.u32 s0, $0x1;
	s2 =	smul.u32 $0x1400, s2  }
0x8: {  	s5 =	sadd.s32 $0x51000, s6;
	s1 =	sshrl.u32 s1, $0x3;
	s0 =	ssub.s32 s0, s8  }
0x9: {  	s9 =	sadd.s32 s4, s1;
	s3 =	sadd.s32 s3, s2;
	s2 =	simm.s32 $0x0  }
0xa: {  	s8 =	simm.s32 $0x2;
	s24 =	sadd.s32 $0x10, s9;
	[smem:$0x7FF] =	sst s2  }
0xb: {  	s26 =	sadd.s32 $0x20, s9;
	_ =	strace $0x80000047;
	[dreg:$0x4] =	wrdreg s24  }
0xc: {  	s4 =	sadd.s32 $0x1000, s6;
	s7 =	sshrl.u32 s3, $0x3;
	[dreg:$0x6] =	wrdreg s26  }
0xd: {  	s30 =	sadd.s32 $0x30, s9;
	s7 =	sadd.s32 s5, s7;
	[dreg:$0xa] =	wrdreg s9  }
0xe: {  	s3 =	sadd.s32 $0x50000, s3;
	[dreg:$0x8] =	wrdreg s30;
	s23 =	sadd.s32 $0x2800, s7  }
0xf: {  	s3 =	sshrl.u32 s3, $0x3;
	s25 =	sadd.s32 $0x5000, s7;
	[dreg:$0x3] =	wrdreg s23  }
0x10: {  	v2 =	vlaneseq.u32;
	s28 =	sadd.s32 $0x7800, s7;
	s31 =	sadd.s32 s5, s3;
	[dreg:$0x5] =	wrdreg s25  }
0x11: {  	vm0 =	vmmov $0xffff;
	vm1 =	vmmov $0xff;
	v1 =	vshrl.u32 v2, $0x3;
	s5 =	sadd.s32 $0x1100, s6;
	s6 =	sadd.s32 $0x1200, s6;
	[dreg:$0x7] =	wrdreg s28  }
0x12: {  	v0 =	vand.u32 $0x7, v2;
	v2 =	vor.u32 $0x8, v2;
	v1 =	vmul.u32 $0x8, v1;
	s7 =	smax.u32 s0, $0x1;
	s3 =	simm.s32 $0x1;
	[dreg:$0x9] =	wrdreg s31  }
.LBB2_1:
0x13: {  	s10 =	rddreg [dreg:$0xa]  }
0x14: {  	[tilespmem:s2], [sflag:$0x2] =	stream.linear.gather [hbm4b:s10+s2], $0x80, $0x38;
	[tilespmem:$0x14080] =	vst v63  }
0x15: {  	_ =	swait.ge [sflag:s8], $0x80  }
0x16: {  	[sflag:s8] =	ssyncset.done $0x0  }
0x17: {  	[sflag:s8] =	ssyncadd.s32 $0xFFFFFF80  }
0x18: {  	v3 =	vld [tilespmem:$0x0];
	_ =	sdelay $0x4  }
0x19: {  	v4 =	vshrl.u32 v3, $0x3  }
0x1a: {  	v4 =	vmul.u32 $0x28, v4  }
0x1b: {  	v3 =	vand.u32 $0x7, v3  }
0x1c: {  	v3 =	vor.u32 v3, v4  }
0x1d: {  	v4 =	vperm.xlane v3, v0;
	_ =	sdelay $0x1  }
0x1e: {  	v4 =	vadd.s32 v1, v4;
	_ =	sdelay $0x3  }
0x1f: {  	v3 =	vperm.xlane v3, v2  }
0x20: {  	[tilespmem:s29], [sflag:$0x1] =	stream.indirect_vreg.gather [hbm4b:s4+s2], $0x80, v4, vm0, $0xb8;
	[tilespmem:$0x14080] =	vst v63  }
0x21: {  	s0 =	simm.s32 $0x880;
	v3 =	vadd.s32 v1, v3  }
0x22: {  	[tilespmem:s0], [sflag:$0x1] =	stream.indirect_vreg.gather [hbm4b:s5+s2], $0x80, v4, vm0, $0xb8;
	[tilespmem:$0x14080] =	vst v63  }
0x23: {  	s15 =	simm.s32 $0x1080  }
0x24: {  	[tilespmem:s15], [sflag:$0x1] =	stream.indirect_vreg.gather [hbm4b:s6+s2], $0x80, v4, vm1, $0xb8;
	[tilespmem:$0x14080] =	vst v63  }
0x25: {  	s16 =	simm.s32 $0x1480  }
0x26: {  	[tilespmem:s16], [sflag:$0x1] =	stream.indirect_vreg.gather [hbm4b:s4+s2], $0x80, v3, vm0, $0xb8;
	[tilespmem:$0x14080] =	vst v63  }
0x27: {  	s17 =	simm.s32 $0x1C80  }
0x28: {  	[tilespmem:s17], [sflag:$0x1] =	stream.indirect_vreg.gather [hbm4b:s5+s2], $0x80, v3, vm0, $0xb8;
	[tilespmem:$0x14080] =	vst v63  }
0x29: {  	s18 =	simm.s32 $0x2480  }
0x2a: {  	[tilespmem:s18], [sflag:$0x1] =	stream.indirect_vreg.gather [hbm4b:s6+s2], $0x80, v3, vm1, $0xb8;
	[tilespmem:$0x14080] =	vst v63  }
0x2b: {  	v3 =	vld [tilespmem:$0x10];
	_ =	sdelay $0x4  }
0x2c: {  	v33 =	vshrl.u32 v3, $0x3  }
0x2d: {  	v4 =	vmul.u32 $0x28, v33  }
0x2e: {  	v3 =	vand.u32 $0x7, v3  }
0x2f: {  	v3 =	vor.u32 v3, v4  }
0x30: {  	v4 =	vperm.xlane v3, v0;
	_ =	sdelay $0x1  }
0x31: {  	v4 =	vadd.s32 v1, v4;
	_ =	sdelay $0x3  }
0x32: {  	s19 =	simm.s32 $0x2880;
	v3 =	vperm.xlane v3, v2  }
0x33: {  	[tilespmem:s19], [sflag:$0x1] =	stream.indirect_vreg.gather [hbm4b:s4+s2], $0x80, v4, vm0, $0xb8;
	[tilespmem:$0x14080] =	vst v63  }
0x34: {  	s20 =	simm.s32 $0x3080;
	v3 =	vadd.s32 v1, v3  }
0x35: {  	[tilespmem:s20], [sflag:$0x1] =	stream.indirect_vreg.gather [hbm4b:s5+s2], $0x80, v4, vm0, $0xb8;
	[tilespmem:$0x14080] =	vst v63  }
0x36: {  	s21 =	simm.s32 $0x3880  }
0x37: {  	[tilespmem:s21], [sflag:$0x1] =	stream.indirect_vreg.gather [hbm4b:s6+s2], $0x80, v4, vm1, $0xb8;
	[tilespmem:$0x14080] =	vst v63  }
0x38: {  	s22 =	simm.s32 $0x3C80  }
0x39: {  	[tilespmem:s22], [sflag:$0x1] =	stream.indirect_vreg.gather [hbm4b:s4+s2], $0x80, v3, vm0, $0xb8;
	[tilespmem:$0x14080] =	vst v63  }
0x3a: {  	s23 =	simm.s32 $0x4480  }
0x3b: {  	[tilespmem:s23], [sflag:$0x1] =	stream.indirect_vreg.gather [hbm4b:s5+s2], $0x80, v3, vm0, $0xb8;
	[tilespmem:$0x14080] =	vst v63  }
0x3c: {  	s24 =	simm.s32 $0x4C80  }
0x3d: {  	[tilespmem:s24], [sflag:$0x1] =	stream.indirect_vreg.gather [hbm4b:s6+s2], $0x80, v3, vm1, $0xb8;
	[tilespmem:$0x14080] =	vst v63  }
0x3e: {  	v3 =	vld [tilespmem:$0x20];
	_ =	sdelay $0x4  }
0x3f: {  	v34 =	vshrl.u32 v3, $0x3  }
0x40: {  	v4 =	vmul.u32 $0x28, v34  }
0x41: {  	v3 =	vand.u32 $0x7, v3  }
0x42: {  	v3 =	vor.u32 v3, v4  }
0x43: {  	v4 =	vperm.xlane v3, v0;
	_ =	sdelay $0x1  }
0x44: {  	v4 =	vadd.s32 v1, v4;
	_ =	sdelay $0x3  }
0x45: {  	s25 =	simm.s32 $0x5080;
	v3 =	vperm.xlane v3, v2  }
0x46: {  	[tilespmem:s25], [sflag:$0x1] =	stream.indirect_vreg.gather [hbm4b:s4+s2], $0x80, v4, vm0, $0xb8;
	[tilespmem:$0x14080] =	vst v63  }
0x47: {  	s26 =	simm.s32 $0x5880;
	v3 =	vadd.s32 v1, v3  }
0x48: {  	[tilespmem:s26], [sflag:$0x1] =	stream.indirect_vreg.gather [hbm4b:s5+s2], $0x80, v4, vm0, $0xb8;
	[tilespmem:$0x14080] =	vst v63  }
0x49: {  	s28 =	simm.s32 $0x6080  }
0x4a: {  	[tilespmem:s28], [sflag:$0x1] =	stream.indirect_vreg.gather [hbm4b:s6+s2], $0x80, v4, vm1, $0xb8;
	[tilespmem:$0x14080] =	vst v63  }
0x4b: {  	s30 =	simm.s32 $0x6480  }
0x4c: {  	[tilespmem:s30], [sflag:$0x1] =	stream.indirect_vreg.gather [hbm4b:s4+s2], $0x80, v3, vm0, $0xb8;
	[tilespmem:$0x14080] =	vst v63  }
0x4d: {  	s31 =	simm.s32 $0x6C80  }
0x4e: {  	[tilespmem:s31], [sflag:$0x1] =	stream.indirect_vreg.gather [hbm4b:s5+s2], $0x80, v3, vm0, $0xb8;
	[tilespmem:$0x14080] =	vst v63  }
0x4f: {  	s1 =	simm.s32 $0x7480  }
0x50: {  	[tilespmem:s1], [sflag:$0x1] =	stream.indirect_vreg.gather [hbm4b:s6+s2], $0x80, v3, vm1, $0xb8;
	[tilespmem:$0x14080] =	vst v63  }
0x51: {  	v3 =	vld [tilespmem:$0x30];
	_ =	sdelay $0x4  }
0x52: {  	v35 =	vshrl.u32 v3, $0x3  }
0x53: {  	v4 =	vmul.u32 $0x28, v35  }
0x54: {  	v3 =	vand.u32 $0x7, v3  }
0x55: {  	v3 =	vor.u32 v3, v4  }
0x56: {  	v4 =	vperm.xlane v3, v0;
	_ =	sdelay $0x1  }
0x57: {  	v4 =	vadd.s32 v1, v4;
	_ =	sdelay $0x3  }
0x58: {  	s9 =	simm.s32 $0x7880;
	v3 =	vperm.xlane v3, v2  }
0x59: {  	[tilespmem:s9], [sflag:$0x1] =	stream.indirect_vreg.gather [hbm4b:s4+s2], $0x80, v4, vm0, $0xb8;
	[tilespmem:$0x14080] =	vst v63  }
0x5a: {  	s10 =	simm.s32 $0x8080;
	v3 =	vadd.s32 v1, v3  }
0x5b: {  	[tilespmem:s10], [sflag:$0x1] =	stream.indirect_vreg.gather [hbm4b:s5+s2], $0x80, v4, vm0, $0xb8;
	[tilespmem:$0x14080] =	vst v63  }
0x5c: {  	s11 =	simm.s32 $0x8880  }
0x5d: {  	[tilespmem:s11], [sflag:$0x1] =	stream.indirect_vreg.gather [hbm4b:s6+s2], $0x80, v4, vm1, $0xb8;
	[tilespmem:$0x14080] =	vst v63  }
0x5e: {  	s12 =	simm.s32 $0x8C80  }
0x5f: {  	[tilespmem:s12], [sflag:$0x1] =	stream.indirect_vreg.gather [hbm4b:s4+s2], $0x80, v3, vm0, $0xb8;
	[tilespmem:$0x14080] =	vst v63  }
0x60: {  	s15 =	simm.s32 $0x9480  }
0x61: {  	[tilespmem:s15], [sflag:$0x1] =	stream.indirect_vreg.gather [hbm4b:s5+s2], $0x80, v3, vm0, $0xb8;
	[tilespmem:$0x14080] =	vst v63  }
0x62: {  	s16 =	simm.s32 $0x9C80  }
0x63: {  	[tilespmem:s16], [sflag:$0x1] =	stream.indirect_vreg.gather [hbm4b:s6+s2], $0x80, v3, vm1, $0xb8;
	[tilespmem:$0x14080] =	vst v63  }
0x64: {  	v3 =	vld [tilespmem:$0x40];
	_ =	sdelay $0x4  }
0x65: {  	v36 =	vshrl.u32 v3, $0x3  }
0x66: {  	v4 =	vmul.u32 $0x28, v36  }
0x67: {  	v3 =	vand.u32 $0x7, v3  }
0x68: {  	v3 =	vor.u32 v3, v4  }
0x69: {  	v4 =	vperm.xlane v3, v0;
	_ =	sdelay $0x1  }
0x6a: {  	v4 =	vadd.s32 v1, v4;
	_ =	sdelay $0x3  }
0x6b: {  	s19 =	simm.s32 $0xA080;
	v3 =	vperm.xlane v3, v2  }
0x6c: {  	[tilespmem:s19], [sflag:$0x1] =	stream.indirect_vreg.gather [hbm4b:s4+s2], $0x80, v4, vm0, $0xb8;
	[tilespmem:$0x14080] =	vst v63  }
0x6d: {  	s20 =	simm.s32 $0xA880;
	v3 =	vadd.s32 v1, v3  }
0x6e: {  	[tilespmem:s20], [sflag:$0x1] =	stream.indirect_vreg.gather [hbm4b:s5+s2], $0x80, v4, vm0, $0xb8;
	[tilespmem:$0x14080] =	vst v63  }
0x6f: {  	s25 =	simm.s32 $0xB080  }
0x70: {  	[tilespmem:s25], [sflag:$0x1] =	stream.indirect_vreg.gather [hbm4b:s6+s2], $0x80, v4, vm1, $0xb8;
	[tilespmem:$0x14080] =	vst v63  }
0x71: {  	s26 =	simm.s32 $0xB480  }
0x72: {  	[tilespmem:s26], [sflag:$0x1] =	stream.indirect_vreg.gather [hbm4b:s4+s2], $0x80, v3, vm0, $0xb8;
	[tilespmem:$0x14080] =	vst v63  }
0x73: {  	s28 =	simm.s32 $0xBC80  }
0x74: {  	[tilespmem:s28], [sflag:$0x1] =	stream.indirect_vreg.gather [hbm4b:s5+s2], $0x80, v3, vm0, $0xb8;
	[tilespmem:$0x14080] =	vst v63  }
0x75: {  	s30 =	simm.s32 $0xC480  }
0x76: {  	[tilespmem:s30], [sflag:$0x1] =	stream.indirect_vreg.gather [hbm4b:s6+s2], $0x80, v3, vm1, $0xb8;
	[tilespmem:$0x14080] =	vst v63  }
0x77: {  	v3 =	vld [tilespmem:$0x50];
	_ =	sdelay $0x4  }
0x78: {  	v37 =	vshrl.u32 v3, $0x3  }
0x79: {  	v4 =	vmul.u32 $0x28, v37  }
0x7a: {  	v3 =	vand.u32 $0x7, v3  }
0x7b: {  	v3 =	vor.u32 v3, v4  }
0x7c: {  	v4 =	vperm.xlane v3, v0;
	_ =	sdelay $0x1  }
0x7d: {  	v4 =	vadd.s32 v1, v4;
	_ =	sdelay $0x3  }
0x7e: {  	s31 =	simm.s32 $0xC880;
	v3 =	vperm.xlane v3, v2  }
0x7f: {  	[tilespmem:s31], [sflag:$0x1] =	stream.indirect_vreg.gather [hbm4b:s4+s2], $0x80, v4, vm0, $0xb8;
	[tilespmem:$0x14080] =	vst v63  }
0x80: {  	s0 =	simm.s32 $0xD080;
	v3 =	vadd.s32 v1, v3  }
0x81: {  	[tilespmem:s0], [sflag:$0x1] =	stream.indirect_vreg.gather [hbm4b:s5+s2], $0x80, v4, vm0, $0xb8;
	[tilespmem:$0x14080] =	vst v63  }
0x82: {  	s1 =	simm.s32 $0xD880  }
0x83: {  	[tilespmem:s1], [sflag:$0x1] =	stream.indirect_vreg.gather [hbm4b:s6+s2], $0x80, v4, vm1, $0xb8;
	[tilespmem:$0x14080] =	vst v63  }
0x84: {  	s9 =	simm.s32 $0xDC80  }
0x85: {  	[tilespmem:s9], [sflag:$0x1] =	stream.indirect_vreg.gather [hbm4b:s4+s2], $0x80, v3, vm0, $0xb8;
	[tilespmem:$0x14080] =	vst v63  }
0x86: {  	s11 =	simm.s32 $0xE480  }
0x87: {  	[tilespmem:s11], [sflag:$0x1] =	stream.indirect_vreg.gather [hbm4b:s5+s2], $0x80, v3, vm0, $0xb8;
	[tilespmem:$0x14080] =	vst v63  }
0x88: {  	s12 =	simm.s32 $0xEC80  }
0x89: {  	[tilespmem:s12], [sflag:$0x1] =	stream.indirect_vreg.gather [hbm4b:s6+s2], $0x80, v3, vm1, $0xb8;
	[tilespmem:$0x14080] =	vst v63  }
0x8a: {  	v3 =	vld [tilespmem:$0x60];
	_ =	sdelay $0x4  }
0x8b: {  	v38 =	vshrl.u32 v3, $0x3  }
0x8c: {  	v4 =	vmul.u32 $0x28, v38  }
0x8d: {  	v3 =	vand.u32 $0x7, v3  }
0x8e: {  	v3 =	vor.u32 v3, v4  }
0x8f: {  	v4 =	vperm.xlane v3, v0;
	_ =	sdelay $0x1  }
0x90: {  	v4 =	vadd.s32 v1, v4;
	_ =	sdelay $0x3  }
0x91: {  	s15 =	simm.s32 $0xF080;
	v3 =	vperm.xlane v3, v2  }
0x92: {  	[tilespmem:s15], [sflag:$0x1] =	stream.indirect_vreg.gather [hbm4b:s4+s2], $0x80, v4, vm0, $0xb8;
	[tilespmem:$0x14080] =	vst v63  }
0x93: {  	s16 =	simm.s32 $0xF880;
	v3 =	vadd.s32 v1, v3  }
0x94: {  	[tilespmem:s16], [sflag:$0x1] =	stream.indirect_vreg.gather [hbm4b:s5+s2], $0x80, v4, vm0, $0xb8;
	[tilespmem:$0x14080] =	vst v63  }
0x95: {  	s19 =	simm.s32 $0x10080  }
0x96: {  	[tilespmem:s19], [sflag:$0x1] =	stream.indirect_vreg.gather [hbm4b:s6+s2], $0x80, v4, vm1, $0xb8;
	[tilespmem:$0x14080] =	vst v63  }
0x97: {  	s20 =	simm.s32 $0x10480  }
0x98: {  	[tilespmem:s20], [sflag:$0x1] =	stream.indirect_vreg.gather [hbm4b:s4+s2], $0x80, v3, vm0, $0xb8;
	[tilespmem:$0x14080] =	vst v63  }
0x99: {  	s31 =	simm.s32 $0x10C80  }
0x9a: {  	[tilespmem:s31], [sflag:$0x1] =	stream.indirect_vreg.gather [hbm4b:s5+s2], $0x80, v3, vm0, $0xb8;
	[tilespmem:$0x14080] =	vst v63  }
0x9b: {  	s0 =	simm.s32 $0x11480  }
0x9c: {  	[tilespmem:s0], [sflag:$0x1] =	stream.indirect_vreg.gather [hbm4b:s6+s2], $0x80, v3, vm1, $0xb8;
	[tilespmem:$0x14080] =	vst v63  }
0x9d: {  	v3 =	vld [tilespmem:$0x70];
	_ =	sdelay $0x4  }
0x9e: {  	v39 =	vshrl.u32 v3, $0x3  }
0x9f: {  	v4 =	vmul.u32 $0x28, v39  }
0xa0: {  	v3 =	vand.u32 $0x7, v3  }
0xa1: {  	v3 =	vor.u32 v3, v4  }
0xa2: {  	v4 =	vperm.xlane v3, v0;
	_ =	sdelay $0x1  }
0xa3: {  	v4 =	vadd.s32 v1, v4;
	_ =	sdelay $0x3  }
0xa4: {  	s1 =	simm.s32 $0x11880;
	v3 =	vperm.xlane v3, v2  }
0xa5: {  	[tilespmem:s1], [sflag:$0x1] =	stream.indirect_vreg.gather [hbm4b:s4+s2], $0x80, v4, vm0, $0xb8;
	[tilespmem:$0x14080] =	vst v63  }
0xa6: {  	s9 =	simm.s32 $0x12080;
	v3 =	vadd.s32 v1, v3  }
0xa7: {  	[tilespmem:s9], [sflag:$0x1] =	stream.indirect_vreg.gather [hbm4b:s5+s2], $0x80, v4, vm0, $0xb8;
	[tilespmem:$0x14080] =	vst v63  }
0xa8: {  	s11 =	simm.s32 $0x12880  }
0xa9: {  	[tilespmem:s11], [sflag:$0x1] =	stream.indirect_vreg.gather [hbm4b:s6+s2], $0x80, v4, vm1, $0xb8;
	[tilespmem:$0x14080] =	vst v63  }
0xaa: {  	s12 =	simm.s32 $0x12C80  }
0xab: {  	[tilespmem:s12], [sflag:$0x1] =	stream.indirect_vreg.gather [hbm4b:s4+s2], $0x80, v3, vm0, $0xb8;
	[tilespmem:$0x14080] =	vst v63  }
0xac: {  	s15 =	simm.s32 $0x13480  }
0xad: {  	[tilespmem:s15], [sflag:$0x1] =	stream.indirect_vreg.gather [hbm4b:s5+s2], $0x80, v3, vm0, $0xb8;
	[tilespmem:$0x14080] =	vst v63  }
0xae: {  	s16 =	simm.s32 $0x13C80  }
0xaf: {  	[tilespmem:s16], [sflag:$0x1] =	stream.indirect_vreg.gather [hbm4b:s6+s2], $0x80, v3, vm1, $0xb8;
	[tilespmem:$0x14080] =	vst v63  }
0xb0: {  	_ =	swait.ge [sflag:s3], $0x14000  }
0xb1: {  	[sflag:s3] =	ssyncset.done $0x0  }
0xb2: {  	s19 =	rddreg [dreg:$0x3];
	[sflag:s3] =	ssyncadd.s32 $0xFFFEC000  }
0xb3: {  	[hbm4b:s19+s2] =	stream.linear.scatter [tilespmem:s29], [sflag:$0x2], $0x14000, $0x38;
	[tilespmem:$0x14080] =	vst v63  }
0xb4: {  	_ =	swait.ge [sflag:s8], $0x14000  }
0xb5: {  	[sflag:s8] =	ssyncset.done $0x0  }
0xb6: {  	s20 =	rddreg [dreg:$0x4];
	[sflag:s8] =	ssyncadd.s32 $0xFFFEC000  }
0xb7: {  	[tilespmem:s2], [sflag:$0x2] =	stream.linear.gather [hbm4b:s20+s2], $0x80, $0x38;
	[tilespmem:$0x14080] =	vst v63  }
0xb8: {  	_ =	swait.ge [sflag:s8], $0x80  }
0xb9: {  	[sflag:s8] =	ssyncset.done $0x0  }
0xba: {  	[sflag:s8] =	ssyncadd.s32 $0xFFFFFF80  }
0xbb: {  	v3 =	vld [tilespmem:$0x0];
	_ =	sdelay $0x4  }
0xbc: {  	v40 =	vshrl.u32 v3, $0x3  }
0xbd: {  	v4 =	vmul.u32 $0x28, v40  }
0xbe: {  	v3 =	vand.u32 $0x7, v3  }
0xbf: {  	v3 =	vor.u32 v3, v4  }
0xc0: {  	v4 =	vperm.xlane v3, v0;
	_ =	sdelay $0x1  }
0xc1: {  	v4 =	vadd.s32 v1, v4;
	_ =	sdelay $0x3  }
0xc2: {  	v3 =	vperm.xlane v3, v2  }
0xc3: {  	[tilespmem:s29], [sflag:$0x1] =	stream.indirect_vreg.gather [hbm4b:s4+s2], $0x80, v4, vm0, $0xb8;
	[tilespmem:$0x14080] =	vst v63  }
0xc4: {  	s1 =	simm.s32 $0x880;
	v3 =	vadd.s32 v1, v3  }
0xc5: {  	[tilespmem:s1], [sflag:$0x1] =	stream.indirect_vreg.gather [hbm4b:s5+s2], $0x80, v4, vm0, $0xb8;
	[tilespmem:$0x14080] =	vst v63  }
0xc6: {  	s9 =	simm.s32 $0x1080  }
0xc7: {  	[tilespmem:s9], [sflag:$0x1] =	stream.indirect_vreg.gather [hbm4b:s6+s2], $0x80, v4, vm1, $0xb8;
	[tilespmem:$0x14080] =	vst v63  }
0xc8: {  	s11 =	simm.s32 $0x1480  }
0xc9: {  	[tilespmem:s11], [sflag:$0x1] =	stream.indirect_vreg.gather [hbm4b:s4+s2], $0x80, v3, vm0, $0xb8;
	[tilespmem:$0x14080] =	vst v63  }
0xca: {  	s12 =	simm.s32 $0x1C80  }
0xcb: {  	[tilespmem:s12], [sflag:$0x1] =	stream.indirect_vreg.gather [hbm4b:s5+s2], $0x80, v3, vm0, $0xb8;
	[tilespmem:$0x14080] =	vst v63  }
0xcc: {  	s13 =	simm.s32 $0x2480  }
0xcd: {  	[tilespmem:s13], [sflag:$0x1] =	stream.indirect_vreg.gather [hbm4b:s6+s2], $0x80, v3, vm1, $0xb8;
	[tilespmem:$0x14080] =	vst v63  }
0xce: {  	v3 =	vld [tilespmem:$0x10];
	_ =	sdelay $0x4  }
0xcf: {  	v41 =	vshrl.u32 v3, $0x3  }
0xd0: {  	v4 =	vmul.u32 $0x28, v41  }
0xd1: {  	v3 =	vand.u32 $0x7, v3  }
0xd2: {  	v3 =	vor.u32 v3, v4  }
0xd3: {  	v4 =	vperm.xlane v3, v0;
	_ =	sdelay $0x1  }
0xd4: {  	v4 =	vadd.s32 v1, v4;
	_ =	sdelay $0x3  }
0xd5: {  	s14 =	simm.s32 $0x2880;
	v3 =	vperm.xlane v3, v2  }
0xd6: {  	[tilespmem:s14], [sflag:$0x1] =	stream.indirect_vreg.gather [hbm4b:s4+s2], $0x80, v4, vm0, $0xb8;
	[tilespmem:$0x14080] =	vst v63  }
0xd7: {  	s13 =	simm.s32 $0x3080;
	v3 =	vadd.s32 v1, v3  }
0xd8: {  	[tilespmem:s13], [sflag:$0x1] =	stream.indirect_vreg.gather [hbm4b:s5+s2], $0x80, v4, vm0, $0xb8;
	[tilespmem:$0x14080] =	vst v63  }
0xd9: {  	s14 =	simm.s32 $0x3880  }
0xda: {  	[tilespmem:s14], [sflag:$0x1] =	stream.indirect_vreg.gather [hbm4b:s6+s2], $0x80, v4, vm1, $0xb8;
	[tilespmem:$0x14080] =	vst v63  }
0xdb: {  	s15 =	simm.s32 $0x3C80  }
0xdc: {  	[tilespmem:s15], [sflag:$0x1] =	stream.indirect_vreg.gather [hbm4b:s4+s2], $0x80, v3, vm0, $0xb8;
	[tilespmem:$0x14080] =	vst v63  }
0xdd: {  	s16 =	simm.s32 $0x4480  }
0xde: {  	[tilespmem:s16], [sflag:$0x1] =	stream.indirect_vreg.gather [hbm4b:s5+s2], $0x80, v3, vm0, $0xb8;
	[tilespmem:$0x14080] =	vst v63  }
0xdf: {  	s17 =	simm.s32 $0x4C80  }
0xe0: {  	[tilespmem:s17], [sflag:$0x1] =	stream.indirect_vreg.gather [hbm4b:s6+s2], $0x80, v3, vm1, $0xb8;
	[tilespmem:$0x14080] =	vst v63  }
0xe1: {  	v3 =	vld [tilespmem:$0x20];
	_ =	sdelay $0x4  }
0xe2: {  	v42 =	vshrl.u32 v3, $0x3  }
0xe3: {  	v4 =	vmul.u32 $0x28, v42  }
0xe4: {  	v3 =	vand.u32 $0x7, v3  }
0xe5: {  	v3 =	vor.u32 v3, v4  }
0xe6: {  	v4 =	vperm.xlane v3, v0;
	_ =	sdelay $0x1  }
0xe7: {  	v4 =	vadd.s32 v1, v4;
	_ =	sdelay $0x3  }
0xe8: {  	s18 =	simm.s32 $0x5080;
	v3 =	vperm.xlane v3, v2  }
0xe9: {  	[tilespmem:s18], [sflag:$0x1] =	stream.indirect_vreg.gather [hbm4b:s4+s2], $0x80, v4, vm0, $0xb8;
	[tilespmem:$0x14080] =	vst v63  }
0xea: {  	s17 =	simm.s32 $0x5880;
	v3 =	vadd.s32 v1, v3  }
0xeb: {  	[tilespmem:s17], [sflag:$0x1] =	stream.indirect_vreg.gather [hbm4b:s5+s2], $0x80, v4, vm0, $0xb8;
	[tilespmem:$0x14080] =	vst v63  }
0xec: {  	s18 =	simm.s32 $0x6080  }
0xed: {  	[tilespmem:s18], [sflag:$0x1] =	stream.indirect_vreg.gather [hbm4b:s6+s2], $0x80, v4, vm1, $0xb8;
	[tilespmem:$0x14080] =	vst v63  }
0xee: {  	s19 =	simm.s32 $0x6480  }
0xef: {  	[tilespmem:s19], [sflag:$0x1] =	stream.indirect_vreg.gather [hbm4b:s4+s2], $0x80, v3, vm0, $0xb8;
	[tilespmem:$0x14080] =	vst v63  }
0xf0: {  	s20 =	simm.s32 $0x6C80  }
0xf1: {  	[tilespmem:s20], [sflag:$0x1] =	stream.indirect_vreg.gather [hbm4b:s5+s2], $0x80, v3, vm0, $0xb8;
	[tilespmem:$0x14080] =	vst v63  }
0xf2: {  	s21 =	simm.s32 $0x7480  }
0xf3: {  	[tilespmem:s21], [sflag:$0x1] =	stream.indirect_vreg.gather [hbm4b:s6+s2], $0x80, v3, vm1, $0xb8;
	[tilespmem:$0x14080] =	vst v63  }
0xf4: {  	v3 =	vld [tilespmem:$0x30];
	_ =	sdelay $0x4  }
0xf5: {  	v43 =	vshrl.u32 v3, $0x3  }
0xf6: {  	v4 =	vmul.u32 $0x28, v43  }
0xf7: {  	v3 =	vand.u32 $0x7, v3  }
0xf8: {  	v3 =	vor.u32 v3, v4  }
0xf9: {  	v4 =	vperm.xlane v3, v0;
	_ =	sdelay $0x1  }
0xfa: {  	v4 =	vadd.s32 v1, v4;
	_ =	sdelay $0x3  }
0xfb: {  	s22 =	simm.s32 $0x7880;
	v3 =	vperm.xlane v3, v2  }
0xfc: {  	[tilespmem:s22], [sflag:$0x1] =	stream.indirect_vreg.gather [hbm4b:s4+s2], $0x80, v4, vm0, $0xb8;
	[tilespmem:$0x14080] =	vst v63  }
0xfd: {  	s21 =	simm.s32 $0x8080;
	v3 =	vadd.s32 v1, v3  }
0xfe: {  	[tilespmem:s21], [sflag:$0x1] =	stream.indirect_vreg.gather [hbm4b:s5+s2], $0x80, v4, vm0, $0xb8;
	[tilespmem:$0x14080] =	vst v63  }
0xff: {  	s22 =	simm.s32 $0x8880  }
0x100: {  	[tilespmem:s22], [sflag:$0x1] =	stream.indirect_vreg.gather [hbm4b:s6+s2], $0x80, v4, vm1, $0xb8;
	[tilespmem:$0x14080] =	vst v63  }
0x101: {  	s0 =	simm.s32 $0x8C80  }
0x102: {  	[tilespmem:s0], [sflag:$0x1] =	stream.indirect_vreg.gather [hbm4b:s4+s2], $0x80, v3, vm0, $0xb8;
	[tilespmem:$0x14080] =	vst v63  }
0x103: {  	s10 =	simm.s32 $0x9480  }
0x104: {  	[tilespmem:s10], [sflag:$0x1] =	stream.indirect_vreg.gather [hbm4b:s5+s2], $0x80, v3, vm0, $0xb8;
	[tilespmem:$0x14080] =	vst v63  }
0x105: {  	s23 =	simm.s32 $0x9C80  }
0x106: {  	[tilespmem:s23], [sflag:$0x1] =	stream.indirect_vreg.gather [hbm4b:s6+s2], $0x80, v3, vm1, $0xb8;
	[tilespmem:$0x14080] =	vst v63  }
0x107: {  	v3 =	vld [tilespmem:$0x40];
	_ =	sdelay $0x4  }
0x108: {  	v44 =	vshrl.u32 v3, $0x3  }
0x109: {  	v4 =	vmul.u32 $0x28, v44  }
0x10a: {  	v3 =	vand.u32 $0x7, v3  }
0x10b: {  	v3 =	vor.u32 v3, v4  }
0x10c: {  	v4 =	vperm.xlane v3, v0;
	_ =	sdelay $0x1  }
0x10d: {  	v4 =	vadd.s32 v1, v4;
	_ =	sdelay $0x3  }
0x10e: {  	s24 =	simm.s32 $0xA080;
	v3 =	vperm.xlane v3, v2  }
0x10f: {  	[tilespmem:s24], [sflag:$0x1] =	stream.indirect_vreg.gather [hbm4b:s4+s2], $0x80, v4, vm0, $0xb8;
	[tilespmem:$0x14080] =	vst v63  }
0x110: {  	s23 =	simm.s32 $0xA880;
	v3 =	vadd.s32 v1, v3  }
0x111: {  	[tilespmem:s23], [sflag:$0x1] =	stream.indirect_vreg.gather [hbm4b:s5+s2], $0x80, v4, vm0, $0xb8;
	[tilespmem:$0x14080] =	vst v63  }
0x112: {  	s24 =	simm.s32 $0xB080  }
0x113: {  	[tilespmem:s24], [sflag:$0x1] =	stream.indirect_vreg.gather [hbm4b:s6+s2], $0x80, v4, vm1, $0xb8;
	[tilespmem:$0x14080] =	vst v63  }
0x114: {  	s10 =	simm.s32 $0xB480  }
0x115: {  	[tilespmem:s10], [sflag:$0x1] =	stream.indirect_vreg.gather [hbm4b:s4+s2], $0x80, v3, vm0, $0xb8;
	[tilespmem:$0x14080] =	vst v63  }
0x116: {  	s10 =	simm.s32 $0xBC80  }
0x117: {  	[tilespmem:s10], [sflag:$0x1] =	stream.indirect_vreg.gather [hbm4b:s5+s2], $0x80, v3, vm0, $0xb8;
	[tilespmem:$0x14080] =	vst v63  }
0x118: {  	s25 =	simm.s32 $0xC480  }
0x119: {  	[tilespmem:s25], [sflag:$0x1] =	stream.indirect_vreg.gather [hbm4b:s6+s2], $0x80, v3, vm1, $0xb8;
	[tilespmem:$0x14080] =	vst v63  }
0x11a: {  	v3 =	vld [tilespmem:$0x50];
	_ =	sdelay $0x4  }
0x11b: {  	v45 =	vshrl.u32 v3, $0x3  }
0x11c: {  	v4 =	vmul.u32 $0x28, v45  }
0x11d: {  	v3 =	vand.u32 $0x7, v3  }
0x11e: {  	v3 =	vor.u32 v3, v4  }
0x11f: {  	v4 =	vperm.xlane v3, v0;
	_ =	sdelay $0x1  }
0x120: {  	v4 =	vadd.s32 v1, v4;
	_ =	sdelay $0x3  }
0x121: {  	s26 =	simm.s32 $0xC880;
	v3 =	vperm.xlane v3, v2  }
0x122: {  	[tilespmem:s26], [sflag:$0x1] =	stream.indirect_vreg.gather [hbm4b:s4+s2], $0x80, v4, vm0, $0xb8;
	[tilespmem:$0x14080] =	vst v63  }
0x123: {  	s25 =	simm.s32 $0xD080;
	v3 =	vadd.s32 v1, v3  }
0x124: {  	[tilespmem:s25], [sflag:$0x1] =	stream.indirect_vreg.gather [hbm4b:s5+s2], $0x80, v4, vm0, $0xb8;
	[tilespmem:$0x14080] =	vst v63  }
0x125: {  	s26 =	simm.s32 $0xD880  }
0x126: {  	[tilespmem:s26], [sflag:$0x1] =	stream.indirect_vreg.gather [hbm4b:s6+s2], $0x80, v4, vm1, $0xb8;
	[tilespmem:$0x14080] =	vst v63  }
0x127: {  	s25 =	simm.s32 $0xDC80  }
0x128: {  	[tilespmem:s25], [sflag:$0x1] =	stream.indirect_vreg.gather [hbm4b:s4+s2], $0x80, v3, vm0, $0xb8;
	[tilespmem:$0x14080] =	vst v63  }
0x129: {  	s26 =	simm.s32 $0xE480  }
0x12a: {  	[tilespmem:s26], [sflag:$0x1] =	stream.indirect_vreg.gather [hbm4b:s5+s2], $0x80, v3, vm0, $0xb8;
	[tilespmem:$0x14080] =	vst v63  }
0x12b: {  	s28 =	simm.s32 $0xEC80  }
0x12c: {  	[tilespmem:s28], [sflag:$0x1] =	stream.indirect_vreg.gather [hbm4b:s6+s2], $0x80, v3, vm1, $0xb8;
	[tilespmem:$0x14080] =	vst v63  }
0x12d: {  	v3 =	vld [tilespmem:$0x60];
	_ =	sdelay $0x4  }
0x12e: {  	v46 =	vshrl.u32 v3, $0x3  }
0x12f: {  	v4 =	vmul.u32 $0x28, v46  }
0x130: {  	v3 =	vand.u32 $0x7, v3  }
0x131: {  	v3 =	vor.u32 v3, v4  }
0x132: {  	v4 =	vperm.xlane v3, v0;
	_ =	sdelay $0x1  }
0x133: {  	v4 =	vadd.s32 v1, v4;
	_ =	sdelay $0x3  }
0x134: {  	s30 =	simm.s32 $0xF080;
	v3 =	vperm.xlane v3, v2  }
0x135: {  	[tilespmem:s30], [sflag:$0x1] =	stream.indirect_vreg.gather [hbm4b:s4+s2], $0x80, v4, vm0, $0xb8;
	[tilespmem:$0x14080] =	vst v63  }
0x136: {  	s25 =	simm.s32 $0xF880;
	v3 =	vadd.s32 v1, v3  }
0x137: {  	[tilespmem:s25], [sflag:$0x1] =	stream.indirect_vreg.gather [hbm4b:s5+s2], $0x80, v4, vm0, $0xb8;
	[tilespmem:$0x14080] =	vst v63  }
0x138: {  	s26 =	simm.s32 $0x10080  }
0x139: {  	[tilespmem:s26], [sflag:$0x1] =	stream.indirect_vreg.gather [hbm4b:s6+s2], $0x80, v4, vm1, $0xb8;
	[tilespmem:$0x14080] =	vst v63  }
0x13a: {  	s28 =	simm.s32 $0x10480  }
0x13b: {  	[tilespmem:s28], [sflag:$0x1] =	stream.indirect_vreg.gather [hbm4b:s4+s2], $0x80, v3, vm0, $0xb8;
	[tilespmem:$0x14080] =	vst v63  }
0x13c: {  	s30 =	simm.s32 $0x10C80  }
0x13d: {  	[tilespmem:s30], [sflag:$0x1] =	stream.indirect_vreg.gather [hbm4b:s5+s2], $0x80, v3, vm0, $0xb8;
	[tilespmem:$0x14080] =	vst v63  }
0x13e: {  	s31 =	simm.s32 $0x11480  }
0x13f: {  	[tilespmem:s31], [sflag:$0x1] =	stream.indirect_vreg.gather [hbm4b:s6+s2], $0x80, v3, vm1, $0xb8;
	[tilespmem:$0x14080] =	vst v63  }
0x140: {  	v3 =	vld [tilespmem:$0x70];
	_ =	sdelay $0x4  }
0x141: {  	v47 =	vshrl.u32 v3, $0x3  }
0x142: {  	v4 =	vmul.u32 $0x28, v47  }
0x143: {  	v3 =	vand.u32 $0x7, v3  }
0x144: {  	v3 =	vor.u32 v3, v4  }
0x145: {  	v4 =	vperm.xlane v3, v0;
	_ =	sdelay $0x1  }
0x146: {  	v4 =	vadd.s32 v1, v4;
	_ =	sdelay $0x3  }
0x147: {  	s31 =	simm.s32 $0x11880;
	v3 =	vperm.xlane v3, v2  }
0x148: {  	[tilespmem:s31], [sflag:$0x1] =	stream.indirect_vreg.gather [hbm4b:s4+s2], $0x80, v4, vm0, $0xb8;
	[tilespmem:$0x14080] =	vst v63  }
0x149: {  	s25 =	simm.s32 $0x12080;
	v3 =	vadd.s32 v1, v3  }
0x14a: {  	[tilespmem:s25], [sflag:$0x1] =	stream.indirect_vreg.gather [hbm4b:s5+s2], $0x80, v4, vm0, $0xb8;
	[tilespmem:$0x14080] =	vst v63  }
0x14b: {  	s26 =	simm.s32 $0x12880  }
0x14c: {  	[tilespmem:s26], [sflag:$0x1] =	stream.indirect_vreg.gather [hbm4b:s6+s2], $0x80, v4, vm1, $0xb8;
	[tilespmem:$0x14080] =	vst v63  }
0x14d: {  	s28 =	simm.s32 $0x12C80  }
0x14e: {  	[tilespmem:s28], [sflag:$0x1] =	stream.indirect_vreg.gather [hbm4b:s4+s2], $0x80, v3, vm0, $0xb8;
	[tilespmem:$0x14080] =	vst v63  }
0x14f: {  	s30 =	simm.s32 $0x13480  }
0x150: {  	[tilespmem:s30], [sflag:$0x1] =	stream.indirect_vreg.gather [hbm4b:s5+s2], $0x80, v3, vm0, $0xb8;
	[tilespmem:$0x14080] =	vst v63  }
0x151: {  	s31 =	simm.s32 $0x13C80  }
0x152: {  	[tilespmem:s31], [sflag:$0x1] =	stream.indirect_vreg.gather [hbm4b:s6+s2], $0x80, v3, vm1, $0xb8;
	[tilespmem:$0x14080] =	vst v63  }
0x153: {  	_ =	swait.ge [sflag:s3], $0x14000  }
0x154: {  	[sflag:s3] =	ssyncset.done $0x0  }
0x155: {  	s25 =	rddreg [dreg:$0x5];
	[sflag:s3] =	ssyncadd.s32 $0xFFFEC000  }
0x156: {  	[hbm4b:s25+s2] =	stream.linear.scatter [tilespmem:s29], [sflag:$0x2], $0x14000, $0x38;
	[tilespmem:$0x14080] =	vst v63  }
0x157: {  	_ =	swait.ge [sflag:s8], $0x14000  }
0x158: {  	[sflag:s8] =	ssyncset.done $0x0  }
0x159: {  	s26 =	rddreg [dreg:$0x6];
	[sflag:s8] =	ssyncadd.s32 $0xFFFEC000  }
0x15a: {  	[tilespmem:s2], [sflag:$0x2] =	stream.linear.gather [hbm4b:s26+s2], $0x80, $0x38;
	[tilespmem:$0x14080] =	vst v63  }
0x15b: {  	_ =	swait.ge [sflag:s8], $0x80  }
0x15c: {  	[sflag:s8] =	ssyncset.done $0x0  }
0x15d: {  	[sflag:s8] =	ssyncadd.s32 $0xFFFFFF80  }
0x15e: {  	v3 =	vld [tilespmem:$0x0];
	_ =	sdelay $0x4  }
0x15f: {  	v48 =	vshrl.u32 v3, $0x3  }
0x160: {  	v4 =	vmul.u32 $0x28, v48  }
0x161: {  	v3 =	vand.u32 $0x7, v3  }
0x162: {  	v3 =	vor.u32 v3, v4  }
0x163: {  	v4 =	vperm.xlane v3, v0;
	_ =	sdelay $0x1  }
0x164: {  	v4 =	vadd.s32 v1, v4;
	_ =	sdelay $0x3  }
0x165: {  	v3 =	vperm.xlane v3, v2  }
0x166: {  	[tilespmem:s29], [sflag:$0x1] =	stream.indirect_vreg.gather [hbm4b:s4+s2], $0x80, v4, vm0, $0xb8;
	[tilespmem:$0x14080] =	vst v63  }
0x167: {  	v3 =	vadd.s32 v1, v3  }
0x168: {  	[tilespmem:s1], [sflag:$0x1] =	stream.indirect_vreg.gather [hbm4b:s5+s2], $0x80, v4, vm0, $0xb8;
	[tilespmem:$0x14080] =	vst v63  }
0x169: {  	_ = 	snop  }
0x16a: {  	[tilespmem:s9], [sflag:$0x1] =	stream.indirect_vreg.gather [hbm4b:s6+s2], $0x80, v4, vm1, $0xb8;
	[tilespmem:$0x14080] =	vst v63  }
0x16b: {  	_ = 	snop  }
0x16c: {  	[tilespmem:s11], [sflag:$0x1] =	stream.indirect_vreg.gather [hbm4b:s4+s2], $0x80, v3, vm0, $0xb8;
	[tilespmem:$0x14080] =	vst v63  }
0x16d: {  	_ = 	snop  }
0x16e: {  	[tilespmem:s12], [sflag:$0x1] =	stream.indirect_vreg.gather [hbm4b:s5+s2], $0x80, v3, vm0, $0xb8;
	[tilespmem:$0x14080] =	vst v63  }
0x16f: {  	s28 =	simm.s32 $0x2480  }
0x170: {  	[tilespmem:s28], [sflag:$0x1] =	stream.indirect_vreg.gather [hbm4b:s6+s2], $0x80, v3, vm1, $0xb8;
	[tilespmem:$0x14080] =	vst v63  }
0x171: {  	v3 =	vld [tilespmem:$0x10];
	_ =	sdelay $0x4  }
0x172: {  	v49 =	vshrl.u32 v3, $0x3  }
0x173: {  	v4 =	vmul.u32 $0x28, v49  }
0x174: {  	v3 =	vand.u32 $0x7, v3  }
0x175: {  	v3 =	vor.u32 v3, v4  }
0x176: {  	v4 =	vperm.xlane v3, v0;
	_ =	sdelay $0x1  }
0x177: {  	v4 =	vadd.s32 v1, v4;
	_ =	sdelay $0x3  }
0x178: {  	s30 =	simm.s32 $0x2880;
	v3 =	vperm.xlane v3, v2  }
0x179: {  	[tilespmem:s30], [sflag:$0x1] =	stream.indirect_vreg.gather [hbm4b:s4+s2], $0x80, v4, vm0, $0xb8;
	[tilespmem:$0x14080] =	vst v63  }
0x17a: {  	v3 =	vadd.s32 v1, v3  }
0x17b: {  	[tilespmem:s13], [sflag:$0x1] =	stream.indirect_vreg.gather [hbm4b:s5+s2], $0x80, v4, vm0, $0xb8;
	[tilespmem:$0x14080] =	vst v63  }
0x17c: {  	_ = 	snop  }
0x17d: {  	[tilespmem:s14], [sflag:$0x1] =	stream.indirect_vreg.gather [hbm4b:s6+s2], $0x80, v4, vm1, $0xb8;
	[tilespmem:$0x14080] =	vst v63  }
0x17e: {  	_ = 	snop  }
0x17f: {  	[tilespmem:s15], [sflag:$0x1] =	stream.indirect_vreg.gather [hbm4b:s4+s2], $0x80, v3, vm0, $0xb8;
	[tilespmem:$0x14080] =	vst v63  }
0x180: {  	_ = 	snop  }
0x181: {  	[tilespmem:s16], [sflag:$0x1] =	stream.indirect_vreg.gather [hbm4b:s5+s2], $0x80, v3, vm0, $0xb8;
	[tilespmem:$0x14080] =	vst v63  }
0x182: {  	s31 =	simm.s32 $0x4C80  }
0x183: {  	[tilespmem:s31], [sflag:$0x1] =	stream.indirect_vreg.gather [hbm4b:s6+s2], $0x80, v3, vm1, $0xb8;
	[tilespmem:$0x14080] =	vst v63  }
0x184: {  	v3 =	vld [tilespmem:$0x20];
	_ =	sdelay $0x4  }
0x185: {  	v50 =	vshrl.u32 v3, $0x3  }
0x186: {  	v4 =	vmul.u32 $0x28, v50  }
0x187: {  	v3 =	vand.u32 $0x7, v3  }
0x188: {  	v3 =	vor.u32 v3, v4  }
0x189: {  	v4 =	vperm.xlane v3, v0;
	_ =	sdelay $0x1  }
0x18a: {  	v4 =	vadd.s32 v1, v4;
	_ =	sdelay $0x3  }
0x18b: {  	s25 =	simm.s32 $0x5080;
	v3 =	vperm.xlane v3, v2  }
0x18c: {  	[tilespmem:s25], [sflag:$0x1] =	stream.indirect_vreg.gather [hbm4b:s4+s2], $0x80, v4, vm0, $0xb8;
	[tilespmem:$0x14080] =	vst v63  }
0x18d: {  	v3 =	vadd.s32 v1, v3  }
0x18e: {  	[tilespmem:s17], [sflag:$0x1] =	stream.indirect_vreg.gather [hbm4b:s5+s2], $0x80, v4, vm0, $0xb8;
	[tilespmem:$0x14080] =	vst v63  }
0x18f: {  	_ = 	snop  }
0x190: {  	[tilespmem:s18], [sflag:$0x1] =	stream.indirect_vreg.gather [hbm4b:s6+s2], $0x80, v4, vm1, $0xb8;
	[tilespmem:$0x14080] =	vst v63  }
0x191: {  	_ = 	snop  }
0x192: {  	[tilespmem:s19], [sflag:$0x1] =	stream.indirect_vreg.gather [hbm4b:s4+s2], $0x80, v3, vm0, $0xb8;
	[tilespmem:$0x14080] =	vst v63  }
0x193: {  	_ = 	snop  }
0x194: {  	[tilespmem:s20], [sflag:$0x1] =	stream.indirect_vreg.gather [hbm4b:s5+s2], $0x80, v3, vm0, $0xb8;
	[tilespmem:$0x14080] =	vst v63  }
0x195: {  	s26 =	simm.s32 $0x7480  }
0x196: {  	[tilespmem:s26], [sflag:$0x1] =	stream.indirect_vreg.gather [hbm4b:s6+s2], $0x80, v3, vm1, $0xb8;
	[tilespmem:$0x14080] =	vst v63  }
0x197: {  	v3 =	vld [tilespmem:$0x30];
	_ =	sdelay $0x4  }
0x198: {  	v51 =	vshrl.u32 v3, $0x3  }
0x199: {  	v4 =	vmul.u32 $0x28, v51  }
0x19a: {  	v3 =	vand.u32 $0x7, v3  }
0x19b: {  	v3 =	vor.u32 v3, v4  }
0x19c: {  	v4 =	vperm.xlane v3, v0;
	_ =	sdelay $0x1  }
0x19d: {  	v4 =	vadd.s32 v1, v4;
	_ =	sdelay $0x3  }
0x19e: {  	s28 =	simm.s32 $0x7880;
	v3 =	vperm.xlane v3, v2  }
0x19f: {  	[tilespmem:s28], [sflag:$0x1] =	stream.indirect_vreg.gather [hbm4b:s4+s2], $0x80, v4, vm0, $0xb8;
	[tilespmem:$0x14080] =	vst v63  }
0x1a0: {  	v3 =	vadd.s32 v1, v3  }
0x1a1: {  	[tilespmem:s21], [sflag:$0x1] =	stream.indirect_vreg.gather [hbm4b:s5+s2], $0x80, v4, vm0, $0xb8;
	[tilespmem:$0x14080] =	vst v63  }
0x1a2: {  	_ = 	snop  }
0x1a3: {  	[tilespmem:s22], [sflag:$0x1] =	stream.indirect_vreg.gather [hbm4b:s6+s2], $0x80, v4, vm1, $0xb8;
	[tilespmem:$0x14080] =	vst v63  }
0x1a4: {  	_ = 	snop  }
0x1a5: {  	[tilespmem:s0], [sflag:$0x1] =	stream.indirect_vreg.gather [hbm4b:s4+s2], $0x80, v3, vm0, $0xb8;
	[tilespmem:$0x14080] =	vst v63  }
0x1a6: {  	s30 =	simm.s32 $0x9480  }
0x1a7: {  	[tilespmem:s30], [sflag:$0x1] =	stream.indirect_vreg.gather [hbm4b:s5+s2], $0x80, v3, vm0, $0xb8;
	[tilespmem:$0x14080] =	vst v63  }
0x1a8: {  	s31 =	simm.s32 $0x9C80  }
0x1a9: {  	[tilespmem:s31], [sflag:$0x1] =	stream.indirect_vreg.gather [hbm4b:s6+s2], $0x80, v3, vm1, $0xb8;
	[tilespmem:$0x14080] =	vst v63  }
0x1aa: {  	v3 =	vld [tilespmem:$0x40];
	_ =	sdelay $0x4  }
0x1ab: {  	v52 =	vshrl.u32 v3, $0x3  }
0x1ac: {  	v4 =	vmul.u32 $0x28, v52  }
0x1ad: {  	v3 =	vand.u32 $0x7, v3  }
0x1ae: {  	v3 =	vor.u32 v3, v4  }
0x1af: {  	v4 =	vperm.xlane v3, v0;
	_ =	sdelay $0x1  }
0x1b0: {  	v4 =	vadd.s32 v1, v4;
	_ =	sdelay $0x3  }
0x1b1: {  	s25 =	simm.s32 $0xA080;
	v3 =	vperm.xlane v3, v2  }
0x1b2: {  	[tilespmem:s25], [sflag:$0x1] =	stream.indirect_vreg.gather [hbm4b:s4+s2], $0x80, v4, vm0, $0xb8;
	[tilespmem:$0x14080] =	vst v63  }
0x1b3: {  	s23 =	simm.s32 $0xA880;
	v3 =	vadd.s32 v1, v3  }
0x1b4: {  	[tilespmem:s23], [sflag:$0x1] =	stream.indirect_vreg.gather [hbm4b:s5+s2], $0x80, v4, vm0, $0xb8;
	[tilespmem:$0x14080] =	vst v63  }
0x1b5: {  	s24 =	simm.s32 $0xB080  }
0x1b6: {  	[tilespmem:s24], [sflag:$0x1] =	stream.indirect_vreg.gather [hbm4b:s6+s2], $0x80, v4, vm1, $0xb8;
	[tilespmem:$0x14080] =	vst v63  }
0x1b7: {  	s26 =	simm.s32 $0xB480  }
0x1b8: {  	[tilespmem:s26], [sflag:$0x1] =	stream.indirect_vreg.gather [hbm4b:s4+s2], $0x80, v3, vm0, $0xb8;
	[tilespmem:$0x14080] =	vst v63  }
0x1b9: {  	s28 =	simm.s32 $0xBC80  }
0x1ba: {  	[tilespmem:s28], [sflag:$0x1] =	stream.indirect_vreg.gather [hbm4b:s5+s2], $0x80, v3, vm0, $0xb8;
	[tilespmem:$0x14080] =	vst v63  }
0x1bb: {  	s30 =	simm.s32 $0xC480  }
0x1bc: {  	[tilespmem:s30], [sflag:$0x1] =	stream.indirect_vreg.gather [hbm4b:s6+s2], $0x80, v3, vm1, $0xb8;
	[tilespmem:$0x14080] =	vst v63  }
0x1bd: {  	v3 =	vld [tilespmem:$0x50];
	_ =	sdelay $0x4  }
0x1be: {  	v53 =	vshrl.u32 v3, $0x3  }
0x1bf: {  	v4 =	vmul.u32 $0x28, v53  }
0x1c0: {  	v3 =	vand.u32 $0x7, v3  }
0x1c1: {  	v3 =	vor.u32 v3, v4  }
0x1c2: {  	v4 =	vperm.xlane v3, v0;
	_ =	sdelay $0x1  }
0x1c3: {  	v4 =	vadd.s32 v1, v4;
	_ =	sdelay $0x3  }
0x1c4: {  	s31 =	simm.s32 $0xC880;
	v3 =	vperm.xlane v3, v2  }
0x1c5: {  	[tilespmem:s31], [sflag:$0x1] =	stream.indirect_vreg.gather [hbm4b:s4+s2], $0x80, v4, vm0, $0xb8;
	[tilespmem:$0x14080] =	vst v63  }
0x1c6: {  	s28 =	simm.s32 $0xD080;
	v3 =	vadd.s32 v1, v3  }
0x1c7: {  	[tilespmem:s28], [sflag:$0x1] =	stream.indirect_vreg.gather [hbm4b:s5+s2], $0x80, v4, vm0, $0xb8;
	[tilespmem:$0x14080] =	vst v63  }
0x1c8: {  	s30 =	simm.s32 $0xD880  }
0x1c9: {  	[tilespmem:s30], [sflag:$0x1] =	stream.indirect_vreg.gather [hbm4b:s6+s2], $0x80, v4, vm1, $0xb8;
	[tilespmem:$0x14080] =	vst v63  }
0x1ca: {  	s31 =	simm.s32 $0xDC80  }
0x1cb: {  	[tilespmem:s31], [sflag:$0x1] =	stream.indirect_vreg.gather [hbm4b:s4+s2], $0x80, v3, vm0, $0xb8;
	[tilespmem:$0x14080] =	vst v63  }
0x1cc: {  	s10 =	simm.s32 $0xE480  }
0x1cd: {  	[tilespmem:s10], [sflag:$0x1] =	stream.indirect_vreg.gather [hbm4b:s5+s2], $0x80, v3, vm0, $0xb8;
	[tilespmem:$0x14080] =	vst v63  }
0x1ce: {  	s10 =	simm.s32 $0xEC80  }
0x1cf: {  	[tilespmem:s10], [sflag:$0x1] =	stream.indirect_vreg.gather [hbm4b:s6+s2], $0x80, v3, vm1, $0xb8;
	[tilespmem:$0x14080] =	vst v63  }
0x1d0: {  	v3 =	vld [tilespmem:$0x60];
	_ =	sdelay $0x4  }
0x1d1: {  	v54 =	vshrl.u32 v3, $0x3  }
0x1d2: {  	v4 =	vmul.u32 $0x28, v54  }
0x1d3: {  	v3 =	vand.u32 $0x7, v3  }
0x1d4: {  	v3 =	vor.u32 v3, v4  }
0x1d5: {  	v4 =	vperm.xlane v3, v0;
	_ =	sdelay $0x1  }
0x1d6: {  	v4 =	vadd.s32 v1, v4;
	_ =	sdelay $0x3  }
0x1d7: {  	s10 =	simm.s32 $0xF080;
	v3 =	vperm.xlane v3, v2  }
0x1d8: {  	[tilespmem:s10], [sflag:$0x1] =	stream.indirect_vreg.gather [hbm4b:s4+s2], $0x80, v4, vm0, $0xb8;
	[tilespmem:$0x14080] =	vst v63  }
0x1d9: {  	v3 =	vadd.s32 v1, v3;
	s10 =	simm.s32 $0xF880  }
0x1da: {  	[tilespmem:s10], [sflag:$0x1] =	stream.indirect_vreg.gather [hbm4b:s5+s2], $0x80, v4, vm0, $0xb8;
	[tilespmem:$0x14080] =	vst v63  }
0x1db: {  	s10 =	simm.s32 $0x10080  }
0x1dc: {  	[tilespmem:s10], [sflag:$0x1] =	stream.indirect_vreg.gather [hbm4b:s6+s2], $0x80, v4, vm1, $0xb8;
	[tilespmem:$0x14080] =	vst v63  }
0x1dd: {  	s10 =	simm.s32 $0x10480  }
0x1de: {  	[tilespmem:s10], [sflag:$0x1] =	stream.indirect_vreg.gather [hbm4b:s4+s2], $0x80, v3, vm0, $0xb8;
	[tilespmem:$0x14080] =	vst v63  }
0x1df: {  	s10 =	simm.s32 $0x10C80  }
0x1e0: {  	[tilespmem:s10], [sflag:$0x1] =	stream.indirect_vreg.gather [hbm4b:s5+s2], $0x80, v3, vm0, $0xb8;
	[tilespmem:$0x14080] =	vst v63  }
0x1e1: {  	s10 =	simm.s32 $0x11480  }
0x1e2: {  	[tilespmem:s10], [sflag:$0x1] =	stream.indirect_vreg.gather [hbm4b:s6+s2], $0x80, v3, vm1, $0xb8;
	[tilespmem:$0x14080] =	vst v63  }
0x1e3: {  	v3 =	vld [tilespmem:$0x70];
	_ =	sdelay $0x4  }
0x1e4: {  	v55 =	vshrl.u32 v3, $0x3  }
0x1e5: {  	v4 =	vmul.u32 $0x28, v55  }
0x1e6: {  	v3 =	vand.u32 $0x7, v3  }
0x1e7: {  	v3 =	vor.u32 v3, v4  }
0x1e8: {  	v4 =	vperm.xlane v3, v0;
	_ =	sdelay $0x1  }
0x1e9: {  	v4 =	vadd.s32 v1, v4;
	_ =	sdelay $0x3  }
0x1ea: {  	s10 =	simm.s32 $0x11880;
	v3 =	vperm.xlane v3, v2  }
0x1eb: {  	[tilespmem:s10], [sflag:$0x1] =	stream.indirect_vreg.gather [hbm4b:s4+s2], $0x80, v4, vm0, $0xb8;
	[tilespmem:$0x14080] =	vst v63  }
0x1ec: {  	v3 =	vadd.s32 v1, v3;
	s10 =	simm.s32 $0x12080  }
0x1ed: {  	[tilespmem:s10], [sflag:$0x1] =	stream.indirect_vreg.gather [hbm4b:s5+s2], $0x80, v4, vm0, $0xb8;
	[tilespmem:$0x14080] =	vst v63  }
0x1ee: {  	s10 =	simm.s32 $0x12880  }
0x1ef: {  	[tilespmem:s10], [sflag:$0x1] =	stream.indirect_vreg.gather [hbm4b:s6+s2], $0x80, v4, vm1, $0xb8;
	[tilespmem:$0x14080] =	vst v63  }
0x1f0: {  	s10 =	simm.s32 $0x12C80  }
0x1f1: {  	[tilespmem:s10], [sflag:$0x1] =	stream.indirect_vreg.gather [hbm4b:s4+s2], $0x80, v3, vm0, $0xb8;
	[tilespmem:$0x14080] =	vst v63  }
0x1f2: {  	s10 =	simm.s32 $0x13480  }
0x1f3: {  	[tilespmem:s10], [sflag:$0x1] =	stream.indirect_vreg.gather [hbm4b:s5+s2], $0x80, v3, vm0, $0xb8;
	[tilespmem:$0x14080] =	vst v63  }
0x1f4: {  	s10 =	simm.s32 $0x13C80  }
0x1f5: {  	[tilespmem:s10], [sflag:$0x1] =	stream.indirect_vreg.gather [hbm4b:s6+s2], $0x80, v3, vm1, $0xb8;
	[tilespmem:$0x14080] =	vst v63  }
0x1f6: {  	_ =	swait.ge [sflag:s3], $0x14000  }
0x1f7: {  	[sflag:s3] =	ssyncset.done $0x0  }
0x1f8: {  	s10 =	rddreg [dreg:$0x7];
	[sflag:s3] =	ssyncadd.s32 $0xFFFEC000  }
0x1f9: {  	[hbm4b:s10+s2] =	stream.linear.scatter [tilespmem:s29], [sflag:$0x2], $0x14000, $0x38;
	[tilespmem:$0x14080] =	vst v63  }
0x1fa: {  	_ =	swait.ge [sflag:s8], $0x14000  }
0x1fb: {  	[sflag:s8] =	ssyncset.done $0x0  }
0x1fc: {  	s10 =	rddreg [dreg:$0x8];
	[sflag:s8] =	ssyncadd.s32 $0xFFFEC000  }
0x1fd: {  	[tilespmem:s2], [sflag:$0x2] =	stream.linear.gather [hbm4b:s10+s2], $0x80, $0x38;
	[tilespmem:$0x14080] =	vst v63  }
0x1fe: {  	_ =	swait.ge [sflag:s8], $0x80  }
0x1ff: {  	[sflag:s8] =	ssyncset.done $0x0  }
0x200: {  	[sflag:s8] =	ssyncadd.s32 $0xFFFFFF80  }
0x201: {  	v3 =	vld [tilespmem:$0x0];
	_ =	sdelay $0x4  }
0x202: {  	v56 =	vshrl.u32 v3, $0x3  }
0x203: {  	v4 =	vmul.u32 $0x28, v56  }
0x204: {  	v3 =	vand.u32 $0x7, v3  }
0x205: {  	v3 =	vor.u32 v3, v4  }
0x206: {  	v4 =	vperm.xlane v3, v0;
	_ =	sdelay $0x1  }
0x207: {  	v4 =	vadd.s32 v1, v4;
	_ =	sdelay $0x3  }
0x208: {  	v3 =	vperm.xlane v3, v2  }
0x209: {  	[tilespmem:s29], [sflag:$0x1] =	stream.indirect_vreg.gather [hbm4b:s4+s2], $0x80, v4, vm0, $0xb8;
	[tilespmem:$0x14080] =	vst v63  }
0x20a: {  	s1 =	simm.s32 $0x880;
	v3 =	vadd.s32 v1, v3  }
0x20b: {  	[tilespmem:s1], [sflag:$0x1] =	stream.indirect_vreg.gather [hbm4b:s5+s2], $0x80, v4, vm0, $0xb8;
	[tilespmem:$0x14080] =	vst v63  }
0x20c: {  	s9 =	simm.s32 $0x1080  }
0x20d: {  	[tilespmem:s9], [sflag:$0x1] =	stream.indirect_vreg.gather [hbm4b:s6+s2], $0x80, v4, vm1, $0xb8;
	[tilespmem:$0x14080] =	vst v63  }
0x20e: {  	s11 =	simm.s32 $0x1480  }
0x20f: {  	[tilespmem:s11], [sflag:$0x1] =	stream.indirect_vreg.gather [hbm4b:s4+s2], $0x80, v3, vm0, $0xb8;
	[tilespmem:$0x14080] =	vst v63  }
0x210: {  	s12 =	simm.s32 $0x1C80  }
0x211: {  	[tilespmem:s12], [sflag:$0x1] =	stream.indirect_vreg.gather [hbm4b:s5+s2], $0x80, v3, vm0, $0xb8;
	[tilespmem:$0x14080] =	vst v63  }
0x212: {  	s11 =	simm.s32 $0x2480  }
0x213: {  	[tilespmem:s11], [sflag:$0x1] =	stream.indirect_vreg.gather [hbm4b:s6+s2], $0x80, v3, vm1, $0xb8;
	[tilespmem:$0x14080] =	vst v63  }
0x214: {  	v3 =	vld [tilespmem:$0x10];
	_ =	sdelay $0x4  }
0x215: {  	v57 =	vshrl.u32 v3, $0x3  }
0x216: {  	v4 =	vmul.u32 $0x28, v57  }
0x217: {  	v3 =	vand.u32 $0x7, v3  }
0x218: {  	v3 =	vor.u32 v3, v4  }
0x219: {  	v4 =	vperm.xlane v3, v0;
	_ =	sdelay $0x1  }
0x21a: {  	v4 =	vadd.s32 v1, v4;
	_ =	sdelay $0x3  }
0x21b: {  	s12 =	simm.s32 $0x2880;
	v3 =	vperm.xlane v3, v2  }
0x21c: {  	[tilespmem:s12], [sflag:$0x1] =	stream.indirect_vreg.gather [hbm4b:s4+s2], $0x80, v4, vm0, $0xb8;
	[tilespmem:$0x14080] =	vst v63  }
0x21d: {  	s13 =	simm.s32 $0x3080;
	v3 =	vadd.s32 v1, v3  }
0x21e: {  	[tilespmem:s13], [sflag:$0x1] =	stream.indirect_vreg.gather [hbm4b:s5+s2], $0x80, v4, vm0, $0xb8;
	[tilespmem:$0x14080] =	vst v63  }
0x21f: {  	s14 =	simm.s32 $0x3880  }
0x220: {  	[tilespmem:s14], [sflag:$0x1] =	stream.indirect_vreg.gather [hbm4b:s6+s2], $0x80, v4, vm1, $0xb8;
	[tilespmem:$0x14080] =	vst v63  }
0x221: {  	s15 =	simm.s32 $0x3C80  }
0x222: {  	[tilespmem:s15], [sflag:$0x1] =	stream.indirect_vreg.gather [hbm4b:s4+s2], $0x80, v3, vm0, $0xb8;
	[tilespmem:$0x14080] =	vst v63  }
0x223: {  	s16 =	simm.s32 $0x4480  }
0x224: {  	[tilespmem:s16], [sflag:$0x1] =	stream.indirect_vreg.gather [hbm4b:s5+s2], $0x80, v3, vm0, $0xb8;
	[tilespmem:$0x14080] =	vst v63  }
0x225: {  	s15 =	simm.s32 $0x4C80  }
0x226: {  	[tilespmem:s15], [sflag:$0x1] =	stream.indirect_vreg.gather [hbm4b:s6+s2], $0x80, v3, vm1, $0xb8;
	[tilespmem:$0x14080] =	vst v63  }
0x227: {  	v3 =	vld [tilespmem:$0x20];
	_ =	sdelay $0x4  }
0x228: {  	v58 =	vshrl.u32 v3, $0x3  }
0x229: {  	v4 =	vmul.u32 $0x28, v58  }
0x22a: {  	v3 =	vand.u32 $0x7, v3  }
0x22b: {  	v3 =	vor.u32 v3, v4  }
0x22c: {  	v4 =	vperm.xlane v3, v0;
	_ =	sdelay $0x1  }
0x22d: {  	v4 =	vadd.s32 v1, v4;
	_ =	sdelay $0x3  }
0x22e: {  	s16 =	simm.s32 $0x5080;
	v3 =	vperm.xlane v3, v2  }
0x22f: {  	[tilespmem:s16], [sflag:$0x1] =	stream.indirect_vreg.gather [hbm4b:s4+s2], $0x80, v4, vm0, $0xb8;
	[tilespmem:$0x14080] =	vst v63  }
0x230: {  	s17 =	simm.s32 $0x5880;
	v3 =	vadd.s32 v1, v3  }
0x231: {  	[tilespmem:s17], [sflag:$0x1] =	stream.indirect_vreg.gather [hbm4b:s5+s2], $0x80, v4, vm0, $0xb8;
	[tilespmem:$0x14080] =	vst v63  }
0x232: {  	s18 =	simm.s32 $0x6080  }
0x233: {  	[tilespmem:s18], [sflag:$0x1] =	stream.indirect_vreg.gather [hbm4b:s6+s2], $0x80, v4, vm1, $0xb8;
	[tilespmem:$0x14080] =	vst v63  }
0x234: {  	s19 =	simm.s32 $0x6480  }
0x235: {  	[tilespmem:s19], [sflag:$0x1] =	stream.indirect_vreg.gather [hbm4b:s4+s2], $0x80, v3, vm0, $0xb8;
	[tilespmem:$0x14080] =	vst v63  }
0x236: {  	s20 =	simm.s32 $0x6C80  }
0x237: {  	[tilespmem:s20], [sflag:$0x1] =	stream.indirect_vreg.gather [hbm4b:s5+s2], $0x80, v3, vm0, $0xb8;
	[tilespmem:$0x14080] =	vst v63  }
0x238: {  	s20 =	simm.s32 $0x7480  }
0x239: {  	[tilespmem:s20], [sflag:$0x1] =	stream.indirect_vreg.gather [hbm4b:s6+s2], $0x80, v3, vm1, $0xb8;
	[tilespmem:$0x14080] =	vst v63  }
0x23a: {  	v3 =	vld [tilespmem:$0x30];
	_ =	sdelay $0x4  }
0x23b: {  	v59 =	vshrl.u32 v3, $0x3  }
0x23c: {  	v4 =	vmul.u32 $0x28, v59  }
0x23d: {  	v3 =	vand.u32 $0x7, v3  }
0x23e: {  	v3 =	vor.u32 v3, v4  }
0x23f: {  	v4 =	vperm.xlane v3, v0;
	_ =	sdelay $0x1  }
0x240: {  	v4 =	vadd.s32 v1, v4;
	_ =	sdelay $0x3  }
0x241: {  	s9 =	simm.s32 $0x7880;
	v3 =	vperm.xlane v3, v2  }
0x242: {  	[tilespmem:s9], [sflag:$0x1] =	stream.indirect_vreg.gather [hbm4b:s4+s2], $0x80, v4, vm0, $0xb8;
	[tilespmem:$0x14080] =	vst v63  }
0x243: {  	s21 =	simm.s32 $0x8080;
	v3 =	vadd.s32 v1, v3  }
0x244: {  	[tilespmem:s21], [sflag:$0x1] =	stream.indirect_vreg.gather [hbm4b:s5+s2], $0x80, v4, vm0, $0xb8;
	[tilespmem:$0x14080] =	vst v63  }
0x245: {  	s22 =	simm.s32 $0x8880  }
0x246: {  	[tilespmem:s22], [sflag:$0x1] =	stream.indirect_vreg.gather [hbm4b:s6+s2], $0x80, v4, vm1, $0xb8;
	[tilespmem:$0x14080] =	vst v63  }
0x247: {  	s0 =	simm.s32 $0x8C80  }
0x248: {  	[tilespmem:s0], [sflag:$0x1] =	stream.indirect_vreg.gather [hbm4b:s4+s2], $0x80, v3, vm0, $0xb8;
	[tilespmem:$0x14080] =	vst v63  }
0x249: {  	s10 =	simm.s32 $0x9480  }
0x24a: {  	[tilespmem:s10], [sflag:$0x1] =	stream.indirect_vreg.gather [hbm4b:s5+s2], $0x80, v3, vm0, $0xb8;
	[tilespmem:$0x14080] =	vst v63  }
0x24b: {  	s11 =	simm.s32 $0x9C80  }
0x24c: {  	[tilespmem:s11], [sflag:$0x1] =	stream.indirect_vreg.gather [hbm4b:s6+s2], $0x80, v3, vm1, $0xb8;
	[tilespmem:$0x14080] =	vst v63  }
0x24d: {  	v3 =	vld [tilespmem:$0x40];
	_ =	sdelay $0x4  }
0x24e: {  	v60 =	vshrl.u32 v3, $0x3  }
0x24f: {  	v4 =	vmul.u32 $0x28, v60  }
0x250: {  	v3 =	vand.u32 $0x7, v3  }
0x251: {  	v3 =	vor.u32 v3, v4  }
0x252: {  	v4 =	vperm.xlane v3, v0;
	_ =	sdelay $0x1  }
0x253: {  	v4 =	vadd.s32 v1, v4;
	_ =	sdelay $0x3  }
0x254: {  	s12 =	simm.s32 $0xA080;
	v3 =	vperm.xlane v3, v2  }
0x255: {  	[tilespmem:s12], [sflag:$0x1] =	stream.indirect_vreg.gather [hbm4b:s4+s2], $0x80, v4, vm0, $0xb8;
	[tilespmem:$0x14080] =	vst v63  }
0x256: {  	s23 =	simm.s32 $0xA880;
	v3 =	vadd.s32 v1, v3  }
0x257: {  	[tilespmem:s23], [sflag:$0x1] =	stream.indirect_vreg.gather [hbm4b:s5+s2], $0x80, v4, vm0, $0xb8;
	[tilespmem:$0x14080] =	vst v63  }
0x258: {  	s24 =	simm.s32 $0xB080  }
0x259: {  	[tilespmem:s24], [sflag:$0x1] =	stream.indirect_vreg.gather [hbm4b:s6+s2], $0x80, v4, vm1, $0xb8;
	[tilespmem:$0x14080] =	vst v63  }
0x25a: {  	s25 =	simm.s32 $0xB480  }
0x25b: {  	[tilespmem:s25], [sflag:$0x1] =	stream.indirect_vreg.gather [hbm4b:s4+s2], $0x80, v3, vm0, $0xb8;
	[tilespmem:$0x14080] =	vst v63  }
0x25c: {  	s26 =	simm.s32 $0xBC80  }
0x25d: {  	[tilespmem:s26], [sflag:$0x1] =	stream.indirect_vreg.gather [hbm4b:s5+s2], $0x80, v3, vm0, $0xb8;
	[tilespmem:$0x14080] =	vst v63  }
0x25e: {  	s13 =	simm.s32 $0xC480  }
0x25f: {  	[tilespmem:s13], [sflag:$0x1] =	stream.indirect_vreg.gather [hbm4b:s6+s2], $0x80, v3, vm1, $0xb8;
	[tilespmem:$0x14080] =	vst v63  }
0x260: {  	v3 =	vld [tilespmem:$0x50];
	_ =	sdelay $0x4  }
0x261: {  	v61 =	vshrl.u32 v3, $0x3  }
0x262: {  	v4 =	vmul.u32 $0x28, v61  }
0x263: {  	v3 =	vand.u32 $0x7, v3  }
0x264: {  	v3 =	vor.u32 v3, v4  }
0x265: {  	v4 =	vperm.xlane v3, v0;
	_ =	sdelay $0x1  }
0x266: {  	v4 =	vadd.s32 v1, v4;
	_ =	sdelay $0x3  }
0x267: {  	s14 =	simm.s32 $0xC880;
	v3 =	vperm.xlane v3, v2  }
0x268: {  	[tilespmem:s14], [sflag:$0x1] =	stream.indirect_vreg.gather [hbm4b:s4+s2], $0x80, v4, vm0, $0xb8;
	[tilespmem:$0x14080] =	vst v63  }
0x269: {  	s28 =	simm.s32 $0xD080;
	v3 =	vadd.s32 v1, v3  }
0x26a: {  	[tilespmem:s28], [sflag:$0x1] =	stream.indirect_vreg.gather [hbm4b:s5+s2], $0x80, v4, vm0, $0xb8;
	[tilespmem:$0x14080] =	vst v63  }
0x26b: {  	s30 =	simm.s32 $0xD880  }
0x26c: {  	[tilespmem:s30], [sflag:$0x1] =	stream.indirect_vreg.gather [hbm4b:s6+s2], $0x80, v4, vm1, $0xb8;
	[tilespmem:$0x14080] =	vst v63  }
0x26d: {  	s31 =	simm.s32 $0xDC80  }
0x26e: {  	[tilespmem:s31], [sflag:$0x1] =	stream.indirect_vreg.gather [hbm4b:s4+s2], $0x80, v3, vm0, $0xb8;
	[tilespmem:$0x14080] =	vst v63  }
0x26f: {  	s15 =	simm.s32 $0xE480  }
0x270: {  	[tilespmem:s15], [sflag:$0x1] =	stream.indirect_vreg.gather [hbm4b:s5+s2], $0x80, v3, vm0, $0xb8;
	[tilespmem:$0x14080] =	vst v63  }
0x271: {  	s16 =	simm.s32 $0xEC80  }
0x272: {  	[tilespmem:s16], [sflag:$0x1] =	stream.indirect_vreg.gather [hbm4b:s6+s2], $0x80, v3, vm1, $0xb8;
	[tilespmem:$0x14080] =	vst v63  }
0x273: {  	v3 =	vld [tilespmem:$0x60];
	_ =	sdelay $0x4  }
0x274: {  	v62 =	vshrl.u32 v3, $0x3  }
0x275: {  	v4 =	vmul.u32 $0x28, v62  }
0x276: {  	v3 =	vand.u32 $0x7, v3  }
0x277: {  	v3 =	vor.u32 v3, v4  }
0x278: {  	v4 =	vperm.xlane v3, v0;
	_ =	sdelay $0x1  }
0x279: {  	v4 =	vadd.s32 v1, v4;
	_ =	sdelay $0x3  }
0x27a: {  	s17 =	simm.s32 $0xF080;
	v3 =	vperm.xlane v3, v2  }
0x27b: {  	[tilespmem:s17], [sflag:$0x1] =	stream.indirect_vreg.gather [hbm4b:s4+s2], $0x80, v4, vm0, $0xb8;
	[tilespmem:$0x14080] =	vst v63  }
0x27c: {  	s18 =	simm.s32 $0xF880;
	v3 =	vadd.s32 v1, v3  }
0x27d: {  	[tilespmem:s18], [sflag:$0x1] =	stream.indirect_vreg.gather [hbm4b:s5+s2], $0x80, v4, vm0, $0xb8;
	[tilespmem:$0x14080] =	vst v63  }
0x27e: {  	s19 =	simm.s32 $0x10080  }
0x27f: {  	[tilespmem:s19], [sflag:$0x1] =	stream.indirect_vreg.gather [hbm4b:s6+s2], $0x80, v4, vm1, $0xb8;
	[tilespmem:$0x14080] =	vst v63  }
0x280: {  	s20 =	simm.s32 $0x10480  }
0x281: {  	[tilespmem:s20], [sflag:$0x1] =	stream.indirect_vreg.gather [hbm4b:s4+s2], $0x80, v3, vm0, $0xb8;
	[tilespmem:$0x14080] =	vst v63  }
0x282: {  	s21 =	simm.s32 $0x10C80  }
0x283: {  	[tilespmem:s21], [sflag:$0x1] =	stream.indirect_vreg.gather [hbm4b:s5+s2], $0x80, v3, vm0, $0xb8;
	[tilespmem:$0x14080] =	vst v63  }
0x284: {  	s22 =	simm.s32 $0x11480  }
0x285: {  	[tilespmem:s22], [sflag:$0x1] =	stream.indirect_vreg.gather [hbm4b:s6+s2], $0x80, v3, vm1, $0xb8;
	[tilespmem:$0x14080] =	vst v63  }
0x286: {  	v3 =	vld [tilespmem:$0x70];
	_ =	sdelay $0x4  }
0x287: {  	v63 =	vshrl.u32 v3, $0x3  }
0x288: {  	v4 =	vmul.u32 $0x28, v63  }
0x289: {  	v3 =	vand.u32 $0x7, v3  }
0x28a: {  	v3 =	vor.u32 v3, v4  }
0x28b: {  	v4 =	vperm.xlane v3, v0;
	_ =	sdelay $0x1  }
0x28c: {  	v4 =	vadd.s32 v1, v4;
	_ =	sdelay $0x3  }
0x28d: {  	s23 =	simm.s32 $0x11880;
	v3 =	vperm.xlane v3, v2  }
0x28e: {  	[tilespmem:s23], [sflag:$0x1] =	stream.indirect_vreg.gather [hbm4b:s4+s2], $0x80, v4, vm0, $0xb8;
	[tilespmem:$0x14080] =	vst v63  }
0x28f: {  	s24 =	simm.s32 $0x12080;
	v3 =	vadd.s32 v1, v3  }
0x290: {  	[tilespmem:s24], [sflag:$0x1] =	stream.indirect_vreg.gather [hbm4b:s5+s2], $0x80, v4, vm0, $0xb8;
	[tilespmem:$0x14080] =	vst v63  }
0x291: {  	s25 =	simm.s32 $0x12880  }
0x292: {  	[tilespmem:s25], [sflag:$0x1] =	stream.indirect_vreg.gather [hbm4b:s6+s2], $0x80, v4, vm1, $0xb8;
	[tilespmem:$0x14080] =	vst v63  }
0x293: {  	s26 =	simm.s32 $0x12C80  }
0x294: {  	[tilespmem:s26], [sflag:$0x1] =	stream.indirect_vreg.gather [hbm4b:s4+s2], $0x80, v3, vm0, $0xb8;
	[tilespmem:$0x14080] =	vst v63  }
0x295: {  	s28 =	simm.s32 $0x13480  }
0x296: {  	[tilespmem:s28], [sflag:$0x1] =	stream.indirect_vreg.gather [hbm4b:s5+s2], $0x80, v3, vm0, $0xb8;
	[tilespmem:$0x14080] =	vst v63  }
0x297: {  	s30 =	simm.s32 $0x13C80  }
0x298: {  	[tilespmem:s30], [sflag:$0x1] =	stream.indirect_vreg.gather [hbm4b:s6+s2], $0x80, v3, vm1, $0xb8;
	[tilespmem:$0x14080] =	vst v63  }
0x299: {  	_ =	swait.ge [sflag:s3], $0x14000  }
0x29a: {  	p0 =	sne.s32 s7, $0x1;
	[sflag:s3] =	ssyncset.done $0x0  }
.Ltmp0:
0x29b: {  	s31 =	rddreg [dreg:$0x9];
	[sflag:s3] =	ssyncadd.s32 $0xFFFEC000;
	(pc) =	sbr.rel @p0 .LBB2_1-.Ltmp0, $4  }
0x29c: {  	[hbm4b:s31+s2] =	stream.linear.scatter [tilespmem:s29], [sflag:$0x2], $0x14000, $0x38;
	[tilespmem:$0x14080] =	vst v63  }
0x29d: {  	_ =	swait.ge [sflag:s8], $0x14000  }
0x29e: {  	[sflag:s8] =	ssyncset.done $0x0  }
0x29f: {  	s7 =	sadd.s32 $0xFFFFFFFF, s7;
	[sflag:s8] =	ssyncadd.s32 $0xFFFEC000  }
0x2a0: {  	_ =	sfence.sel $0x180000  }
0x2a1: {  	[bflag:$0x0] =	sbarrier.arrive $0xFFFF  }
0x2a2: {  	_ =	strace $0x90000047  }
0x2a3: {  	s0 =	stileid.u32;
	[bflag:$0x2] =	sbarrier.arrive $0xFFFF  }
0x2a4: {  	p0 =	sne.s32 s0, $0x0;
	s0 =	rddreg [dreg:$0x2]  }
0x2a5: {  	s0 =	sadd.s32 @!p0 $0x100000, s0  }
0x2a6: {  	[sflag:s0] =	ssyncadd.tile.s32 @!p0 $0x1;
	_ =	shalt  }
.Lfunc_end2:
_tile_overlayer_lowered:
.L_overlay_start_2:
0x2a7: {  	(tag) =	ssettag $0x2  }
0x2a8: {  	s0 =	rddreg [dreg:$0x0];
	s2 =	stileid.u32  }
0x2a9: {  	s1 =	rddreg [dreg:$0x1];
	p0 =	sne.s32 s2, $0x0  }
0x2aa: {  	s3 =	rddreg [dreg:$0x2];
	[bflag:$0x3] =	sbarrier.arrive $0xFFFF;
	s2 =	simm.s32 @!p0 $0x1C02  }
0x2ab: {  	[timem:s3], [sflag:s2] =	dma.local @!p0 [hbm:s0], s1  }
0x2ac: {  	s0 =	simm.s32 @!p0 $0x2  }
0x2ad: {  	_ =	swait.ge @!p0 [sflag:s0], s1  }
0x2ae: {  	s1 =	ssub.s32 @!p0 $0x0, s1;
	[sflag:s0] =	ssyncset.done @!p0 $0x0  }
0x2af: {  	[sflag:s0] =	ssyncadd.s32 @!p0 s1  }
0x2b0: {  	[bflag:$0x3] =	sbarrier.arrive $0xFFFF  }
0x2b1: {  	_ =	shalt  }

</sc_bundles>
